<compile_context>
chip_gen: v7x
topology: tpu7x:2x2x1
jax: 0.10.2.dev20260603
libtpu: 0.0.44.dev20260713+nightly
codegen_flags: <defaults>
</compile_context>

<pallas_src>
import jax
import jax.numpy as jnp
from jax import lax
from jax.experimental import pallas as pl
from jax.experimental.pallas import tpu as pltpu
from jax.experimental.pallas import tpu_sc as plsc

NC = 2
NS = 16
L = 16

ROWS = 128
COLS = 32768
ROWS_PER_W = ROWS // (NC * NS)
ZCHUNK = 16384
NZ = COLS // ZCHUNK
GROUP = 16
GELEMS = GROUP * L
NGROUPS = COLS // GELEMS


def _hardmax_body(
    logits_hbm, out_hbm, row_buf_a, row_buf_b, row_buf_c, zero_buf, patch_buf,
    sem_z, sem_l
):
    wid = lax.axis_index("s") * NC + lax.axis_index("c")
    base_row = wid * ROWS_PER_W
    lane_iota = lax.iota(jnp.int32, L)
    zeros16 = jnp.zeros((L,), jnp.float32)

    def zbody(g, _):
        base = g * (GROUP * L)
        for j in range(GROUP):
            zero_buf[pl.ds(pl.multiple_of(base + j * L, L), L)] = zeros16
        return 0

    lax.fori_loop(0, ZCHUNK // (GROUP * L), zbody, 0)

    bufs = [row_buf_a, row_buf_b, row_buf_c]

    zcopies = []
    loads = []
    for r in range(ROWS_PER_W):
        row = base_row + r
        if r < 2:
            loads.append(pltpu.async_copy(logits_hbm.at[row], bufs[r % 3], sem_l))
        for k in range(NZ):
            zcopies.append(
                pltpu.async_copy(
                    zero_buf, out_hbm.at[row, pl.ds(k * ZCHUNK, ZCHUNK)], sem_z
                )
            )
    aligned_offsets = []
    for r in range(ROWS_PER_W):
        loads[r].wait()
        if r + 2 < ROWS_PER_W:
            loads.append(
                pltpu.async_copy(
                    logits_hbm.at[base_row + r + 2], bufs[(r + 2) % 3], sem_l
                )
            )
        row_buf = bufs[r % 3]

        def gbody(g, carry):
            maxv, gidxv, gvec = carry
            base = g * GELEMS
            ga = row_buf[pl.ds(pl.multiple_of(base, L), L)]
            gb = row_buf[pl.ds(pl.multiple_of(base + 8 * L, L), L)]
            for j in range(1, 8):
                ga = jnp.maximum(
                    ga, row_buf[pl.ds(pl.multiple_of(base + j * L, L), L)]
                )
                gb = jnp.maximum(
                    gb, row_buf[pl.ds(pl.multiple_of(base + (8 + j) * L, L), L)]
                )
            gm = jnp.maximum(ga, gb)
            m = gm > maxv
            maxv = jnp.maximum(maxv, gm)
            gidxv = jnp.where(m, gvec, gidxv)
            return maxv, gidxv, gvec + 1

        maxv0 = jnp.full((L,), -jnp.inf, jnp.float32)
        gidx0 = jnp.zeros((L,), jnp.int32)
        maxv, gidxv, _ = lax.fori_loop(
            0, NGROUPS, gbody, (maxv0, gidx0, jnp.zeros((L,), jnp.int32))
        )

        gmax = jnp.max(maxv)
        bgroup = jnp.min(jnp.where(maxv == gmax, gidxv, jnp.int32(NGROUPS)))

        gbase = bgroup * GELEMS
        best = jnp.full((L,), COLS, jnp.int32)
        for j in range(GROUP):
            off = pl.multiple_of(gbase + j * L, L)
            v = row_buf[pl.ds(off, L)]
            idx = gbase + j * L + lane_iota
            best = jnp.minimum(best, jnp.where(v == gmax, idx, jnp.int32(COLS)))
        bidx = jnp.min(best)

        lane = lax.rem(bidx, jnp.int32(L))
        aligned_offsets.append(bidx - lane)
        patch_buf[pl.ds(r * L, L)] = jnp.where(
            lane_iota == lane, jnp.float32(1.0), jnp.float32(0.0)
        )

    for c in zcopies:
        c.wait()
    for r in range(ROWS_PER_W):
        row = base_row + r
        off = pl.multiple_of(aligned_offsets[r], L)
        pltpu.sync_copy(patch_buf.at[pl.ds(r * L, L)], out_hbm.at[row, pl.ds(off, L)])


@jax.jit
def kernel(logits):
    mesh = plsc.VectorSubcoreMesh(
        core_axis_name="c", subcore_axis_name="s", num_cores=NC, num_subcores=NS
    )
    run = pl.kernel(
        _hardmax_body,
        out_type=jax.ShapeDtypeStruct((ROWS, COLS), jnp.float32),
        mesh=mesh,
        scratch_types=[
            pltpu.VMEM((COLS,), jnp.float32),
            pltpu.VMEM((COLS,), jnp.float32),
            pltpu.VMEM((COLS,), jnp.float32),
            pltpu.VMEM((ZCHUNK,), jnp.float32),
            pltpu.VMEM((ROWS_PER_W * L,), jnp.float32),
            pltpu.SemaphoreType.DMA,
            pltpu.SemaphoreType.DMA,
        ],
        compiler_params=pltpu.CompilerParams(
            needs_layout_passes=False, skip_device_barrier=True
        ),
    )
    return run(logits)

# --- scband reference (transcript-rebuilt; emitter-appended) ---
"""Pipeline reference for scband-hardmax-39281770889236 (READ-ONLY COPY).

The authoritative reference and input builder live on the scoring server;
editing this copy changes nothing except your own understanding.
"""

import jax, jax.numpy as jnp
import numpy as np

DIM = -1

def setup_inputs(seed: int = 0) -> dict:
    key = jax.random.key(seed)
    logits = jax.random.normal(key, (128, 32768), dtype=jnp.float32)
    return {"logits": logits}

def reference(logits):
    max_index = jnp.argmax(logits, axis=DIM)
    num_classes = logits.shape[DIM]
    return jax.nn.one_hot(max_index, num_classes, dtype=jnp.float32)

if __name__ == "__main__":
    import jax
    _d = setup_inputs()
    print(jax.jit(kernel)(*tuple(_d.values())))

</pallas_src>

<mosaic_0001>
#map = affine_map<(d0, d1) -> (0, 0)>
module attributes {stable_mosaic.version = 14 : i64} {
  func.func @_hardmax_body(%arg0: i32, %arg1: i32, %arg2: memref<128x32768xf32, #tpu.memory_space<hbm>>, %arg3: memref<128x32768xf32, #tpu.memory_space<hbm>>, %arg4: memref<32768xf32, #tpu.memory_space<vmem>>, %arg5: memref<32768xf32, #tpu.memory_space<vmem>>, %arg6: memref<32768xf32, #tpu.memory_space<vmem>>, %arg7: memref<16384xf32, #tpu.memory_space<vmem>>, %arg8: memref<64xf32, #tpu.memory_space<vmem>>, %arg9: memref<!tpu.dma_semaphore, #tpu.memory_space<semaphore_mem>>, %arg10: memref<!tpu.dma_semaphore, #tpu.memory_space<semaphore_mem>>) attributes {dimension_semantics = [#tpu.dimension_semantics<core_parallel>, #tpu.dimension_semantics<subcore_parallel>], iteration_bounds = array<i64: 2, 16>, scalar_prefetch = 0 : i64, scratch_operands = 7 : i64, tpu.core_type = #tpu.core_type<sc_vector_subcore>, window_params = [{transform_indices = #map}, {transform_indices = #map}]} {
    %mul3A = arith.constant 2 : i32
    %mul3A_0 = arith.muli %arg1, %mul3A : i32
    %add3A = arith.addi %mul3A_0, %arg0 : i32
    %mul3A_1 = arith.constant 4 : i32
    %mul3A_2 = arith.muli %add3A, %mul3A_1 : i32
    %iota3A = tpu.iota {dimensions = array<i32: 0>} : vector<16xi32>
    %broadcast_in_dim3A = arith.constant 0.000000e+00 : f32
    %broadcast_in_dim3A_3 = vector.broadcast %broadcast_in_dim3A : f32 to vector<16xf32>
    %scan3A = arith.constant 0 : i32
    %scan3A_4 = arith.constant 0 : i32
    %scan3A_5 = arith.constant 64 : i32
    %scan3A_6 = arith.addi %scan3A_4, %scan3A_5 : i32
    %scan3A_7 = arith.constant 1 : i32
    %scan3A_8 = scf.for %scan3A_1341 = %scan3A_4 to %scan3A_6 step %scan3A_7 iter_args(%scan3A_1342 = %scan3A) -> (i32)  : i32 {
      %mul3A_1343 = arith.constant 256 : i32
      %mul3A_1344 = arith.muli %scan3A_1341, %mul3A_1343 : i32
      %add3A_1345 = arith.constant 0 : i32
      %add3A_1346 = arith.addi %mul3A_1344, %add3A_1345 : i32
      %multiple_of3A_1347 = tpu.assume_multiple %add3A_1346, 16 : i32
      %swap3A_1348 = arith.index_cast %multiple_of3A_1347 : i32 to index
      %swap3A_1349 = tpu.vector_load %arg7[%swap3A_1348] {strides = array<i32>} : memref<16384xf32, #tpu.memory_space<vmem>>, vector<16xf32>,
      tpu.vector_store %arg7[%swap3A_1348], %broadcast_in_dim3A_3 {strides = array<i32>} : memref<16384xf32, #tpu.memory_space<vmem>>, vector<16xf32>,
      %add3A_1350 = arith.constant 16 : i32
      %add3A_1351 = arith.addi %mul3A_1344, %add3A_1350 : i32
      %multiple_of3A_1352 = tpu.assume_multiple %add3A_1351, 16 : i32
      %swap3A_1353 = arith.index_cast %multiple_of3A_1352 : i32 to index
      %swap3A_1354 = tpu.vector_load %arg7[%swap3A_1353] {strides = array<i32>} : memref<16384xf32, #tpu.memory_space<vmem>>, vector<16xf32>,
      tpu.vector_store %arg7[%swap3A_1353], %broadcast_in_dim3A_3 {strides = array<i32>} : memref<16384xf32, #tpu.memory_space<vmem>>, vector<16xf32>,
      %add3A_1355 = arith.constant 32 : i32
      %add3A_1356 = arith.addi %mul3A_1344, %add3A_1355 : i32
      %multiple_of3A_1357 = tpu.assume_multiple %add3A_1356, 16 : i32
      %swap3A_1358 = arith.index_cast %multiple_of3A_1357 : i32 to index
      %swap3A_1359 = tpu.vector_load %arg7[%swap3A_1358] {strides = array<i32>} : memref<16384xf32, #tpu.memory_space<vmem>>, vector<16xf32>,
      tpu.vector_store %arg7[%swap3A_1358], %broadcast_in_dim3A_3 {strides = array<i32>} : memref<16384xf32, #tpu.memory_space<vmem>>, vector<16xf32>,
      %add3A_1360 = arith.constant 48 : i32
      %add3A_1361 = arith.addi %mul3A_1344, %add3A_1360 : i32
      %multiple_of3A_1362 = tpu.assume_multiple %add3A_1361, 16 : i32
      %swap3A_1363 = arith.index_cast %multiple_of3A_1362 : i32 to index
      %swap3A_1364 = tpu.vector_load %arg7[%swap3A_1363] {strides = array<i32>} : memref<16384xf32, #tpu.memory_space<vmem>>, vector<16xf32>,
      tpu.vector_store %arg7[%swap3A_1363], %broadcast_in_dim3A_3 {strides = array<i32>} : memref<16384xf32, #tpu.memory_space<vmem>>, vector<16xf32>,
      %add3A_1365 = arith.constant 64 : i32
      %add3A_1366 = arith.addi %mul3A_1344, %add3A_1365 : i32
      %multiple_of3A_1367 = tpu.assume_multiple %add3A_1366, 16 : i32
      %swap3A_1368 = arith.index_cast %multiple_of3A_1367 : i32 to index
      %swap3A_1369 = tpu.vector_load %arg7[%swap3A_1368] {strides = array<i32>} : memref<16384xf32, #tpu.memory_space<vmem>>, vector<16xf32>,
      tpu.vector_store %arg7[%swap3A_1368], %broadcast_in_dim3A_3 {strides = array<i32>} : memref<16384xf32, #tpu.memory_space<vmem>>, vector<16xf32>,
      %add3A_1370 = arith.constant 80 : i32
      %add3A_1371 = arith.addi %mul3A_1344, %add3A_1370 : i32
      %multiple_of3A_1372 = tpu.assume_multiple %add3A_1371, 16 : i32
      %swap3A_1373 = arith.index_cast %multiple_of3A_1372 : i32 to index
      %swap3A_1374 = tpu.vector_load %arg7[%swap3A_1373] {strides = array<i32>} : memref<16384xf32, #tpu.memory_space<vmem>>, vector<16xf32>,
      tpu.vector_store %arg7[%swap3A_1373], %broadcast_in_dim3A_3 {strides = array<i32>} : memref<16384xf32, #tpu.memory_space<vmem>>, vector<16xf32>,
      %add3A_1375 = arith.constant 96 : i32
      %add3A_1376 = arith.addi %mul3A_1344, %add3A_1375 : i32
      %multiple_of3A_1377 = tpu.assume_multiple %add3A_1376, 16 : i32
      %swap3A_1378 = arith.index_cast %multiple_of3A_1377 : i32 to index
      %swap3A_1379 = tpu.vector_load %arg7[%swap3A_1378] {strides = array<i32>} : memref<16384xf32, #tpu.memory_space<vmem>>, vector<16xf32>,
      tpu.vector_store %arg7[%swap3A_1378], %broadcast_in_dim3A_3 {strides = array<i32>} : memref<16384xf32, #tpu.memory_space<vmem>>, vector<16xf32>,
      %add3A_1380 = arith.constant 112 : i32
      %add3A_1381 = arith.addi %mul3A_1344, %add3A_1380 : i32
      %multiple_of3A_1382 = tpu.assume_multiple %add3A_1381, 16 : i32
      %swap3A_1383 = arith.index_cast %multiple_of3A_1382 : i32 to index
      %swap3A_1384 = tpu.vector_load %arg7[%swap3A_1383] {strides = array<i32>} : memref<16384xf32, #tpu.memory_space<vmem>>, vector<16xf32>,
      tpu.vector_store %arg7[%swap3A_1383], %broadcast_in_dim3A_3 {strides = array<i32>} : memref<16384xf32, #tpu.memory_space<vmem>>, vector<16xf32>,
      %add3A_1385 = arith.constant 128 : i32
      %add3A_1386 = arith.addi %mul3A_1344, %add3A_1385 : i32
      %multiple_of3A_1387 = tpu.assume_multiple %add3A_1386, 16 : i32
      %swap3A_1388 = arith.index_cast %multiple_of3A_1387 : i32 to index
      %swap3A_1389 = tpu.vector_load %arg7[%swap3A_1388] {strides = array<i32>} : memref<16384xf32, #tpu.memory_space<vmem>>, vector<16xf32>,
      tpu.vector_store %arg7[%swap3A_1388], %broadcast_in_dim3A_3 {strides = array<i32>} : memref<16384xf32, #tpu.memory_space<vmem>>, vector<16xf32>,
      %add3A_1390 = arith.constant 144 : i32
      %add3A_1391 = arith.addi %mul3A_1344, %add3A_1390 : i32
      %multiple_of3A_1392 = tpu.assume_multiple %add3A_1391, 16 : i32
      %swap3A_1393 = arith.index_cast %multiple_of3A_1392 : i32 to index
      %swap3A_1394 = tpu.vector_load %arg7[%swap3A_1393] {strides = array<i32>} : memref<16384xf32, #tpu.memory_space<vmem>>, vector<16xf32>,
      tpu.vector_store %arg7[%swap3A_1393], %broadcast_in_dim3A_3 {strides = array<i32>} : memref<16384xf32, #tpu.memory_space<vmem>>, vector<16xf32>,
      %add3A_1395 = arith.constant 160 : i32
      %add3A_1396 = arith.addi %mul3A_1344, %add3A_1395 : i32
      %multiple_of3A_1397 = tpu.assume_multiple %add3A_1396, 16 : i32
      %swap3A_1398 = arith.index_cast %multiple_of3A_1397 : i32 to index
      %swap3A_1399 = tpu.vector_load %arg7[%swap3A_1398] {strides = array<i32>} : memref<16384xf32, #tpu.memory_space<vmem>>, vector<16xf32>,
      tpu.vector_store %arg7[%swap3A_1398], %broadcast_in_dim3A_3 {strides = array<i32>} : memref<16384xf32, #tpu.memory_space<vmem>>, vector<16xf32>,
      %add3A_1400 = arith.constant 176 : i32
      %add3A_1401 = arith.addi %mul3A_1344, %add3A_1400 : i32
      %multiple_of3A_1402 = tpu.assume_multiple %add3A_1401, 16 : i32
      %swap3A_1403 = arith.index_cast %multiple_of3A_1402 : i32 to index
      %swap3A_1404 = tpu.vector_load %arg7[%swap3A_1403] {strides = array<i32>} : memref<16384xf32, #tpu.memory_space<vmem>>, vector<16xf32>,
      tpu.vector_store %arg7[%swap3A_1403], %broadcast_in_dim3A_3 {strides = array<i32>} : memref<16384xf32, #tpu.memory_space<vmem>>, vector<16xf32>,
      %add3A_1405 = arith.constant 192 : i32
      %add3A_1406 = arith.addi %mul3A_1344, %add3A_1405 : i32
      %multiple_of3A_1407 = tpu.assume_multiple %add3A_1406, 16 : i32
      %swap3A_1408 = arith.index_cast %multiple_of3A_1407 : i32 to index
      %swap3A_1409 = tpu.vector_load %arg7[%swap3A_1408] {strides = array<i32>} : memref<16384xf32, #tpu.memory_space<vmem>>, vector<16xf32>,
      tpu.vector_store %arg7[%swap3A_1408], %broadcast_in_dim3A_3 {strides = array<i32>} : memref<16384xf32, #tpu.memory_space<vmem>>, vector<16xf32>,
      %add3A_1410 = arith.constant 208 : i32
      %add3A_1411 = arith.addi %mul3A_1344, %add3A_1410 : i32
      %multiple_of3A_1412 = tpu.assume_multiple %add3A_1411, 16 : i32
      %swap3A_1413 = arith.index_cast %multiple_of3A_1412 : i32 to index
      %swap3A_1414 = tpu.vector_load %arg7[%swap3A_1413] {strides = array<i32>} : memref<16384xf32, #tpu.memory_space<vmem>>, vector<16xf32>,
      tpu.vector_store %arg7[%swap3A_1413], %broadcast_in_dim3A_3 {strides = array<i32>} : memref<16384xf32, #tpu.memory_space<vmem>>, vector<16xf32>,
      %add3A_1415 = arith.constant 224 : i32
      %add3A_1416 = arith.addi %mul3A_1344, %add3A_1415 : i32
      %multiple_of3A_1417 = tpu.assume_multiple %add3A_1416, 16 : i32
      %swap3A_1418 = arith.index_cast %multiple_of3A_1417 : i32 to index
      %swap3A_1419 = tpu.vector_load %arg7[%swap3A_1418] {strides = array<i32>} : memref<16384xf32, #tpu.memory_space<vmem>>, vector<16xf32>,
      tpu.vector_store %arg7[%swap3A_1418], %broadcast_in_dim3A_3 {strides = array<i32>} : memref<16384xf32, #tpu.memory_space<vmem>>, vector<16xf32>,
      %add3A_1420 = arith.constant 240 : i32
      %add3A_1421 = arith.addi %mul3A_1344, %add3A_1420 : i32
      %multiple_of3A_1422 = tpu.assume_multiple %add3A_1421, 16 : i32
      %swap3A_1423 = arith.index_cast %multiple_of3A_1422 : i32 to index
      %swap3A_1424 = tpu.vector_load %arg7[%swap3A_1423] {strides = array<i32>} : memref<16384xf32, #tpu.memory_space<vmem>>, vector<16xf32>,
      tpu.vector_store %arg7[%swap3A_1423], %broadcast_in_dim3A_3 {strides = array<i32>} : memref<16384xf32, #tpu.memory_space<vmem>>, vector<16xf32>,
      %scan3A_1425 = arith.constant 0 : i32
      scf.yield %scan3A_1425 : i32
    }
    %scan3A_9 = arith.constant 64 : i32
    %add3A_10 = arith.constant 0 : i32
    %add3A_11 = arith.addi %mul3A_2, %add3A_10 : i32
    %dma_start3A = arith.constant 0 : i32
    %dma_start3A_12 = tpu.memref_slice %arg2[%add3A_11, %dma_start3A] : memref<128x32768xf32, #tpu.memory_space<hbm>> -> memref<1x32768xf32, #tpu.memory_space<hbm>>
    %dma_start3A_13 = tpu.memref_squeeze %dma_start3A_12 : memref<1x32768xf32, #tpu.memory_space<hbm>> -> memref<32768xf32, #tpu.memory_space<hbm>>
    %dma_start3A_14 = arith.constant 0 : i32
    %dma_start3A_15 = tpu.memref_slice %arg2[%add3A_11, %dma_start3A_14] : memref<128x32768xf32, #tpu.memory_space<hbm>> -> memref<1x32768xf32, #tpu.memory_space<hbm>>
    %dma_start3A_16 = tpu.memref_squeeze %dma_start3A_15 : memref<1x32768xf32, #tpu.memory_space<hbm>> -> memref<32768xf32, #tpu.memory_space<hbm>>
    tpu.enqueue_dma source(%dma_start3A_16 : memref<32768xf32, #tpu.memory_space<hbm>>) target(%arg4 : memref<32768xf32, #tpu.memory_space<vmem>>) target_semaphore(%arg10 : memref<!tpu.dma_semaphore, #tpu.memory_space<semaphore_mem>>)
    %dma_start3A_17 = arith.constant 0 : i32
    %dma_start3A_18 = tpu.memref_slice %arg3[%add3A_11, %dma_start3A_17] : memref<128x32768xf32, #tpu.memory_space<hbm>> -> memref<1x16384xf32, #tpu.memory_space<hbm>>
    %dma_start3A_19 = tpu.memref_squeeze %dma_start3A_18 : memref<1x16384xf32, #tpu.memory_space<hbm>> -> memref<16384xf32, #tpu.memory_space<hbm>>
    %dma_start3A_20 = arith.constant 0 : i32
    %dma_start3A_21 = tpu.memref_slice %arg3[%add3A_11, %dma_start3A_20] : memref<128x32768xf32, #tpu.memory_space<hbm>> -> memref<1x16384xf32, #tpu.memory_space<hbm>>
    %dma_start3A_22 = tpu.memref_squeeze %dma_start3A_21 : memref<1x16384xf32, #tpu.memory_space<hbm>> -> memref<16384xf32, #tpu.memory_space<hbm>>
    tpu.enqueue_dma source(%arg7 : memref<16384xf32, #tpu.memory_space<vmem>>) target(%dma_start3A_22 : memref<16384xf32, #tpu.memory_space<hbm>>) target_semaphore(%arg9 : memref<!tpu.dma_semaphore, #tpu.memory_space<semaphore_mem>>)
    %dma_start3A_23 = arith.constant 16384 : i32
    %dma_start3A_24 = tpu.memref_slice %arg3[%add3A_11, %dma_start3A_23] : memref<128x32768xf32, #tpu.memory_space<hbm>> -> memref<1x16384xf32, #tpu.memory_space<hbm>>
    %dma_start3A_25 = tpu.memref_squeeze %dma_start3A_24 : memref<1x16384xf32, #tpu.memory_space<hbm>> -> memref<16384xf32, #tpu.memory_space<hbm>>
    %dma_start3A_26 = arith.constant 16384 : i32
    %dma_start3A_27 = tpu.memref_slice %arg3[%add3A_11, %dma_start3A_26] : memref<128x32768xf32, #tpu.memory_space<hbm>> -> memref<1x16384xf32, #tpu.memory_space<hbm>>
    %dma_start3A_28 = tpu.memref_squeeze %dma_start3A_27 : memref<1x16384xf32, #tpu.memory_space<hbm>> -> memref<16384xf32, #tpu.memory_space<hbm>>
    tpu.enqueue_dma source(%arg7 : memref<16384xf32, #tpu.memory_space<vmem>>) target(%dma_start3A_28 : memref<16384xf32, #tpu.memory_space<hbm>>) target_semaphore(%arg9 : memref<!tpu.dma_semaphore, #tpu.memory_space<semaphore_mem>>)
    %add3A_29 = arith.constant 1 : i32
    %add3A_30 = arith.addi %mul3A_2, %add3A_29 : i32
    %dma_start3A_31 = arith.constant 0 : i32
    %dma_start3A_32 = tpu.memref_slice %arg2[%add3A_30, %dma_start3A_31] : memref<128x32768xf32, #tpu.memory_space<hbm>> -> memref<1x32768xf32, #tpu.memory_space<hbm>>
    %dma_start3A_33 = tpu.memref_squeeze %dma_start3A_32 : memref<1x32768xf32, #tpu.memory_space<hbm>> -> memref<32768xf32, #tpu.memory_space<hbm>>
    %dma_start3A_34 = arith.constant 0 : i32
    %dma_start3A_35 = tpu.memref_slice %arg2[%add3A_30, %dma_start3A_34] : memref<128x32768xf32, #tpu.memory_space<hbm>> -> memref<1x32768xf32, #tpu.memory_space<hbm>>
    %dma_start3A_36 = tpu.memref_squeeze %dma_start3A_35 : memref<1x32768xf32, #tpu.memory_space<hbm>> -> memref<32768xf32, #tpu.memory_space<hbm>>
    tpu.enqueue_dma source(%dma_start3A_36 : memref<32768xf32, #tpu.memory_space<hbm>>) target(%arg5 : memref<32768xf32, #tpu.memory_space<vmem>>) target_semaphore(%arg10 : memref<!tpu.dma_semaphore, #tpu.memory_space<semaphore_mem>>)
    %dma_start3A_37 = arith.constant 0 : i32
    %dma_start3A_38 = tpu.memref_slice %arg3[%add3A_30, %dma_start3A_37] : memref<128x32768xf32, #tpu.memory_space<hbm>> -> memref<1x16384xf32, #tpu.memory_space<hbm>>
    %dma_start3A_39 = tpu.memref_squeeze %dma_start3A_38 : memref<1x16384xf32, #tpu.memory_space<hbm>> -> memref<16384xf32, #tpu.memory_space<hbm>>
    %dma_start3A_40 = arith.constant 0 : i32
    %dma_start3A_41 = tpu.memref_slice %arg3[%add3A_30, %dma_start3A_40] : memref<128x32768xf32, #tpu.memory_space<hbm>> -> memref<1x16384xf32, #tpu.memory_space<hbm>>
    %dma_start3A_42 = tpu.memref_squeeze %dma_start3A_41 : memref<1x16384xf32, #tpu.memory_space<hbm>> -> memref<16384xf32, #tpu.memory_space<hbm>>
    tpu.enqueue_dma source(%arg7 : memref<16384xf32, #tpu.memory_space<vmem>>) target(%dma_start3A_42 : memref<16384xf32, #tpu.memory_space<hbm>>) target_semaphore(%arg9 : memref<!tpu.dma_semaphore, #tpu.memory_space<semaphore_mem>>)
    %dma_start3A_43 = arith.constant 16384 : i32
    %dma_start3A_44 = tpu.memref_slice %arg3[%add3A_30, %dma_start3A_43] : memref<128x32768xf32, #tpu.memory_space<hbm>> -> memref<1x16384xf32, #tpu.memory_space<hbm>>
    %dma_start3A_45 = tpu.memref_squeeze %dma_start3A_44 : memref<1x16384xf32, #tpu.memory_space<hbm>> -> memref<16384xf32, #tpu.memory_space<hbm>>
    %dma_start3A_46 = arith.constant 16384 : i32
    %dma_start3A_47 = tpu.memref_slice %arg3[%add3A_30, %dma_start3A_46] : memref<128x32768xf32, #tpu.memory_space<hbm>> -> memref<1x16384xf32, #tpu.memory_space<hbm>>
    %dma_start3A_48 = tpu.memref_squeeze %dma_start3A_47 : memref<1x16384xf32, #tpu.memory_space<hbm>> -> memref<16384xf32, #tpu.memory_space<hbm>>
    tpu.enqueue_dma source(%arg7 : memref<16384xf32, #tpu.memory_space<vmem>>) target(%dma_start3A_48 : memref<16384xf32, #tpu.memory_space<hbm>>) target_semaphore(%arg9 : memref<!tpu.dma_semaphore, #tpu.memory_space<semaphore_mem>>)
    %add3A_49 = arith.constant 2 : i32
    %add3A_50 = arith.addi %mul3A_2, %add3A_49 : i32
    %dma_start3A_51 = arith.constant 0 : i32
    %dma_start3A_52 = tpu.memref_slice %arg3[%add3A_50, %dma_start3A_51] : memref<128x32768xf32, #tpu.memory_space<hbm>> -> memref<1x16384xf32, #tpu.memory_space<hbm>>
    %dma_start3A_53 = tpu.memref_squeeze %dma_start3A_52 : memref<1x16384xf32, #tpu.memory_space<hbm>> -> memref<16384xf32, #tpu.memory_space<hbm>>
    %dma_start3A_54 = arith.constant 0 : i32
    %dma_start3A_55 = tpu.memref_slice %arg3[%add3A_50, %dma_start3A_54] : memref<128x32768xf32, #tpu.memory_space<hbm>> -> memref<1x16384xf32, #tpu.memory_space<hbm>>
    %dma_start3A_56 = tpu.memref_squeeze %dma_start3A_55 : memref<1x16384xf32, #tpu.memory_space<hbm>> -> memref<16384xf32, #tpu.memory_space<hbm>>
    tpu.enqueue_dma source(%arg7 : memref<16384xf32, #tpu.memory_space<vmem>>) target(%dma_start3A_56 : memref<16384xf32, #tpu.memory_space<hbm>>) target_semaphore(%arg9 : memref<!tpu.dma_semaphore, #tpu.memory_space<semaphore_mem>>)
    %dma_start3A_57 = arith.constant 16384 : i32
    %dma_start3A_58 = tpu.memref_slice %arg3[%add3A_50, %dma_start3A_57] : memref<128x32768xf32, #tpu.memory_space<hbm>> -> memref<1x16384xf32, #tpu.memory_space<hbm>>
    %dma_start3A_59 = tpu.memref_squeeze %dma_start3A_58 : memref<1x16384xf32, #tpu.memory_space<hbm>> -> memref<16384xf32, #tpu.memory_space<hbm>>
    %dma_start3A_60 = arith.constant 16384 : i32
    %dma_start3A_61 = tpu.memref_slice %arg3[%add3A_50, %dma_start3A_60] : memref<128x32768xf32, #tpu.memory_space<hbm>> -> memref<1x16384xf32, #tpu.memory_space<hbm>>
    %dma_start3A_62 = tpu.memref_squeeze %dma_start3A_61 : memref<1x16384xf32, #tpu.memory_space<hbm>> -> memref<16384xf32, #tpu.memory_space<hbm>>
    tpu.enqueue_dma source(%arg7 : memref<16384xf32, #tpu.memory_space<vmem>>) target(%dma_start3A_62 : memref<16384xf32, #tpu.memory_space<hbm>>) target_semaphore(%arg9 : memref<!tpu.dma_semaphore, #tpu.memory_space<semaphore_mem>>)
    %add3A_63 = arith.constant 3 : i32
    %add3A_64 = arith.addi %mul3A_2, %add3A_63 : i32
    %dma_start3A_65 = arith.constant 0 : i32
    %dma_start3A_66 = tpu.memref_slice %arg3[%add3A_64, %dma_start3A_65] : memref<128x32768xf32, #tpu.memory_space<hbm>> -> memref<1x16384xf32, #tpu.memory_space<hbm>>
    %dma_start3A_67 = tpu.memref_squeeze %dma_start3A_66 : memref<1x16384xf32, #tpu.memory_space<hbm>> -> memref<16384xf32, #tpu.memory_space<hbm>>
    %dma_start3A_68 = arith.constant 0 : i32
    %dma_start3A_69 = tpu.memref_slice %arg3[%add3A_64, %dma_start3A_68] : memref<128x32768xf32, #tpu.memory_space<hbm>> -> memref<1x16384xf32, #tpu.memory_space<hbm>>
    %dma_start3A_70 = tpu.memref_squeeze %dma_start3A_69 : memref<1x16384xf32, #tpu.memory_space<hbm>> -> memref<16384xf32, #tpu.memory_space<hbm>>
    tpu.enqueue_dma source(%arg7 : memref<16384xf32, #tpu.memory_space<vmem>>) target(%dma_start3A_70 : memref<16384xf32, #tpu.memory_space<hbm>>) target_semaphore(%arg9 : memref<!tpu.dma_semaphore, #tpu.memory_space<semaphore_mem>>)
    %dma_start3A_71 = arith.constant 16384 : i32
    %dma_start3A_72 = tpu.memref_slice %arg3[%add3A_64, %dma_start3A_71] : memref<128x32768xf32, #tpu.memory_space<hbm>> -> memref<1x16384xf32, #tpu.memory_space<hbm>>
    %dma_start3A_73 = tpu.memref_squeeze %dma_start3A_72 : memref<1x16384xf32, #tpu.memory_space<hbm>> -> memref<16384xf32, #tpu.memory_space<hbm>>
    %dma_start3A_74 = arith.constant 16384 : i32
    %dma_start3A_75 = tpu.memref_slice %arg3[%add3A_64, %dma_start3A_74] : memref<128x32768xf32, #tpu.memory_space<hbm>> -> memref<1x16384xf32, #tpu.memory_space<hbm>>
    %dma_start3A_76 = tpu.memref_squeeze %dma_start3A_75 : memref<1x16384xf32, #tpu.memory_space<hbm>> -> memref<16384xf32, #tpu.memory_space<hbm>>
    tpu.enqueue_dma source(%arg7 : memref<16384xf32, #tpu.memory_space<vmem>>) target(%dma_start3A_76 : memref<16384xf32, #tpu.memory_space<hbm>>) target_semaphore(%arg9 : memref<!tpu.dma_semaphore, #tpu.memory_space<semaphore_mem>>)
    %dma_wait3A = arith.constant 0 : i32
    %dma_wait3A_77 = tpu.memref_slice %arg2[%add3A_11, %dma_wait3A] : memref<128x32768xf32, #tpu.memory_space<hbm>> -> memref<1x32768xf32, #tpu.memory_space<hbm>>
    %dma_wait3A_78 = tpu.memref_squeeze %dma_wait3A_77 : memref<1x32768xf32, #tpu.memory_space<hbm>> -> memref<32768xf32, #tpu.memory_space<hbm>>
    %dma_wait3A_79 = arith.constant 0 : i32
    %dma_wait3A_80 = tpu.memref_slice %arg2[%add3A_11, %dma_wait3A_79] : memref<128x32768xf32, #tpu.memory_space<hbm>> -> memref<1x32768xf32, #tpu.memory_space<hbm>>
    %dma_wait3A_81 = tpu.memref_squeeze %dma_wait3A_80 : memref<1x32768xf32, #tpu.memory_space<hbm>> -> memref<32768xf32, #tpu.memory_space<hbm>>
    tpu.wait_dma2 semaphore(%arg10 : memref<!tpu.dma_semaphore, #tpu.memory_space<semaphore_mem>>) src(%dma_wait3A_81 : memref<32768xf32, #tpu.memory_space<hbm>>) dst(%arg4 : memref<32768xf32, #tpu.memory_space<vmem>>)
    %add3A_82 = arith.constant 0 : i32
    %add3A_83 = arith.addi %mul3A_2, %add3A_82 : i32
    %add3A_84 = arith.constant 2 : i32
    %add3A_85 = arith.addi %add3A_83, %add3A_84 : i32
    %dma_start3A_86 = arith.constant 0 : i32
    %dma_start3A_87 = tpu.memref_slice %arg2[%add3A_85, %dma_start3A_86] : memref<128x32768xf32, #tpu.memory_space<hbm>> -> memref<1x32768xf32, #tpu.memory_space<hbm>>
    %dma_start3A_88 = tpu.memref_squeeze %dma_start3A_87 : memref<1x32768xf32, #tpu.memory_space<hbm>> -> memref<32768xf32, #tpu.memory_space<hbm>>
    %dma_start3A_89 = arith.constant 0 : i32
    %dma_start3A_90 = tpu.memref_slice %arg2[%add3A_85, %dma_start3A_89] : memref<128x32768xf32, #tpu.memory_space<hbm>> -> memref<1x32768xf32, #tpu.memory_space<hbm>>
    %dma_start3A_91 = tpu.memref_squeeze %dma_start3A_90 : memref<1x32768xf32, #tpu.memory_space<hbm>> -> memref<32768xf32, #tpu.memory_space<hbm>>
    tpu.enqueue_dma source(%dma_start3A_91 : memref<32768xf32, #tpu.memory_space<hbm>>) target(%arg6 : memref<32768xf32, #tpu.memory_space<vmem>>) target_semaphore(%arg10 : memref<!tpu.dma_semaphore, #tpu.memory_space<semaphore_mem>>)
    %broadcast_in_dim3A_92 = arith.constant 0xFF800000 : f32
    %broadcast_in_dim3A_93 = vector.broadcast %broadcast_in_dim3A_92 : f32 to vector<16xf32>
    %broadcast_in_dim3A_94 = arith.constant 0 : i32
    %broadcast_in_dim3A_95 = vector.broadcast %broadcast_in_dim3A_94 : i32 to vector<16xi32>
    %broadcast_in_dim3A_96 = arith.constant 0 : i32
    %broadcast_in_dim3A_97 = vector.broadcast %broadcast_in_dim3A_96 : i32 to vector<16xi32>
    %scan3A_98 = arith.constant 0 : i32
    %scan3A_99 = arith.constant 128 : i32
    %scan3A_100 = arith.addi %scan3A_98, %scan3A_99 : i32
    %scan3A_101 = arith.constant 1 : i32
    %scan3A_102:3 = scf.for %scan3A_1341 = %scan3A_98 to %scan3A_100 step %scan3A_101 iter_args(%scan3A_1342 = %broadcast_in_dim3A_93, %scan3A_1343 = %broadcast_in_dim3A_95, %scan3A_1344 = %broadcast_in_dim3A_97) -> (vector<16xf32>, vector<16xi32>, vector<16xi32>)  : i32 {
      %mul3A_1345 = arith.constant 256 : i32
      %mul3A_1346 = arith.muli %scan3A_1341, %mul3A_1345 : i32
      %multiple_of3A_1347 = tpu.assume_multiple %mul3A_1346, 16 : i32
      %get3A_1348 = arith.index_cast %multiple_of3A_1347 : i32 to index
      %get3A_1349 = tpu.vector_load %arg4[%get3A_1348] {strides = array<i32>} : memref<32768xf32, #tpu.memory_space<vmem>>, vector<16xf32>,
      %add3A_1350 = arith.constant 128 : i32
      %add3A_1351 = arith.addi %mul3A_1346, %add3A_1350 : i32
      %multiple_of3A_1352 = tpu.assume_multiple %add3A_1351, 16 : i32
      %get3A_1353 = arith.index_cast %multiple_of3A_1352 : i32 to index
      %get3A_1354 = tpu.vector_load %arg4[%get3A_1353] {strides = array<i32>} : memref<32768xf32, #tpu.memory_space<vmem>>, vector<16xf32>,
      %add3A_1355 = arith.constant 16 : i32
      %add3A_1356 = arith.addi %mul3A_1346, %add3A_1355 : i32
      %multiple_of3A_1357 = tpu.assume_multiple %add3A_1356, 16 : i32
      %get3A_1358 = arith.index_cast %multiple_of3A_1357 : i32 to index
      %get3A_1359 = tpu.vector_load %arg4[%get3A_1358] {strides = array<i32>} : memref<32768xf32, #tpu.memory_space<vmem>>, vector<16xf32>,
      %max3A = arith.maximumf %get3A_1349, %get3A_1359 : vector<16xf32>
      %add3A_1360 = arith.constant 144 : i32
      %add3A_1361 = arith.addi %mul3A_1346, %add3A_1360 : i32
      %multiple_of3A_1362 = tpu.assume_multiple %add3A_1361, 16 : i32
      %get3A_1363 = arith.index_cast %multiple_of3A_1362 : i32 to index
      %get3A_1364 = tpu.vector_load %arg4[%get3A_1363] {strides = array<i32>} : memref<32768xf32, #tpu.memory_space<vmem>>, vector<16xf32>,
      %max3A_1365 = arith.maximumf %get3A_1354, %get3A_1364 : vector<16xf32>
      %add3A_1366 = arith.constant 32 : i32
      %add3A_1367 = arith.addi %mul3A_1346, %add3A_1366 : i32
      %multiple_of3A_1368 = tpu.assume_multiple %add3A_1367, 16 : i32
      %get3A_1369 = arith.index_cast %multiple_of3A_1368 : i32 to index
      %get3A_1370 = tpu.vector_load %arg4[%get3A_1369] {strides = array<i32>} : memref<32768xf32, #tpu.memory_space<vmem>>, vector<16xf32>,
      %max3A_1371 = arith.maximumf %max3A, %get3A_1370 : vector<16xf32>
      %add3A_1372 = arith.constant 160 : i32
      %add3A_1373 = arith.addi %mul3A_1346, %add3A_1372 : i32
      %multiple_of3A_1374 = tpu.assume_multiple %add3A_1373, 16 : i32
      %get3A_1375 = arith.index_cast %multiple_of3A_1374 : i32 to index
      %get3A_1376 = tpu.vector_load %arg4[%get3A_1375] {strides = array<i32>} : memref<32768xf32, #tpu.memory_space<vmem>>, vector<16xf32>,
      %max3A_1377 = arith.maximumf %max3A_1365, %get3A_1376 : vector<16xf32>
      %add3A_1378 = arith.constant 48 : i32
      %add3A_1379 = arith.addi %mul3A_1346, %add3A_1378 : i32
      %multiple_of3A_1380 = tpu.assume_multiple %add3A_1379, 16 : i32
      %get3A_1381 = arith.index_cast %multiple_of3A_1380 : i32 to index
      %get3A_1382 = tpu.vector_load %arg4[%get3A_1381] {strides = array<i32>} : memref<32768xf32, #tpu.memory_space<vmem>>, vector<16xf32>,
      %max3A_1383 = arith.maximumf %max3A_1371, %get3A_1382 : vector<16xf32>
      %add3A_1384 = arith.constant 176 : i32
      %add3A_1385 = arith.addi %mul3A_1346, %add3A_1384 : i32
      %multiple_of3A_1386 = tpu.assume_multiple %add3A_1385, 16 : i32
      %get3A_1387 = arith.index_cast %multiple_of3A_1386 : i32 to index
      %get3A_1388 = tpu.vector_load %arg4[%get3A_1387] {strides = array<i32>} : memref<32768xf32, #tpu.memory_space<vmem>>, vector<16xf32>,
      %max3A_1389 = arith.maximumf %max3A_1377, %get3A_1388 : vector<16xf32>
      %add3A_1390 = arith.constant 64 : i32
      %add3A_1391 = arith.addi %mul3A_1346, %add3A_1390 : i32
      %multiple_of3A_1392 = tpu.assume_multiple %add3A_1391, 16 : i32
      %get3A_1393 = arith.index_cast %multiple_of3A_1392 : i32 to index
      %get3A_1394 = tpu.vector_load %arg4[%get3A_1393] {strides = array<i32>} : memref<32768xf32, #tpu.memory_space<vmem>>, vector<16xf32>,
      %max3A_1395 = arith.maximumf %max3A_1383, %get3A_1394 : vector<16xf32>
      %add3A_1396 = arith.constant 192 : i32
      %add3A_1397 = arith.addi %mul3A_1346, %add3A_1396 : i32
      %multiple_of3A_1398 = tpu.assume_multiple %add3A_1397, 16 : i32
      %get3A_1399 = arith.index_cast %multiple_of3A_1398 : i32 to index
      %get3A_1400 = tpu.vector_load %arg4[%get3A_1399] {strides = array<i32>} : memref<32768xf32, #tpu.memory_space<vmem>>, vector<16xf32>,
      %max3A_1401 = arith.maximumf %max3A_1389, %get3A_1400 : vector<16xf32>
      %add3A_1402 = arith.constant 80 : i32
      %add3A_1403 = arith.addi %mul3A_1346, %add3A_1402 : i32
      %multiple_of3A_1404 = tpu.assume_multiple %add3A_1403, 16 : i32
      %get3A_1405 = arith.index_cast %multiple_of3A_1404 : i32 to index
      %get3A_1406 = tpu.vector_load %arg4[%get3A_1405] {strides = array<i32>} : memref<32768xf32, #tpu.memory_space<vmem>>, vector<16xf32>,
      %max3A_1407 = arith.maximumf %max3A_1395, %get3A_1406 : vector<16xf32>
      %add3A_1408 = arith.constant 208 : i32
      %add3A_1409 = arith.addi %mul3A_1346, %add3A_1408 : i32
      %multiple_of3A_1410 = tpu.assume_multiple %add3A_1409, 16 : i32
      %get3A_1411 = arith.index_cast %multiple_of3A_1410 : i32 to index
      %get3A_1412 = tpu.vector_load %arg4[%get3A_1411] {strides = array<i32>} : memref<32768xf32, #tpu.memory_space<vmem>>, vector<16xf32>,
      %max3A_1413 = arith.maximumf %max3A_1401, %get3A_1412 : vector<16xf32>
      %add3A_1414 = arith.constant 96 : i32
      %add3A_1415 = arith.addi %mul3A_1346, %add3A_1414 : i32
      %multiple_of3A_1416 = tpu.assume_multiple %add3A_1415, 16 : i32
      %get3A_1417 = arith.index_cast %multiple_of3A_1416 : i32 to index
      %get3A_1418 = tpu.vector_load %arg4[%get3A_1417] {strides = array<i32>} : memref<32768xf32, #tpu.memory_space<vmem>>, vector<16xf32>,
      %max3A_1419 = arith.maximumf %max3A_1407, %get3A_1418 : vector<16xf32>
      %add3A_1420 = arith.constant 224 : i32
      %add3A_1421 = arith.addi %mul3A_1346, %add3A_1420 : i32
      %multiple_of3A_1422 = tpu.assume_multiple %add3A_1421, 16 : i32
      %get3A_1423 = arith.index_cast %multiple_of3A_1422 : i32 to index
      %get3A_1424 = tpu.vector_load %arg4[%get3A_1423] {strides = array<i32>} : memref<32768xf32, #tpu.memory_space<vmem>>, vector<16xf32>,
      %max3A_1425 = arith.maximumf %max3A_1413, %get3A_1424 : vector<16xf32>
      %add3A_1426 = arith.constant 112 : i32
      %add3A_1427 = arith.addi %mul3A_1346, %add3A_1426 : i32
      %multiple_of3A_1428 = tpu.assume_multiple %add3A_1427, 16 : i32
      %get3A_1429 = arith.index_cast %multiple_of3A_1428 : i32 to index
      %get3A_1430 = tpu.vector_load %arg4[%get3A_1429] {strides = array<i32>} : memref<32768xf32, #tpu.memory_space<vmem>>, vector<16xf32>,
      %max3A_1431 = arith.maximumf %max3A_1419, %get3A_1430 : vector<16xf32>
      %add3A_1432 = arith.constant 240 : i32
      %add3A_1433 = arith.addi %mul3A_1346, %add3A_1432 : i32
      %multiple_of3A_1434 = tpu.assume_multiple %add3A_1433, 16 : i32
      %get3A_1435 = arith.index_cast %multiple_of3A_1434 : i32 to index
      %get3A_1436 = tpu.vector_load %arg4[%get3A_1435] {strides = array<i32>} : memref<32768xf32, #tpu.memory_space<vmem>>, vector<16xf32>,
      %max3A_1437 = arith.maximumf %max3A_1425, %get3A_1436 : vector<16xf32>
      %max3A_1438 = arith.maximumf %max3A_1431, %max3A_1437 : vector<16xf32>
      %gt3A = arith.cmpf ogt, %max3A_1438, %scan3A_1342 : vector<16xf32>
      %max3A_1439 = arith.maximumf %scan3A_1342, %max3A_1438 : vector<16xf32>
      %select_n3A_1440 = arith.select %gt3A, %scan3A_1344, %scan3A_1343 : vector<16xi1>, vector<16xi32>
      %add3A_1441 = arith.constant 1 : i32
      %add3A_1442 = vector.broadcast %add3A_1441 : i32 to vector<16xi32>
      %add3A_1443 = arith.addi %scan3A_1344, %add3A_1442 : vector<16xi32>
      scf.yield %max3A_1439, %select_n3A_1440, %add3A_1443 : vector<16xf32>, vector<16xi32>, vector<16xi32>
    }
    %scan3A_103 = arith.constant 128 : i32
    %reduce_max3A = arith.constant true
    %reduce_max3A_104 = vector.broadcast %reduce_max3A : i1 to vector<16xi1>
    %reduce_max3A_105 = tpu.scan <max>, %scan3A_102#0 masked %reduce_max3A_104 : vector<16xf32>, vector<16xi1> -> vector<16xf32>
    %reduce_max3A_106 = vector.extract %reduce_max3A_105[15] : f32 from vector<16xf32>
    %eq3A = vector.broadcast %reduce_max3A_106 : f32 to vector<16xf32>
    %eq3A_107 = arith.cmpf oeq, %scan3A_102#0, %eq3A : vector<16xf32>
    %jit3A = arith.constant 128 : i32
    %broadcast_in_dim3A_108 = vector.broadcast %jit3A : i32 to vector<16xi32>
    %select_n3A = arith.select %eq3A_107, %scan3A_102#1, %broadcast_in_dim3A_108 : vector<16xi1>, vector<16xi32>
    %reduce_min3A = arith.constant true
    %reduce_min3A_109 = vector.broadcast %reduce_min3A : i1 to vector<16xi1>
    %reduce_min3A_110 = arith.constant -2147483648 : i32
    %reduce_min3A_111 = vector.broadcast %reduce_min3A_110 : i32 to vector<16xi32>
    %reduce_min3A_112 = arith.xori %select_n3A, %reduce_min3A_111 : vector<16xi32>
    %reduce_min3A_113 = tpu.scan <min>, %reduce_min3A_112 masked %reduce_min3A_109 : vector<16xi32>, vector<16xi1> -> vector<16xi32>
    %reduce_min3A_114 = arith.xori %reduce_min3A_113, %reduce_min3A_111 : vector<16xi32>
    %reduce_min3A_115 = vector.extract %reduce_min3A_114[15] : i32 from vector<16xi32>
    %mul3A_116 = arith.constant 256 : i32
    %mul3A_117 = arith.muli %reduce_min3A_115, %mul3A_116 : i32
    %broadcast_in_dim3A_118 = arith.constant 32768 : i32
    %broadcast_in_dim3A_119 = vector.broadcast %broadcast_in_dim3A_118 : i32 to vector<16xi32>
    %add3A_120 = arith.constant 0 : i32
    %add3A_121 = arith.addi %mul3A_117, %add3A_120 : i32
    %multiple_of3A = tpu.assume_multiple %add3A_121, 16 : i32
    %get3A = arith.index_cast %multiple_of3A : i32 to index
    %get3A_122 = tpu.vector_load %arg4[%get3A] {strides = array<i32>} : memref<32768xf32, #tpu.memory_space<vmem>>, vector<16xf32>,
    %add3A_123 = arith.constant 0 : i32
    %add3A_124 = arith.addi %mul3A_117, %add3A_123 : i32
    %add3A_125 = vector.broadcast %add3A_124 : i32 to vector<16xi32>
    %add3A_126 = arith.addi %add3A_125, %iota3A : vector<16xi32>
    %eq3A_127 = vector.broadcast %reduce_max3A_106 : f32 to vector<16xf32>
    %eq3A_128 = arith.cmpf oeq, %get3A_122, %eq3A_127 : vector<16xf32>
    %jit3A_129 = arith.constant 32768 : i32
    %broadcast_in_dim3A_130 = vector.broadcast %jit3A_129 : i32 to vector<16xi32>
    %select_n3A_131 = arith.select %eq3A_128, %add3A_126, %broadcast_in_dim3A_130 : vector<16xi1>, vector<16xi32>
    %min3A = arith.minsi %broadcast_in_dim3A_119, %select_n3A_131 : vector<16xi32>
    %add3A_132 = arith.constant 16 : i32
    %add3A_133 = arith.addi %mul3A_117, %add3A_132 : i32
    %multiple_of3A_134 = tpu.assume_multiple %add3A_133, 16 : i32
    %get3A_135 = arith.index_cast %multiple_of3A_134 : i32 to index
    %get3A_136 = tpu.vector_load %arg4[%get3A_135] {strides = array<i32>} : memref<32768xf32, #tpu.memory_space<vmem>>, vector<16xf32>,
    %add3A_137 = arith.constant 16 : i32
    %add3A_138 = arith.addi %mul3A_117, %add3A_137 : i32
    %add3A_139 = vector.broadcast %add3A_138 : i32 to vector<16xi32>
    %add3A_140 = arith.addi %add3A_139, %iota3A : vector<16xi32>
    %eq3A_141 = vector.broadcast %reduce_max3A_106 : f32 to vector<16xf32>
    %eq3A_142 = arith.cmpf oeq, %get3A_136, %eq3A_141 : vector<16xf32>
    %jit3A_143 = arith.constant 32768 : i32
    %broadcast_in_dim3A_144 = vector.broadcast %jit3A_143 : i32 to vector<16xi32>
    %select_n3A_145 = arith.select %eq3A_142, %add3A_140, %broadcast_in_dim3A_144 : vector<16xi1>, vector<16xi32>
    %min3A_146 = arith.minsi %min3A, %select_n3A_145 : vector<16xi32>
    %add3A_147 = arith.constant 32 : i32
    %add3A_148 = arith.addi %mul3A_117, %add3A_147 : i32
    %multiple_of3A_149 = tpu.assume_multiple %add3A_148, 16 : i32
    %get3A_150 = arith.index_cast %multiple_of3A_149 : i32 to index
    %get3A_151 = tpu.vector_load %arg4[%get3A_150] {strides = array<i32>} : memref<32768xf32, #tpu.memory_space<vmem>>, vector<16xf32>,
    %add3A_152 = arith.constant 32 : i32
    %add3A_153 = arith.addi %mul3A_117, %add3A_152 : i32
    %add3A_154 = vector.broadcast %add3A_153 : i32 to vector<16xi32>
    %add3A_155 = arith.addi %add3A_154, %iota3A : vector<16xi32>
    %eq3A_156 = vector.broadcast %reduce_max3A_106 : f32 to vector<16xf32>
    %eq3A_157 = arith.cmpf oeq, %get3A_151, %eq3A_156 : vector<16xf32>
    %jit3A_158 = arith.constant 32768 : i32
    %broadcast_in_dim3A_159 = vector.broadcast %jit3A_158 : i32 to vector<16xi32>
    %select_n3A_160 = arith.select %eq3A_157, %add3A_155, %broadcast_in_dim3A_159 : vector<16xi1>, vector<16xi32>
    %min3A_161 = arith.minsi %min3A_146, %select_n3A_160 : vector<16xi32>
    %add3A_162 = arith.constant 48 : i32
    %add3A_163 = arith.addi %mul3A_117, %add3A_162 : i32
    %multiple_of3A_164 = tpu.assume_multiple %add3A_163, 16 : i32
    %get3A_165 = arith.index_cast %multiple_of3A_164 : i32 to index
    %get3A_166 = tpu.vector_load %arg4[%get3A_165] {strides = array<i32>} : memref<32768xf32, #tpu.memory_space<vmem>>, vector<16xf32>,
    %add3A_167 = arith.constant 48 : i32
    %add3A_168 = arith.addi %mul3A_117, %add3A_167 : i32
    %add3A_169 = vector.broadcast %add3A_168 : i32 to vector<16xi32>
    %add3A_170 = arith.addi %add3A_169, %iota3A : vector<16xi32>
    %eq3A_171 = vector.broadcast %reduce_max3A_106 : f32 to vector<16xf32>
    %eq3A_172 = arith.cmpf oeq, %get3A_166, %eq3A_171 : vector<16xf32>
    %jit3A_173 = arith.constant 32768 : i32
    %broadcast_in_dim3A_174 = vector.broadcast %jit3A_173 : i32 to vector<16xi32>
    %select_n3A_175 = arith.select %eq3A_172, %add3A_170, %broadcast_in_dim3A_174 : vector<16xi1>, vector<16xi32>
    %min3A_176 = arith.minsi %min3A_161, %select_n3A_175 : vector<16xi32>
    %add3A_177 = arith.constant 64 : i32
    %add3A_178 = arith.addi %mul3A_117, %add3A_177 : i32
    %multiple_of3A_179 = tpu.assume_multiple %add3A_178, 16 : i32
    %get3A_180 = arith.index_cast %multiple_of3A_179 : i32 to index
    %get3A_181 = tpu.vector_load %arg4[%get3A_180] {strides = array<i32>} : memref<32768xf32, #tpu.memory_space<vmem>>, vector<16xf32>,
    %add3A_182 = arith.constant 64 : i32
    %add3A_183 = arith.addi %mul3A_117, %add3A_182 : i32
    %add3A_184 = vector.broadcast %add3A_183 : i32 to vector<16xi32>
    %add3A_185 = arith.addi %add3A_184, %iota3A : vector<16xi32>
    %eq3A_186 = vector.broadcast %reduce_max3A_106 : f32 to vector<16xf32>
    %eq3A_187 = arith.cmpf oeq, %get3A_181, %eq3A_186 : vector<16xf32>
    %jit3A_188 = arith.constant 32768 : i32
    %broadcast_in_dim3A_189 = vector.broadcast %jit3A_188 : i32 to vector<16xi32>
    %select_n3A_190 = arith.select %eq3A_187, %add3A_185, %broadcast_in_dim3A_189 : vector<16xi1>, vector<16xi32>
    %min3A_191 = arith.minsi %min3A_176, %select_n3A_190 : vector<16xi32>
    %add3A_192 = arith.constant 80 : i32
    %add3A_193 = arith.addi %mul3A_117, %add3A_192 : i32
    %multiple_of3A_194 = tpu.assume_multiple %add3A_193, 16 : i32
    %get3A_195 = arith.index_cast %multiple_of3A_194 : i32 to index
    %get3A_196 = tpu.vector_load %arg4[%get3A_195] {strides = array<i32>} : memref<32768xf32, #tpu.memory_space<vmem>>, vector<16xf32>,
    %add3A_197 = arith.constant 80 : i32
    %add3A_198 = arith.addi %mul3A_117, %add3A_197 : i32
    %add3A_199 = vector.broadcast %add3A_198 : i32 to vector<16xi32>
    %add3A_200 = arith.addi %add3A_199, %iota3A : vector<16xi32>
    %eq3A_201 = vector.broadcast %reduce_max3A_106 : f32 to vector<16xf32>
    %eq3A_202 = arith.cmpf oeq, %get3A_196, %eq3A_201 : vector<16xf32>
    %jit3A_203 = arith.constant 32768 : i32
    %broadcast_in_dim3A_204 = vector.broadcast %jit3A_203 : i32 to vector<16xi32>
    %select_n3A_205 = arith.select %eq3A_202, %add3A_200, %broadcast_in_dim3A_204 : vector<16xi1>, vector<16xi32>
    %min3A_206 = arith.minsi %min3A_191, %select_n3A_205 : vector<16xi32>
    %add3A_207 = arith.constant 96 : i32
    %add3A_208 = arith.addi %mul3A_117, %add3A_207 : i32
    %multiple_of3A_209 = tpu.assume_multiple %add3A_208, 16 : i32
    %get3A_210 = arith.index_cast %multiple_of3A_209 : i32 to index
    %get3A_211 = tpu.vector_load %arg4[%get3A_210] {strides = array<i32>} : memref<32768xf32, #tpu.memory_space<vmem>>, vector<16xf32>,
    %add3A_212 = arith.constant 96 : i32
    %add3A_213 = arith.addi %mul3A_117, %add3A_212 : i32
    %add3A_214 = vector.broadcast %add3A_213 : i32 to vector<16xi32>
    %add3A_215 = arith.addi %add3A_214, %iota3A : vector<16xi32>
    %eq3A_216 = vector.broadcast %reduce_max3A_106 : f32 to vector<16xf32>
    %eq3A_217 = arith.cmpf oeq, %get3A_211, %eq3A_216 : vector<16xf32>
    %jit3A_218 = arith.constant 32768 : i32
    %broadcast_in_dim3A_219 = vector.broadcast %jit3A_218 : i32 to vector<16xi32>
    %select_n3A_220 = arith.select %eq3A_217, %add3A_215, %broadcast_in_dim3A_219 : vector<16xi1>, vector<16xi32>
    %min3A_221 = arith.minsi %min3A_206, %select_n3A_220 : vector<16xi32>
    %add3A_222 = arith.constant 112 : i32
    %add3A_223 = arith.addi %mul3A_117, %add3A_222 : i32
    %multiple_of3A_224 = tpu.assume_multiple %add3A_223, 16 : i32
    %get3A_225 = arith.index_cast %multiple_of3A_224 : i32 to index
    %get3A_226 = tpu.vector_load %arg4[%get3A_225] {strides = array<i32>} : memref<32768xf32, #tpu.memory_space<vmem>>, vector<16xf32>,
    %add3A_227 = arith.constant 112 : i32
    %add3A_228 = arith.addi %mul3A_117, %add3A_227 : i32
    %add3A_229 = vector.broadcast %add3A_228 : i32 to vector<16xi32>
    %add3A_230 = arith.addi %add3A_229, %iota3A : vector<16xi32>
    %eq3A_231 = vector.broadcast %reduce_max3A_106 : f32 to vector<16xf32>
    %eq3A_232 = arith.cmpf oeq, %get3A_226, %eq3A_231 : vector<16xf32>
    %jit3A_233 = arith.constant 32768 : i32
    %broadcast_in_dim3A_234 = vector.broadcast %jit3A_233 : i32 to vector<16xi32>
    %select_n3A_235 = arith.select %eq3A_232, %add3A_230, %broadcast_in_dim3A_234 : vector<16xi1>, vector<16xi32>
    %min3A_236 = arith.minsi %min3A_221, %select_n3A_235 : vector<16xi32>
    %add3A_237 = arith.constant 128 : i32
    %add3A_238 = arith.addi %mul3A_117, %add3A_237 : i32
    %multiple_of3A_239 = tpu.assume_multiple %add3A_238, 16 : i32
    %get3A_240 = arith.index_cast %multiple_of3A_239 : i32 to index
    %get3A_241 = tpu.vector_load %arg4[%get3A_240] {strides = array<i32>} : memref<32768xf32, #tpu.memory_space<vmem>>, vector<16xf32>,
    %add3A_242 = arith.constant 128 : i32
    %add3A_243 = arith.addi %mul3A_117, %add3A_242 : i32
    %add3A_244 = vector.broadcast %add3A_243 : i32 to vector<16xi32>
    %add3A_245 = arith.addi %add3A_244, %iota3A : vector<16xi32>
    %eq3A_246 = vector.broadcast %reduce_max3A_106 : f32 to vector<16xf32>
    %eq3A_247 = arith.cmpf oeq, %get3A_241, %eq3A_246 : vector<16xf32>
    %jit3A_248 = arith.constant 32768 : i32
    %broadcast_in_dim3A_249 = vector.broadcast %jit3A_248 : i32 to vector<16xi32>
    %select_n3A_250 = arith.select %eq3A_247, %add3A_245, %broadcast_in_dim3A_249 : vector<16xi1>, vector<16xi32>
    %min3A_251 = arith.minsi %min3A_236, %select_n3A_250 : vector<16xi32>
    %add3A_252 = arith.constant 144 : i32
    %add3A_253 = arith.addi %mul3A_117, %add3A_252 : i32
    %multiple_of3A_254 = tpu.assume_multiple %add3A_253, 16 : i32
    %get3A_255 = arith.index_cast %multiple_of3A_254 : i32 to index
    %get3A_256 = tpu.vector_load %arg4[%get3A_255] {strides = array<i32>} : memref<32768xf32, #tpu.memory_space<vmem>>, vector<16xf32>,
    %add3A_257 = arith.constant 144 : i32
    %add3A_258 = arith.addi %mul3A_117, %add3A_257 : i32
    %add3A_259 = vector.broadcast %add3A_258 : i32 to vector<16xi32>
    %add3A_260 = arith.addi %add3A_259, %iota3A : vector<16xi32>
    %eq3A_261 = vector.broadcast %reduce_max3A_106 : f32 to vector<16xf32>
    %eq3A_262 = arith.cmpf oeq, %get3A_256, %eq3A_261 : vector<16xf32>
    %jit3A_263 = arith.constant 32768 : i32
    %broadcast_in_dim3A_264 = vector.broadcast %jit3A_263 : i32 to vector<16xi32>
    %select_n3A_265 = arith.select %eq3A_262, %add3A_260, %broadcast_in_dim3A_264 : vector<16xi1>, vector<16xi32>
    %min3A_266 = arith.minsi %min3A_251, %select_n3A_265 : vector<16xi32>
    %add3A_267 = arith.constant 160 : i32
    %add3A_268 = arith.addi %mul3A_117, %add3A_267 : i32
    %multiple_of3A_269 = tpu.assume_multiple %add3A_268, 16 : i32
    %get3A_270 = arith.index_cast %multiple_of3A_269 : i32 to index
    %get3A_271 = tpu.vector_load %arg4[%get3A_270] {strides = array<i32>} : memref<32768xf32, #tpu.memory_space<vmem>>, vector<16xf32>,
    %add3A_272 = arith.constant 160 : i32
    %add3A_273 = arith.addi %mul3A_117, %add3A_272 : i32
    %add3A_274 = vector.broadcast %add3A_273 : i32 to vector<16xi32>
    %add3A_275 = arith.addi %add3A_274, %iota3A : vector<16xi32>
    %eq3A_276 = vector.broadcast %reduce_max3A_106 : f32 to vector<16xf32>
    %eq3A_277 = arith.cmpf oeq, %get3A_271, %eq3A_276 : vector<16xf32>
    %jit3A_278 = arith.constant 32768 : i32
    %broadcast_in_dim3A_279 = vector.broadcast %jit3A_278 : i32 to vector<16xi32>
    %select_n3A_280 = arith.select %eq3A_277, %add3A_275, %broadcast_in_dim3A_279 : vector<16xi1>, vector<16xi32>
    %min3A_281 = arith.minsi %min3A_266, %select_n3A_280 : vector<16xi32>
    %add3A_282 = arith.constant 176 : i32
    %add3A_283 = arith.addi %mul3A_117, %add3A_282 : i32
    %multiple_of3A_284 = tpu.assume_multiple %add3A_283, 16 : i32
    %get3A_285 = arith.index_cast %multiple_of3A_284 : i32 to index
    %get3A_286 = tpu.vector_load %arg4[%get3A_285] {strides = array<i32>} : memref<32768xf32, #tpu.memory_space<vmem>>, vector<16xf32>,
    %add3A_287 = arith.constant 176 : i32
    %add3A_288 = arith.addi %mul3A_117, %add3A_287 : i32
    %add3A_289 = vector.broadcast %add3A_288 : i32 to vector<16xi32>
    %add3A_290 = arith.addi %add3A_289, %iota3A : vector<16xi32>
    %eq3A_291 = vector.broadcast %reduce_max3A_106 : f32 to vector<16xf32>
    %eq3A_292 = arith.cmpf oeq, %get3A_286, %eq3A_291 : vector<16xf32>
    %jit3A_293 = arith.constant 32768 : i32
    %broadcast_in_dim3A_294 = vector.broadcast %jit3A_293 : i32 to vector<16xi32>
    %select_n3A_295 = arith.select %eq3A_292, %add3A_290, %broadcast_in_dim3A_294 : vector<16xi1>, vector<16xi32>
    %min3A_296 = arith.minsi %min3A_281, %select_n3A_295 : vector<16xi32>
    %add3A_297 = arith.constant 192 : i32
    %add3A_298 = arith.addi %mul3A_117, %add3A_297 : i32
    %multiple_of3A_299 = tpu.assume_multiple %add3A_298, 16 : i32
    %get3A_300 = arith.index_cast %multiple_of3A_299 : i32 to index
    %get3A_301 = tpu.vector_load %arg4[%get3A_300] {strides = array<i32>} : memref<32768xf32, #tpu.memory_space<vmem>>, vector<16xf32>,
    %add3A_302 = arith.constant 192 : i32
    %add3A_303 = arith.addi %mul3A_117, %add3A_302 : i32
    %add3A_304 = vector.broadcast %add3A_303 : i32 to vector<16xi32>
    %add3A_305 = arith.addi %add3A_304, %iota3A : vector<16xi32>
    %eq3A_306 = vector.broadcast %reduce_max3A_106 : f32 to vector<16xf32>
    %eq3A_307 = arith.cmpf oeq, %get3A_301, %eq3A_306 : vector<16xf32>
    %jit3A_308 = arith.constant 32768 : i32
    %broadcast_in_dim3A_309 = vector.broadcast %jit3A_308 : i32 to vector<16xi32>
    %select_n3A_310 = arith.select %eq3A_307, %add3A_305, %broadcast_in_dim3A_309 : vector<16xi1>, vector<16xi32>
    %min3A_311 = arith.minsi %min3A_296, %select_n3A_310 : vector<16xi32>
    %add3A_312 = arith.constant 208 : i32
    %add3A_313 = arith.addi %mul3A_117, %add3A_312 : i32
    %multiple_of3A_314 = tpu.assume_multiple %add3A_313, 16 : i32
    %get3A_315 = arith.index_cast %multiple_of3A_314 : i32 to index
    %get3A_316 = tpu.vector_load %arg4[%get3A_315] {strides = array<i32>} : memref<32768xf32, #tpu.memory_space<vmem>>, vector<16xf32>,
    %add3A_317 = arith.constant 208 : i32
    %add3A_318 = arith.addi %mul3A_117, %add3A_317 : i32
    %add3A_319 = vector.broadcast %add3A_318 : i32 to vector<16xi32>
    %add3A_320 = arith.addi %add3A_319, %iota3A : vector<16xi32>
    %eq3A_321 = vector.broadcast %reduce_max3A_106 : f32 to vector<16xf32>
    %eq3A_322 = arith.cmpf oeq, %get3A_316, %eq3A_321 : vector<16xf32>
    %jit3A_323 = arith.constant 32768 : i32
    %broadcast_in_dim3A_324 = vector.broadcast %jit3A_323 : i32 to vector<16xi32>
    %select_n3A_325 = arith.select %eq3A_322, %add3A_320, %broadcast_in_dim3A_324 : vector<16xi1>, vector<16xi32>
    %min3A_326 = arith.minsi %min3A_311, %select_n3A_325 : vector<16xi32>
    %add3A_327 = arith.constant 224 : i32
    %add3A_328 = arith.addi %mul3A_117, %add3A_327 : i32
    %multiple_of3A_329 = tpu.assume_multiple %add3A_328, 16 : i32
    %get3A_330 = arith.index_cast %multiple_of3A_329 : i32 to index
    %get3A_331 = tpu.vector_load %arg4[%get3A_330] {strides = array<i32>} : memref<32768xf32, #tpu.memory_space<vmem>>, vector<16xf32>,
    %add3A_332 = arith.constant 224 : i32
    %add3A_333 = arith.addi %mul3A_117, %add3A_332 : i32
    %add3A_334 = vector.broadcast %add3A_333 : i32 to vector<16xi32>
    %add3A_335 = arith.addi %add3A_334, %iota3A : vector<16xi32>
    %eq3A_336 = vector.broadcast %reduce_max3A_106 : f32 to vector<16xf32>
    %eq3A_337 = arith.cmpf oeq, %get3A_331, %eq3A_336 : vector<16xf32>
    %jit3A_338 = arith.constant 32768 : i32
    %broadcast_in_dim3A_339 = vector.broadcast %jit3A_338 : i32 to vector<16xi32>
    %select_n3A_340 = arith.select %eq3A_337, %add3A_335, %broadcast_in_dim3A_339 : vector<16xi1>, vector<16xi32>
    %min3A_341 = arith.minsi %min3A_326, %select_n3A_340 : vector<16xi32>
    %add3A_342 = arith.constant 240 : i32
    %add3A_343 = arith.addi %mul3A_117, %add3A_342 : i32
    %multiple_of3A_344 = tpu.assume_multiple %add3A_343, 16 : i32
    %get3A_345 = arith.index_cast %multiple_of3A_344 : i32 to index
    %get3A_346 = tpu.vector_load %arg4[%get3A_345] {strides = array<i32>} : memref<32768xf32, #tpu.memory_space<vmem>>, vector<16xf32>,
    %add3A_347 = arith.constant 240 : i32
    %add3A_348 = arith.addi %mul3A_117, %add3A_347 : i32
    %add3A_349 = vector.broadcast %add3A_348 : i32 to vector<16xi32>
    %add3A_350 = arith.addi %add3A_349, %iota3A : vector<16xi32>
    %eq3A_351 = vector.broadcast %reduce_max3A_106 : f32 to vector<16xf32>
    %eq3A_352 = arith.cmpf oeq, %get3A_346, %eq3A_351 : vector<16xf32>
    %jit3A_353 = arith.constant 32768 : i32
    %broadcast_in_dim3A_354 = vector.broadcast %jit3A_353 : i32 to vector<16xi32>
    %select_n3A_355 = arith.select %eq3A_352, %add3A_350, %broadcast_in_dim3A_354 : vector<16xi1>, vector<16xi32>
    %min3A_356 = arith.minsi %min3A_341, %select_n3A_355 : vector<16xi32>
    %reduce_min3A_357 = arith.constant true
    %reduce_min3A_358 = vector.broadcast %reduce_min3A_357 : i1 to vector<16xi1>
    %reduce_min3A_359 = arith.constant -2147483648 : i32
    %reduce_min3A_360 = vector.broadcast %reduce_min3A_359 : i32 to vector<16xi32>
    %reduce_min3A_361 = arith.xori %min3A_356, %reduce_min3A_360 : vector<16xi32>
    %reduce_min3A_362 = tpu.scan <min>, %reduce_min3A_361 masked %reduce_min3A_358 : vector<16xi32>, vector<16xi1> -> vector<16xi32>
    %reduce_min3A_363 = arith.xori %reduce_min3A_362, %reduce_min3A_360 : vector<16xi32>
    %reduce_min3A_364 = vector.extract %reduce_min3A_363[15] : i32 from vector<16xi32>
    %rem3A = arith.constant 16 : i32
    %rem3A_365 = arith.remsi %reduce_min3A_364, %rem3A : i32
    %sub3A = arith.subi %reduce_min3A_364, %rem3A_365 : i32
    %eq3A_366 = vector.broadcast %rem3A_365 : i32 to vector<16xi32>
    %eq3A_367 = arith.cmpi eq, %iota3A, %eq3A_366 : vector<16xi32>
    %jit3A_368 = arith.constant 1.000000e+00 : f32
    %jit3A_369 = arith.constant 0.000000e+00 : f32
    %broadcast_in_dim3A_370 = vector.broadcast %jit3A_368 : f32 to vector<16xf32>
    %broadcast_in_dim3A_371 = vector.broadcast %jit3A_369 : f32 to vector<16xf32>
    %select_n3A_372 = arith.select %eq3A_367, %broadcast_in_dim3A_370, %broadcast_in_dim3A_371 : vector<16xi1>, vector<16xf32>
    %swap3A = arith.constant 0 : index
    %swap3A_373 = tpu.vector_load %arg8[%swap3A] {strides = array<i32>} : memref<64xf32, #tpu.memory_space<vmem>>, vector<16xf32>,
    tpu.vector_store %arg8[%swap3A], %select_n3A_372 {strides = array<i32>} : memref<64xf32, #tpu.memory_space<vmem>>, vector<16xf32>,
    %dma_wait3A_374 = arith.constant 0 : i32
    %dma_wait3A_375 = tpu.memref_slice %arg2[%add3A_30, %dma_wait3A_374] : memref<128x32768xf32, #tpu.memory_space<hbm>> -> memref<1x32768xf32, #tpu.memory_space<hbm>>
    %dma_wait3A_376 = tpu.memref_squeeze %dma_wait3A_375 : memref<1x32768xf32, #tpu.memory_space<hbm>> -> memref<32768xf32, #tpu.memory_space<hbm>>
    %dma_wait3A_377 = arith.constant 0 : i32
    %dma_wait3A_378 = tpu.memref_slice %arg2[%add3A_30, %dma_wait3A_377] : memref<128x32768xf32, #tpu.memory_space<hbm>> -> memref<1x32768xf32, #tpu.memory_space<hbm>>
    %dma_wait3A_379 = tpu.memref_squeeze %dma_wait3A_378 : memref<1x32768xf32, #tpu.memory_space<hbm>> -> memref<32768xf32, #tpu.memory_space<hbm>>
    tpu.wait_dma2 semaphore(%arg10 : memref<!tpu.dma_semaphore, #tpu.memory_space<semaphore_mem>>) src(%dma_wait3A_379 : memref<32768xf32, #tpu.memory_space<hbm>>) dst(%arg5 : memref<32768xf32, #tpu.memory_space<vmem>>)
    %add3A_380 = arith.constant 1 : i32
    %add3A_381 = arith.addi %mul3A_2, %add3A_380 : i32
    %add3A_382 = arith.constant 2 : i32
    %add3A_383 = arith.addi %add3A_381, %add3A_382 : i32
    %dma_start3A_384 = arith.constant 0 : i32
    %dma_start3A_385 = tpu.memref_slice %arg2[%add3A_383, %dma_start3A_384] : memref<128x32768xf32, #tpu.memory_space<hbm>> -> memref<1x32768xf32, #tpu.memory_space<hbm>>
    %dma_start3A_386 = tpu.memref_squeeze %dma_start3A_385 : memref<1x32768xf32, #tpu.memory_space<hbm>> -> memref<32768xf32, #tpu.memory_space<hbm>>
    %dma_start3A_387 = arith.constant 0 : i32
    %dma_start3A_388 = tpu.memref_slice %arg2[%add3A_383, %dma_start3A_387] : memref<128x32768xf32, #tpu.memory_space<hbm>> -> memref<1x32768xf32, #tpu.memory_space<hbm>>
    %dma_start3A_389 = tpu.memref_squeeze %dma_start3A_388 : memref<1x32768xf32, #tpu.memory_space<hbm>> -> memref<32768xf32, #tpu.memory_space<hbm>>
    tpu.enqueue_dma source(%dma_start3A_389 : memref<32768xf32, #tpu.memory_space<hbm>>) target(%arg4 : memref<32768xf32, #tpu.memory_space<vmem>>) target_semaphore(%arg10 : memref<!tpu.dma_semaphore, #tpu.memory_space<semaphore_mem>>)
    %broadcast_in_dim3A_390 = arith.constant 0xFF800000 : f32
    %broadcast_in_dim3A_391 = vector.broadcast %broadcast_in_dim3A_390 : f32 to vector<16xf32>
    %broadcast_in_dim3A_392 = arith.constant 0 : i32
    %broadcast_in_dim3A_393 = vector.broadcast %broadcast_in_dim3A_392 : i32 to vector<16xi32>
    %broadcast_in_dim3A_394 = arith.constant 0 : i32
    %broadcast_in_dim3A_395 = vector.broadcast %broadcast_in_dim3A_394 : i32 to vector<16xi32>
    %scan3A_396 = arith.constant 0 : i32
    %scan3A_397 = arith.constant 128 : i32
    %scan3A_398 = arith.addi %scan3A_396, %scan3A_397 : i32
    %scan3A_399 = arith.constant 1 : i32
    %scan3A_400:3 = scf.for %scan3A_1341 = %scan3A_396 to %scan3A_398 step %scan3A_399 iter_args(%scan3A_1342 = %broadcast_in_dim3A_391, %scan3A_1343 = %broadcast_in_dim3A_393, %scan3A_1344 = %broadcast_in_dim3A_395) -> (vector<16xf32>, vector<16xi32>, vector<16xi32>)  : i32 {
      %mul3A_1345 = arith.constant 256 : i32
      %mul3A_1346 = arith.muli %scan3A_1341, %mul3A_1345 : i32
      %multiple_of3A_1347 = tpu.assume_multiple %mul3A_1346, 16 : i32
      %get3A_1348 = arith.index_cast %multiple_of3A_1347 : i32 to index
      %get3A_1349 = tpu.vector_load %arg5[%get3A_1348] {strides = array<i32>} : memref<32768xf32, #tpu.memory_space<vmem>>, vector<16xf32>,
      %add3A_1350 = arith.constant 128 : i32
      %add3A_1351 = arith.addi %mul3A_1346, %add3A_1350 : i32
      %multiple_of3A_1352 = tpu.assume_multiple %add3A_1351, 16 : i32
      %get3A_1353 = arith.index_cast %multiple_of3A_1352 : i32 to index
      %get3A_1354 = tpu.vector_load %arg5[%get3A_1353] {strides = array<i32>} : memref<32768xf32, #tpu.memory_space<vmem>>, vector<16xf32>,
      %add3A_1355 = arith.constant 16 : i32
      %add3A_1356 = arith.addi %mul3A_1346, %add3A_1355 : i32
      %multiple_of3A_1357 = tpu.assume_multiple %add3A_1356, 16 : i32
      %get3A_1358 = arith.index_cast %multiple_of3A_1357 : i32 to index
      %get3A_1359 = tpu.vector_load %arg5[%get3A_1358] {strides = array<i32>} : memref<32768xf32, #tpu.memory_space<vmem>>, vector<16xf32>,
      %max3A = arith.maximumf %get3A_1349, %get3A_1359 : vector<16xf32>
      %add3A_1360 = arith.constant 144 : i32
      %add3A_1361 = arith.addi %mul3A_1346, %add3A_1360 : i32
      %multiple_of3A_1362 = tpu.assume_multiple %add3A_1361, 16 : i32
      %get3A_1363 = arith.index_cast %multiple_of3A_1362 : i32 to index
      %get3A_1364 = tpu.vector_load %arg5[%get3A_1363] {strides = array<i32>} : memref<32768xf32, #tpu.memory_space<vmem>>, vector<16xf32>,
      %max3A_1365 = arith.maximumf %get3A_1354, %get3A_1364 : vector<16xf32>
      %add3A_1366 = arith.constant 32 : i32
      %add3A_1367 = arith.addi %mul3A_1346, %add3A_1366 : i32
      %multiple_of3A_1368 = tpu.assume_multiple %add3A_1367, 16 : i32
      %get3A_1369 = arith.index_cast %multiple_of3A_1368 : i32 to index
      %get3A_1370 = tpu.vector_load %arg5[%get3A_1369] {strides = array<i32>} : memref<32768xf32, #tpu.memory_space<vmem>>, vector<16xf32>,
      %max3A_1371 = arith.maximumf %max3A, %get3A_1370 : vector<16xf32>
      %add3A_1372 = arith.constant 160 : i32
      %add3A_1373 = arith.addi %mul3A_1346, %add3A_1372 : i32
      %multiple_of3A_1374 = tpu.assume_multiple %add3A_1373, 16 : i32
      %get3A_1375 = arith.index_cast %multiple_of3A_1374 : i32 to index
      %get3A_1376 = tpu.vector_load %arg5[%get3A_1375] {strides = array<i32>} : memref<32768xf32, #tpu.memory_space<vmem>>, vector<16xf32>,
      %max3A_1377 = arith.maximumf %max3A_1365, %get3A_1376 : vector<16xf32>
      %add3A_1378 = arith.constant 48 : i32
      %add3A_1379 = arith.addi %mul3A_1346, %add3A_1378 : i32
      %multiple_of3A_1380 = tpu.assume_multiple %add3A_1379, 16 : i32
      %get3A_1381 = arith.index_cast %multiple_of3A_1380 : i32 to index
      %get3A_1382 = tpu.vector_load %arg5[%get3A_1381] {strides = array<i32>} : memref<32768xf32, #tpu.memory_space<vmem>>, vector<16xf32>,
      %max3A_1383 = arith.maximumf %max3A_1371, %get3A_1382 : vector<16xf32>
      %add3A_1384 = arith.constant 176 : i32
      %add3A_1385 = arith.addi %mul3A_1346, %add3A_1384 : i32
      %multiple_of3A_1386 = tpu.assume_multiple %add3A_1385, 16 : i32
      %get3A_1387 = arith.index_cast %multiple_of3A_1386 : i32 to index
      %get3A_1388 = tpu.vector_load %arg5[%get3A_1387] {strides = array<i32>} : memref<32768xf32, #tpu.memory_space<vmem>>, vector<16xf32>,
      %max3A_1389 = arith.maximumf %max3A_1377, %get3A_1388 : vector<16xf32>
      %add3A_1390 = arith.constant 64 : i32
      %add3A_1391 = arith.addi %mul3A_1346, %add3A_1390 : i32
      %multiple_of3A_1392 = tpu.assume_multiple %add3A_1391, 16 : i32
      %get3A_1393 = arith.index_cast %multiple_of3A_1392 : i32 to index
      %get3A_1394 = tpu.vector_load %arg5[%get3A_1393] {strides = array<i32>} : memref<32768xf32, #tpu.memory_space<vmem>>, vector<16xf32>,
      %max3A_1395 = arith.maximumf %max3A_1383, %get3A_1394 : vector<16xf32>
      %add3A_1396 = arith.constant 192 : i32
      %add3A_1397 = arith.addi %mul3A_1346, %add3A_1396 : i32
      %multiple_of3A_1398 = tpu.assume_multiple %add3A_1397, 16 : i32
      %get3A_1399 = arith.index_cast %multiple_of3A_1398 : i32 to index
      %get3A_1400 = tpu.vector_load %arg5[%get3A_1399] {strides = array<i32>} : memref<32768xf32, #tpu.memory_space<vmem>>, vector<16xf32>,
      %max3A_1401 = arith.maximumf %max3A_1389, %get3A_1400 : vector<16xf32>
      %add3A_1402 = arith.constant 80 : i32
      %add3A_1403 = arith.addi %mul3A_1346, %add3A_1402 : i32
      %multiple_of3A_1404 = tpu.assume_multiple %add3A_1403, 16 : i32
      %get3A_1405 = arith.index_cast %multiple_of3A_1404 : i32 to index
      %get3A_1406 = tpu.vector_load %arg5[%get3A_1405] {strides = array<i32>} : memref<32768xf32, #tpu.memory_space<vmem>>, vector<16xf32>,
      %max3A_1407 = arith.maximumf %max3A_1395, %get3A_1406 : vector<16xf32>
      %add3A_1408 = arith.constant 208 : i32
      %add3A_1409 = arith.addi %mul3A_1346, %add3A_1408 : i32
      %multiple_of3A_1410 = tpu.assume_multiple %add3A_1409, 16 : i32
      %get3A_1411 = arith.index_cast %multiple_of3A_1410 : i32 to index
      %get3A_1412 = tpu.vector_load %arg5[%get3A_1411] {strides = array<i32>} : memref<32768xf32, #tpu.memory_space<vmem>>, vector<16xf32>,
      %max3A_1413 = arith.maximumf %max3A_1401, %get3A_1412 : vector<16xf32>
      %add3A_1414 = arith.constant 96 : i32
      %add3A_1415 = arith.addi %mul3A_1346, %add3A_1414 : i32
      %multiple_of3A_1416 = tpu.assume_multiple %add3A_1415, 16 : i32
      %get3A_1417 = arith.index_cast %multiple_of3A_1416 : i32 to index
      %get3A_1418 = tpu.vector_load %arg5[%get3A_1417] {strides = array<i32>} : memref<32768xf32, #tpu.memory_space<vmem>>, vector<16xf32>,
      %max3A_1419 = arith.maximumf %max3A_1407, %get3A_1418 : vector<16xf32>
      %add3A_1420 = arith.constant 224 : i32
      %add3A_1421 = arith.addi %mul3A_1346, %add3A_1420 : i32
      %multiple_of3A_1422 = tpu.assume_multiple %add3A_1421, 16 : i32
      %get3A_1423 = arith.index_cast %multiple_of3A_1422 : i32 to index
      %get3A_1424 = tpu.vector_load %arg5[%get3A_1423] {strides = array<i32>} : memref<32768xf32, #tpu.memory_space<vmem>>, vector<16xf32>,
      %max3A_1425 = arith.maximumf %max3A_1413, %get3A_1424 : vector<16xf32>
      %add3A_1426 = arith.constant 112 : i32
      %add3A_1427 = arith.addi %mul3A_1346, %add3A_1426 : i32
      %multiple_of3A_1428 = tpu.assume_multiple %add3A_1427, 16 : i32
      %get3A_1429 = arith.index_cast %multiple_of3A_1428 : i32 to index
      %get3A_1430 = tpu.vector_load %arg5[%get3A_1429] {strides = array<i32>} : memref<32768xf32, #tpu.memory_space<vmem>>, vector<16xf32>,
      %max3A_1431 = arith.maximumf %max3A_1419, %get3A_1430 : vector<16xf32>
      %add3A_1432 = arith.constant 240 : i32
      %add3A_1433 = arith.addi %mul3A_1346, %add3A_1432 : i32
      %multiple_of3A_1434 = tpu.assume_multiple %add3A_1433, 16 : i32
      %get3A_1435 = arith.index_cast %multiple_of3A_1434 : i32 to index
      %get3A_1436 = tpu.vector_load %arg5[%get3A_1435] {strides = array<i32>} : memref<32768xf32, #tpu.memory_space<vmem>>, vector<16xf32>,
      %max3A_1437 = arith.maximumf %max3A_1425, %get3A_1436 : vector<16xf32>
      %max3A_1438 = arith.maximumf %max3A_1431, %max3A_1437 : vector<16xf32>
      %gt3A = arith.cmpf ogt, %max3A_1438, %scan3A_1342 : vector<16xf32>
      %max3A_1439 = arith.maximumf %scan3A_1342, %max3A_1438 : vector<16xf32>
      %select_n3A_1440 = arith.select %gt3A, %scan3A_1344, %scan3A_1343 : vector<16xi1>, vector<16xi32>
      %add3A_1441 = arith.constant 1 : i32
      %add3A_1442 = vector.broadcast %add3A_1441 : i32 to vector<16xi32>
      %add3A_1443 = arith.addi %scan3A_1344, %add3A_1442 : vector<16xi32>
      scf.yield %max3A_1439, %select_n3A_1440, %add3A_1443 : vector<16xf32>, vector<16xi32>, vector<16xi32>
    }
    %scan3A_401 = arith.constant 128 : i32
    %reduce_max3A_402 = arith.constant true
    %reduce_max3A_403 = vector.broadcast %reduce_max3A_402 : i1 to vector<16xi1>
    %reduce_max3A_404 = tpu.scan <max>, %scan3A_400#0 masked %reduce_max3A_403 : vector<16xf32>, vector<16xi1> -> vector<16xf32>
    %reduce_max3A_405 = vector.extract %reduce_max3A_404[15] : f32 from vector<16xf32>
    %eq3A_406 = vector.broadcast %reduce_max3A_405 : f32 to vector<16xf32>
    %eq3A_407 = arith.cmpf oeq, %scan3A_400#0, %eq3A_406 : vector<16xf32>
    %jit3A_408 = arith.constant 128 : i32
    %broadcast_in_dim3A_409 = vector.broadcast %jit3A_408 : i32 to vector<16xi32>
    %select_n3A_410 = arith.select %eq3A_407, %scan3A_400#1, %broadcast_in_dim3A_409 : vector<16xi1>, vector<16xi32>
    %reduce_min3A_411 = arith.constant true
    %reduce_min3A_412 = vector.broadcast %reduce_min3A_411 : i1 to vector<16xi1>
    %reduce_min3A_413 = arith.constant -2147483648 : i32
    %reduce_min3A_414 = vector.broadcast %reduce_min3A_413 : i32 to vector<16xi32>
    %reduce_min3A_415 = arith.xori %select_n3A_410, %reduce_min3A_414 : vector<16xi32>
    %reduce_min3A_416 = tpu.scan <min>, %reduce_min3A_415 masked %reduce_min3A_412 : vector<16xi32>, vector<16xi1> -> vector<16xi32>
    %reduce_min3A_417 = arith.xori %reduce_min3A_416, %reduce_min3A_414 : vector<16xi32>
    %reduce_min3A_418 = vector.extract %reduce_min3A_417[15] : i32 from vector<16xi32>
    %mul3A_419 = arith.constant 256 : i32
    %mul3A_420 = arith.muli %reduce_min3A_418, %mul3A_419 : i32
    %broadcast_in_dim3A_421 = arith.constant 32768 : i32
    %broadcast_in_dim3A_422 = vector.broadcast %broadcast_in_dim3A_421 : i32 to vector<16xi32>
    %add3A_423 = arith.constant 0 : i32
    %add3A_424 = arith.addi %mul3A_420, %add3A_423 : i32
    %multiple_of3A_425 = tpu.assume_multiple %add3A_424, 16 : i32
    %get3A_426 = arith.index_cast %multiple_of3A_425 : i32 to index
    %get3A_427 = tpu.vector_load %arg5[%get3A_426] {strides = array<i32>} : memref<32768xf32, #tpu.memory_space<vmem>>, vector<16xf32>,
    %add3A_428 = arith.constant 0 : i32
    %add3A_429 = arith.addi %mul3A_420, %add3A_428 : i32
    %add3A_430 = vector.broadcast %add3A_429 : i32 to vector<16xi32>
    %add3A_431 = arith.addi %add3A_430, %iota3A : vector<16xi32>
    %eq3A_432 = vector.broadcast %reduce_max3A_405 : f32 to vector<16xf32>
    %eq3A_433 = arith.cmpf oeq, %get3A_427, %eq3A_432 : vector<16xf32>
    %jit3A_434 = arith.constant 32768 : i32
    %broadcast_in_dim3A_435 = vector.broadcast %jit3A_434 : i32 to vector<16xi32>
    %select_n3A_436 = arith.select %eq3A_433, %add3A_431, %broadcast_in_dim3A_435 : vector<16xi1>, vector<16xi32>
    %min3A_437 = arith.minsi %broadcast_in_dim3A_422, %select_n3A_436 : vector<16xi32>
    %add3A_438 = arith.constant 16 : i32
    %add3A_439 = arith.addi %mul3A_420, %add3A_438 : i32
    %multiple_of3A_440 = tpu.assume_multiple %add3A_439, 16 : i32
    %get3A_441 = arith.index_cast %multiple_of3A_440 : i32 to index
    %get3A_442 = tpu.vector_load %arg5[%get3A_441] {strides = array<i32>} : memref<32768xf32, #tpu.memory_space<vmem>>, vector<16xf32>,
    %add3A_443 = arith.constant 16 : i32
    %add3A_444 = arith.addi %mul3A_420, %add3A_443 : i32
    %add3A_445 = vector.broadcast %add3A_444 : i32 to vector<16xi32>
    %add3A_446 = arith.addi %add3A_445, %iota3A : vector<16xi32>
    %eq3A_447 = vector.broadcast %reduce_max3A_405 : f32 to vector<16xf32>
    %eq3A_448 = arith.cmpf oeq, %get3A_442, %eq3A_447 : vector<16xf32>
    %jit3A_449 = arith.constant 32768 : i32
    %broadcast_in_dim3A_450 = vector.broadcast %jit3A_449 : i32 to vector<16xi32>
    %select_n3A_451 = arith.select %eq3A_448, %add3A_446, %broadcast_in_dim3A_450 : vector<16xi1>, vector<16xi32>
    %min3A_452 = arith.minsi %min3A_437, %select_n3A_451 : vector<16xi32>
    %add3A_453 = arith.constant 32 : i32
    %add3A_454 = arith.addi %mul3A_420, %add3A_453 : i32
    %multiple_of3A_455 = tpu.assume_multiple %add3A_454, 16 : i32
    %get3A_456 = arith.index_cast %multiple_of3A_455 : i32 to index
    %get3A_457 = tpu.vector_load %arg5[%get3A_456] {strides = array<i32>} : memref<32768xf32, #tpu.memory_space<vmem>>, vector<16xf32>,
    %add3A_458 = arith.constant 32 : i32
    %add3A_459 = arith.addi %mul3A_420, %add3A_458 : i32
    %add3A_460 = vector.broadcast %add3A_459 : i32 to vector<16xi32>
    %add3A_461 = arith.addi %add3A_460, %iota3A : vector<16xi32>
    %eq3A_462 = vector.broadcast %reduce_max3A_405 : f32 to vector<16xf32>
    %eq3A_463 = arith.cmpf oeq, %get3A_457, %eq3A_462 : vector<16xf32>
    %jit3A_464 = arith.constant 32768 : i32
    %broadcast_in_dim3A_465 = vector.broadcast %jit3A_464 : i32 to vector<16xi32>
    %select_n3A_466 = arith.select %eq3A_463, %add3A_461, %broadcast_in_dim3A_465 : vector<16xi1>, vector<16xi32>
    %min3A_467 = arith.minsi %min3A_452, %select_n3A_466 : vector<16xi32>
    %add3A_468 = arith.constant 48 : i32
    %add3A_469 = arith.addi %mul3A_420, %add3A_468 : i32
    %multiple_of3A_470 = tpu.assume_multiple %add3A_469, 16 : i32
    %get3A_471 = arith.index_cast %multiple_of3A_470 : i32 to index
    %get3A_472 = tpu.vector_load %arg5[%get3A_471] {strides = array<i32>} : memref<32768xf32, #tpu.memory_space<vmem>>, vector<16xf32>,
    %add3A_473 = arith.constant 48 : i32
    %add3A_474 = arith.addi %mul3A_420, %add3A_473 : i32
    %add3A_475 = vector.broadcast %add3A_474 : i32 to vector<16xi32>
    %add3A_476 = arith.addi %add3A_475, %iota3A : vector<16xi32>
    %eq3A_477 = vector.broadcast %reduce_max3A_405 : f32 to vector<16xf32>
    %eq3A_478 = arith.cmpf oeq, %get3A_472, %eq3A_477 : vector<16xf32>
    %jit3A_479 = arith.constant 32768 : i32
    %broadcast_in_dim3A_480 = vector.broadcast %jit3A_479 : i32 to vector<16xi32>
    %select_n3A_481 = arith.select %eq3A_478, %add3A_476, %broadcast_in_dim3A_480 : vector<16xi1>, vector<16xi32>
    %min3A_482 = arith.minsi %min3A_467, %select_n3A_481 : vector<16xi32>
    %add3A_483 = arith.constant 64 : i32
    %add3A_484 = arith.addi %mul3A_420, %add3A_483 : i32
    %multiple_of3A_485 = tpu.assume_multiple %add3A_484, 16 : i32
    %get3A_486 = arith.index_cast %multiple_of3A_485 : i32 to index
    %get3A_487 = tpu.vector_load %arg5[%get3A_486] {strides = array<i32>} : memref<32768xf32, #tpu.memory_space<vmem>>, vector<16xf32>,
    %add3A_488 = arith.constant 64 : i32
    %add3A_489 = arith.addi %mul3A_420, %add3A_488 : i32
    %add3A_490 = vector.broadcast %add3A_489 : i32 to vector<16xi32>
    %add3A_491 = arith.addi %add3A_490, %iota3A : vector<16xi32>
    %eq3A_492 = vector.broadcast %reduce_max3A_405 : f32 to vector<16xf32>
    %eq3A_493 = arith.cmpf oeq, %get3A_487, %eq3A_492 : vector<16xf32>
    %jit3A_494 = arith.constant 32768 : i32
    %broadcast_in_dim3A_495 = vector.broadcast %jit3A_494 : i32 to vector<16xi32>
    %select_n3A_496 = arith.select %eq3A_493, %add3A_491, %broadcast_in_dim3A_495 : vector<16xi1>, vector<16xi32>
    %min3A_497 = arith.minsi %min3A_482, %select_n3A_496 : vector<16xi32>
    %add3A_498 = arith.constant 80 : i32
    %add3A_499 = arith.addi %mul3A_420, %add3A_498 : i32
    %multiple_of3A_500 = tpu.assume_multiple %add3A_499, 16 : i32
    %get3A_501 = arith.index_cast %multiple_of3A_500 : i32 to index
    %get3A_502 = tpu.vector_load %arg5[%get3A_501] {strides = array<i32>} : memref<32768xf32, #tpu.memory_space<vmem>>, vector<16xf32>,
    %add3A_503 = arith.constant 80 : i32
    %add3A_504 = arith.addi %mul3A_420, %add3A_503 : i32
    %add3A_505 = vector.broadcast %add3A_504 : i32 to vector<16xi32>
    %add3A_506 = arith.addi %add3A_505, %iota3A : vector<16xi32>
    %eq3A_507 = vector.broadcast %reduce_max3A_405 : f32 to vector<16xf32>
    %eq3A_508 = arith.cmpf oeq, %get3A_502, %eq3A_507 : vector<16xf32>
    %jit3A_509 = arith.constant 32768 : i32
    %broadcast_in_dim3A_510 = vector.broadcast %jit3A_509 : i32 to vector<16xi32>
    %select_n3A_511 = arith.select %eq3A_508, %add3A_506, %broadcast_in_dim3A_510 : vector<16xi1>, vector<16xi32>
    %min3A_512 = arith.minsi %min3A_497, %select_n3A_511 : vector<16xi32>
    %add3A_513 = arith.constant 96 : i32
    %add3A_514 = arith.addi %mul3A_420, %add3A_513 : i32
    %multiple_of3A_515 = tpu.assume_multiple %add3A_514, 16 : i32
    %get3A_516 = arith.index_cast %multiple_of3A_515 : i32 to index
    %get3A_517 = tpu.vector_load %arg5[%get3A_516] {strides = array<i32>} : memref<32768xf32, #tpu.memory_space<vmem>>, vector<16xf32>,
    %add3A_518 = arith.constant 96 : i32
    %add3A_519 = arith.addi %mul3A_420, %add3A_518 : i32
    %add3A_520 = vector.broadcast %add3A_519 : i32 to vector<16xi32>
    %add3A_521 = arith.addi %add3A_520, %iota3A : vector<16xi32>
    %eq3A_522 = vector.broadcast %reduce_max3A_405 : f32 to vector<16xf32>
    %eq3A_523 = arith.cmpf oeq, %get3A_517, %eq3A_522 : vector<16xf32>
    %jit3A_524 = arith.constant 32768 : i32
    %broadcast_in_dim3A_525 = vector.broadcast %jit3A_524 : i32 to vector<16xi32>
    %select_n3A_526 = arith.select %eq3A_523, %add3A_521, %broadcast_in_dim3A_525 : vector<16xi1>, vector<16xi32>
    %min3A_527 = arith.minsi %min3A_512, %select_n3A_526 : vector<16xi32>
    %add3A_528 = arith.constant 112 : i32
    %add3A_529 = arith.addi %mul3A_420, %add3A_528 : i32
    %multiple_of3A_530 = tpu.assume_multiple %add3A_529, 16 : i32
    %get3A_531 = arith.index_cast %multiple_of3A_530 : i32 to index
    %get3A_532 = tpu.vector_load %arg5[%get3A_531] {strides = array<i32>} : memref<32768xf32, #tpu.memory_space<vmem>>, vector<16xf32>,
    %add3A_533 = arith.constant 112 : i32
    %add3A_534 = arith.addi %mul3A_420, %add3A_533 : i32
    %add3A_535 = vector.broadcast %add3A_534 : i32 to vector<16xi32>
    %add3A_536 = arith.addi %add3A_535, %iota3A : vector<16xi32>
    %eq3A_537 = vector.broadcast %reduce_max3A_405 : f32 to vector<16xf32>
    %eq3A_538 = arith.cmpf oeq, %get3A_532, %eq3A_537 : vector<16xf32>
    %jit3A_539 = arith.constant 32768 : i32
    %broadcast_in_dim3A_540 = vector.broadcast %jit3A_539 : i32 to vector<16xi32>
    %select_n3A_541 = arith.select %eq3A_538, %add3A_536, %broadcast_in_dim3A_540 : vector<16xi1>, vector<16xi32>
    %min3A_542 = arith.minsi %min3A_527, %select_n3A_541 : vector<16xi32>
    %add3A_543 = arith.constant 128 : i32
    %add3A_544 = arith.addi %mul3A_420, %add3A_543 : i32
    %multiple_of3A_545 = tpu.assume_multiple %add3A_544, 16 : i32
    %get3A_546 = arith.index_cast %multiple_of3A_545 : i32 to index
    %get3A_547 = tpu.vector_load %arg5[%get3A_546] {strides = array<i32>} : memref<32768xf32, #tpu.memory_space<vmem>>, vector<16xf32>,
    %add3A_548 = arith.constant 128 : i32
    %add3A_549 = arith.addi %mul3A_420, %add3A_548 : i32
    %add3A_550 = vector.broadcast %add3A_549 : i32 to vector<16xi32>
    %add3A_551 = arith.addi %add3A_550, %iota3A : vector<16xi32>
    %eq3A_552 = vector.broadcast %reduce_max3A_405 : f32 to vector<16xf32>
    %eq3A_553 = arith.cmpf oeq, %get3A_547, %eq3A_552 : vector<16xf32>
    %jit3A_554 = arith.constant 32768 : i32
    %broadcast_in_dim3A_555 = vector.broadcast %jit3A_554 : i32 to vector<16xi32>
    %select_n3A_556 = arith.select %eq3A_553, %add3A_551, %broadcast_in_dim3A_555 : vector<16xi1>, vector<16xi32>
    %min3A_557 = arith.minsi %min3A_542, %select_n3A_556 : vector<16xi32>
    %add3A_558 = arith.constant 144 : i32
    %add3A_559 = arith.addi %mul3A_420, %add3A_558 : i32
    %multiple_of3A_560 = tpu.assume_multiple %add3A_559, 16 : i32
    %get3A_561 = arith.index_cast %multiple_of3A_560 : i32 to index
    %get3A_562 = tpu.vector_load %arg5[%get3A_561] {strides = array<i32>} : memref<32768xf32, #tpu.memory_space<vmem>>, vector<16xf32>,
    %add3A_563 = arith.constant 144 : i32
    %add3A_564 = arith.addi %mul3A_420, %add3A_563 : i32
    %add3A_565 = vector.broadcast %add3A_564 : i32 to vector<16xi32>
    %add3A_566 = arith.addi %add3A_565, %iota3A : vector<16xi32>
    %eq3A_567 = vector.broadcast %reduce_max3A_405 : f32 to vector<16xf32>
    %eq3A_568 = arith.cmpf oeq, %get3A_562, %eq3A_567 : vector<16xf32>
    %jit3A_569 = arith.constant 32768 : i32
    %broadcast_in_dim3A_570 = vector.broadcast %jit3A_569 : i32 to vector<16xi32>
    %select_n3A_571 = arith.select %eq3A_568, %add3A_566, %broadcast_in_dim3A_570 : vector<16xi1>, vector<16xi32>
    %min3A_572 = arith.minsi %min3A_557, %select_n3A_571 : vector<16xi32>
    %add3A_573 = arith.constant 160 : i32
    %add3A_574 = arith.addi %mul3A_420, %add3A_573 : i32
    %multiple_of3A_575 = tpu.assume_multiple %add3A_574, 16 : i32
    %get3A_576 = arith.index_cast %multiple_of3A_575 : i32 to index
    %get3A_577 = tpu.vector_load %arg5[%get3A_576] {strides = array<i32>} : memref<32768xf32, #tpu.memory_space<vmem>>, vector<16xf32>,
    %add3A_578 = arith.constant 160 : i32
    %add3A_579 = arith.addi %mul3A_420, %add3A_578 : i32
    %add3A_580 = vector.broadcast %add3A_579 : i32 to vector<16xi32>
    %add3A_581 = arith.addi %add3A_580, %iota3A : vector<16xi32>
    %eq3A_582 = vector.broadcast %reduce_max3A_405 : f32 to vector<16xf32>
    %eq3A_583 = arith.cmpf oeq, %get3A_577, %eq3A_582 : vector<16xf32>
    %jit3A_584 = arith.constant 32768 : i32
    %broadcast_in_dim3A_585 = vector.broadcast %jit3A_584 : i32 to vector<16xi32>
    %select_n3A_586 = arith.select %eq3A_583, %add3A_581, %broadcast_in_dim3A_585 : vector<16xi1>, vector<16xi32>
    %min3A_587 = arith.minsi %min3A_572, %select_n3A_586 : vector<16xi32>
    %add3A_588 = arith.constant 176 : i32
    %add3A_589 = arith.addi %mul3A_420, %add3A_588 : i32
    %multiple_of3A_590 = tpu.assume_multiple %add3A_589, 16 : i32
    %get3A_591 = arith.index_cast %multiple_of3A_590 : i32 to index
    %get3A_592 = tpu.vector_load %arg5[%get3A_591] {strides = array<i32>} : memref<32768xf32, #tpu.memory_space<vmem>>, vector<16xf32>,
    %add3A_593 = arith.constant 176 : i32
    %add3A_594 = arith.addi %mul3A_420, %add3A_593 : i32
    %add3A_595 = vector.broadcast %add3A_594 : i32 to vector<16xi32>
    %add3A_596 = arith.addi %add3A_595, %iota3A : vector<16xi32>
    %eq3A_597 = vector.broadcast %reduce_max3A_405 : f32 to vector<16xf32>
    %eq3A_598 = arith.cmpf oeq, %get3A_592, %eq3A_597 : vector<16xf32>
    %jit3A_599 = arith.constant 32768 : i32
    %broadcast_in_dim3A_600 = vector.broadcast %jit3A_599 : i32 to vector<16xi32>
    %select_n3A_601 = arith.select %eq3A_598, %add3A_596, %broadcast_in_dim3A_600 : vector<16xi1>, vector<16xi32>
    %min3A_602 = arith.minsi %min3A_587, %select_n3A_601 : vector<16xi32>
    %add3A_603 = arith.constant 192 : i32
    %add3A_604 = arith.addi %mul3A_420, %add3A_603 : i32
    %multiple_of3A_605 = tpu.assume_multiple %add3A_604, 16 : i32
    %get3A_606 = arith.index_cast %multiple_of3A_605 : i32 to index
    %get3A_607 = tpu.vector_load %arg5[%get3A_606] {strides = array<i32>} : memref<32768xf32, #tpu.memory_space<vmem>>, vector<16xf32>,
    %add3A_608 = arith.constant 192 : i32
    %add3A_609 = arith.addi %mul3A_420, %add3A_608 : i32
    %add3A_610 = vector.broadcast %add3A_609 : i32 to vector<16xi32>
    %add3A_611 = arith.addi %add3A_610, %iota3A : vector<16xi32>
    %eq3A_612 = vector.broadcast %reduce_max3A_405 : f32 to vector<16xf32>
    %eq3A_613 = arith.cmpf oeq, %get3A_607, %eq3A_612 : vector<16xf32>
    %jit3A_614 = arith.constant 32768 : i32
    %broadcast_in_dim3A_615 = vector.broadcast %jit3A_614 : i32 to vector<16xi32>
    %select_n3A_616 = arith.select %eq3A_613, %add3A_611, %broadcast_in_dim3A_615 : vector<16xi1>, vector<16xi32>
    %min3A_617 = arith.minsi %min3A_602, %select_n3A_616 : vector<16xi32>
    %add3A_618 = arith.constant 208 : i32
    %add3A_619 = arith.addi %mul3A_420, %add3A_618 : i32
    %multiple_of3A_620 = tpu.assume_multiple %add3A_619, 16 : i32
    %get3A_621 = arith.index_cast %multiple_of3A_620 : i32 to index
    %get3A_622 = tpu.vector_load %arg5[%get3A_621] {strides = array<i32>} : memref<32768xf32, #tpu.memory_space<vmem>>, vector<16xf32>,
    %add3A_623 = arith.constant 208 : i32
    %add3A_624 = arith.addi %mul3A_420, %add3A_623 : i32
    %add3A_625 = vector.broadcast %add3A_624 : i32 to vector<16xi32>
    %add3A_626 = arith.addi %add3A_625, %iota3A : vector<16xi32>
    %eq3A_627 = vector.broadcast %reduce_max3A_405 : f32 to vector<16xf32>
    %eq3A_628 = arith.cmpf oeq, %get3A_622, %eq3A_627 : vector<16xf32>
    %jit3A_629 = arith.constant 32768 : i32
    %broadcast_in_dim3A_630 = vector.broadcast %jit3A_629 : i32 to vector<16xi32>
    %select_n3A_631 = arith.select %eq3A_628, %add3A_626, %broadcast_in_dim3A_630 : vector<16xi1>, vector<16xi32>
    %min3A_632 = arith.minsi %min3A_617, %select_n3A_631 : vector<16xi32>
    %add3A_633 = arith.constant 224 : i32
    %add3A_634 = arith.addi %mul3A_420, %add3A_633 : i32
    %multiple_of3A_635 = tpu.assume_multiple %add3A_634, 16 : i32
    %get3A_636 = arith.index_cast %multiple_of3A_635 : i32 to index
    %get3A_637 = tpu.vector_load %arg5[%get3A_636] {strides = array<i32>} : memref<32768xf32, #tpu.memory_space<vmem>>, vector<16xf32>,
    %add3A_638 = arith.constant 224 : i32
    %add3A_639 = arith.addi %mul3A_420, %add3A_638 : i32
    %add3A_640 = vector.broadcast %add3A_639 : i32 to vector<16xi32>
    %add3A_641 = arith.addi %add3A_640, %iota3A : vector<16xi32>
    %eq3A_642 = vector.broadcast %reduce_max3A_405 : f32 to vector<16xf32>
    %eq3A_643 = arith.cmpf oeq, %get3A_637, %eq3A_642 : vector<16xf32>
    %jit3A_644 = arith.constant 32768 : i32
    %broadcast_in_dim3A_645 = vector.broadcast %jit3A_644 : i32 to vector<16xi32>
    %select_n3A_646 = arith.select %eq3A_643, %add3A_641, %broadcast_in_dim3A_645 : vector<16xi1>, vector<16xi32>
    %min3A_647 = arith.minsi %min3A_632, %select_n3A_646 : vector<16xi32>
    %add3A_648 = arith.constant 240 : i32
    %add3A_649 = arith.addi %mul3A_420, %add3A_648 : i32
    %multiple_of3A_650 = tpu.assume_multiple %add3A_649, 16 : i32
    %get3A_651 = arith.index_cast %multiple_of3A_650 : i32 to index
    %get3A_652 = tpu.vector_load %arg5[%get3A_651] {strides = array<i32>} : memref<32768xf32, #tpu.memory_space<vmem>>, vector<16xf32>,
    %add3A_653 = arith.constant 240 : i32
    %add3A_654 = arith.addi %mul3A_420, %add3A_653 : i32
    %add3A_655 = vector.broadcast %add3A_654 : i32 to vector<16xi32>
    %add3A_656 = arith.addi %add3A_655, %iota3A : vector<16xi32>
    %eq3A_657 = vector.broadcast %reduce_max3A_405 : f32 to vector<16xf32>
    %eq3A_658 = arith.cmpf oeq, %get3A_652, %eq3A_657 : vector<16xf32>
    %jit3A_659 = arith.constant 32768 : i32
    %broadcast_in_dim3A_660 = vector.broadcast %jit3A_659 : i32 to vector<16xi32>
    %select_n3A_661 = arith.select %eq3A_658, %add3A_656, %broadcast_in_dim3A_660 : vector<16xi1>, vector<16xi32>
    %min3A_662 = arith.minsi %min3A_647, %select_n3A_661 : vector<16xi32>
    %reduce_min3A_663 = arith.constant true
    %reduce_min3A_664 = vector.broadcast %reduce_min3A_663 : i1 to vector<16xi1>
    %reduce_min3A_665 = arith.constant -2147483648 : i32
    %reduce_min3A_666 = vector.broadcast %reduce_min3A_665 : i32 to vector<16xi32>
    %reduce_min3A_667 = arith.xori %min3A_662, %reduce_min3A_666 : vector<16xi32>
    %reduce_min3A_668 = tpu.scan <min>, %reduce_min3A_667 masked %reduce_min3A_664 : vector<16xi32>, vector<16xi1> -> vector<16xi32>
    %reduce_min3A_669 = arith.xori %reduce_min3A_668, %reduce_min3A_666 : vector<16xi32>
    %reduce_min3A_670 = vector.extract %reduce_min3A_669[15] : i32 from vector<16xi32>
    %rem3A_671 = arith.constant 16 : i32
    %rem3A_672 = arith.remsi %reduce_min3A_670, %rem3A_671 : i32
    %sub3A_673 = arith.subi %reduce_min3A_670, %rem3A_672 : i32
    %eq3A_674 = vector.broadcast %rem3A_672 : i32 to vector<16xi32>
    %eq3A_675 = arith.cmpi eq, %iota3A, %eq3A_674 : vector<16xi32>
    %jit3A_676 = arith.constant 1.000000e+00 : f32
    %jit3A_677 = arith.constant 0.000000e+00 : f32
    %broadcast_in_dim3A_678 = vector.broadcast %jit3A_676 : f32 to vector<16xf32>
    %broadcast_in_dim3A_679 = vector.broadcast %jit3A_677 : f32 to vector<16xf32>
    %select_n3A_680 = arith.select %eq3A_675, %broadcast_in_dim3A_678, %broadcast_in_dim3A_679 : vector<16xi1>, vector<16xf32>
    %swap3A_681 = arith.constant 16 : index
    %swap3A_682 = tpu.vector_load %arg8[%swap3A_681] {strides = array<i32>} : memref<64xf32, #tpu.memory_space<vmem>>, vector<16xf32>,
    tpu.vector_store %arg8[%swap3A_681], %select_n3A_680 {strides = array<i32>} : memref<64xf32, #tpu.memory_space<vmem>>, vector<16xf32>,
    %dma_wait3A_683 = arith.constant 0 : i32
    %dma_wait3A_684 = tpu.memref_slice %arg2[%add3A_85, %dma_wait3A_683] : memref<128x32768xf32, #tpu.memory_space<hbm>> -> memref<1x32768xf32, #tpu.memory_space<hbm>>
    %dma_wait3A_685 = tpu.memref_squeeze %dma_wait3A_684 : memref<1x32768xf32, #tpu.memory_space<hbm>> -> memref<32768xf32, #tpu.memory_space<hbm>>
    %dma_wait3A_686 = arith.constant 0 : i32
    %dma_wait3A_687 = tpu.memref_slice %arg2[%add3A_85, %dma_wait3A_686] : memref<128x32768xf32, #tpu.memory_space<hbm>> -> memref<1x32768xf32, #tpu.memory_space<hbm>>
    %dma_wait3A_688 = tpu.memref_squeeze %dma_wait3A_687 : memref<1x32768xf32, #tpu.memory_space<hbm>> -> memref<32768xf32, #tpu.memory_space<hbm>>
    tpu.wait_dma2 semaphore(%arg10 : memref<!tpu.dma_semaphore, #tpu.memory_space<semaphore_mem>>) src(%dma_wait3A_688 : memref<32768xf32, #tpu.memory_space<hbm>>) dst(%arg6 : memref<32768xf32, #tpu.memory_space<vmem>>)
    %broadcast_in_dim3A_689 = arith.constant 0xFF800000 : f32
    %broadcast_in_dim3A_690 = vector.broadcast %broadcast_in_dim3A_689 : f32 to vector<16xf32>
    %broadcast_in_dim3A_691 = arith.constant 0 : i32
    %broadcast_in_dim3A_692 = vector.broadcast %broadcast_in_dim3A_691 : i32 to vector<16xi32>
    %broadcast_in_dim3A_693 = arith.constant 0 : i32
    %broadcast_in_dim3A_694 = vector.broadcast %broadcast_in_dim3A_693 : i32 to vector<16xi32>
    %scan3A_695 = arith.constant 0 : i32
    %scan3A_696 = arith.constant 128 : i32
    %scan3A_697 = arith.addi %scan3A_695, %scan3A_696 : i32
    %scan3A_698 = arith.constant 1 : i32
    %scan3A_699:3 = scf.for %scan3A_1341 = %scan3A_695 to %scan3A_697 step %scan3A_698 iter_args(%scan3A_1342 = %broadcast_in_dim3A_690, %scan3A_1343 = %broadcast_in_dim3A_692, %scan3A_1344 = %broadcast_in_dim3A_694) -> (vector<16xf32>, vector<16xi32>, vector<16xi32>)  : i32 {
      %mul3A_1345 = arith.constant 256 : i32
      %mul3A_1346 = arith.muli %scan3A_1341, %mul3A_1345 : i32
      %multiple_of3A_1347 = tpu.assume_multiple %mul3A_1346, 16 : i32
      %get3A_1348 = arith.index_cast %multiple_of3A_1347 : i32 to index
      %get3A_1349 = tpu.vector_load %arg6[%get3A_1348] {strides = array<i32>} : memref<32768xf32, #tpu.memory_space<vmem>>, vector<16xf32>,
      %add3A_1350 = arith.constant 128 : i32
      %add3A_1351 = arith.addi %mul3A_1346, %add3A_1350 : i32
      %multiple_of3A_1352 = tpu.assume_multiple %add3A_1351, 16 : i32
      %get3A_1353 = arith.index_cast %multiple_of3A_1352 : i32 to index
      %get3A_1354 = tpu.vector_load %arg6[%get3A_1353] {strides = array<i32>} : memref<32768xf32, #tpu.memory_space<vmem>>, vector<16xf32>,
      %add3A_1355 = arith.constant 16 : i32
      %add3A_1356 = arith.addi %mul3A_1346, %add3A_1355 : i32
      %multiple_of3A_1357 = tpu.assume_multiple %add3A_1356, 16 : i32
      %get3A_1358 = arith.index_cast %multiple_of3A_1357 : i32 to index
      %get3A_1359 = tpu.vector_load %arg6[%get3A_1358] {strides = array<i32>} : memref<32768xf32, #tpu.memory_space<vmem>>, vector<16xf32>,
      %max3A = arith.maximumf %get3A_1349, %get3A_1359 : vector<16xf32>
      %add3A_1360 = arith.constant 144 : i32
      %add3A_1361 = arith.addi %mul3A_1346, %add3A_1360 : i32
      %multiple_of3A_1362 = tpu.assume_multiple %add3A_1361, 16 : i32
      %get3A_1363 = arith.index_cast %multiple_of3A_1362 : i32 to index
      %get3A_1364 = tpu.vector_load %arg6[%get3A_1363] {strides = array<i32>} : memref<32768xf32, #tpu.memory_space<vmem>>, vector<16xf32>,
      %max3A_1365 = arith.maximumf %get3A_1354, %get3A_1364 : vector<16xf32>
      %add3A_1366 = arith.constant 32 : i32
      %add3A_1367 = arith.addi %mul3A_1346, %add3A_1366 : i32
      %multiple_of3A_1368 = tpu.assume_multiple %add3A_1367, 16 : i32
      %get3A_1369 = arith.index_cast %multiple_of3A_1368 : i32 to index
      %get3A_1370 = tpu.vector_load %arg6[%get3A_1369] {strides = array<i32>} : memref<32768xf32, #tpu.memory_space<vmem>>, vector<16xf32>,
      %max3A_1371 = arith.maximumf %max3A, %get3A_1370 : vector<16xf32>
      %add3A_1372 = arith.constant 160 : i32
      %add3A_1373 = arith.addi %mul3A_1346, %add3A_1372 : i32
      %multiple_of3A_1374 = tpu.assume_multiple %add3A_1373, 16 : i32
      %get3A_1375 = arith.index_cast %multiple_of3A_1374 : i32 to index
      %get3A_1376 = tpu.vector_load %arg6[%get3A_1375] {strides = array<i32>} : memref<32768xf32, #tpu.memory_space<vmem>>, vector<16xf32>,
      %max3A_1377 = arith.maximumf %max3A_1365, %get3A_1376 : vector<16xf32>
      %add3A_1378 = arith.constant 48 : i32
      %add3A_1379 = arith.addi %mul3A_1346, %add3A_1378 : i32
      %multiple_of3A_1380 = tpu.assume_multiple %add3A_1379, 16 : i32
      %get3A_1381 = arith.index_cast %multiple_of3A_1380 : i32 to index
      %get3A_1382 = tpu.vector_load %arg6[%get3A_1381] {strides = array<i32>} : memref<32768xf32, #tpu.memory_space<vmem>>, vector<16xf32>,
      %max3A_1383 = arith.maximumf %max3A_1371, %get3A_1382 : vector<16xf32>
      %add3A_1384 = arith.constant 176 : i32
      %add3A_1385 = arith.addi %mul3A_1346, %add3A_1384 : i32
      %multiple_of3A_1386 = tpu.assume_multiple %add3A_1385, 16 : i32
      %get3A_1387 = arith.index_cast %multiple_of3A_1386 : i32 to index
      %get3A_1388 = tpu.vector_load %arg6[%get3A_1387] {strides = array<i32>} : memref<32768xf32, #tpu.memory_space<vmem>>, vector<16xf32>,
      %max3A_1389 = arith.maximumf %max3A_1377, %get3A_1388 : vector<16xf32>
      %add3A_1390 = arith.constant 64 : i32
      %add3A_1391 = arith.addi %mul3A_1346, %add3A_1390 : i32
      %multiple_of3A_1392 = tpu.assume_multiple %add3A_1391, 16 : i32
      %get3A_1393 = arith.index_cast %multiple_of3A_1392 : i32 to index
      %get3A_1394 = tpu.vector_load %arg6[%get3A_1393] {strides = array<i32>} : memref<32768xf32, #tpu.memory_space<vmem>>, vector<16xf32>,
      %max3A_1395 = arith.maximumf %max3A_1383, %get3A_1394 : vector<16xf32>
      %add3A_1396 = arith.constant 192 : i32
      %add3A_1397 = arith.addi %mul3A_1346, %add3A_1396 : i32
      %multiple_of3A_1398 = tpu.assume_multiple %add3A_1397, 16 : i32
      %get3A_1399 = arith.index_cast %multiple_of3A_1398 : i32 to index
      %get3A_1400 = tpu.vector_load %arg6[%get3A_1399] {strides = array<i32>} : memref<32768xf32, #tpu.memory_space<vmem>>, vector<16xf32>,
      %max3A_1401 = arith.maximumf %max3A_1389, %get3A_1400 : vector<16xf32>
      %add3A_1402 = arith.constant 80 : i32
      %add3A_1403 = arith.addi %mul3A_1346, %add3A_1402 : i32
      %multiple_of3A_1404 = tpu.assume_multiple %add3A_1403, 16 : i32
      %get3A_1405 = arith.index_cast %multiple_of3A_1404 : i32 to index
      %get3A_1406 = tpu.vector_load %arg6[%get3A_1405] {strides = array<i32>} : memref<32768xf32, #tpu.memory_space<vmem>>, vector<16xf32>,
      %max3A_1407 = arith.maximumf %max3A_1395, %get3A_1406 : vector<16xf32>
      %add3A_1408 = arith.constant 208 : i32
      %add3A_1409 = arith.addi %mul3A_1346, %add3A_1408 : i32
      %multiple_of3A_1410 = tpu.assume_multiple %add3A_1409, 16 : i32
      %get3A_1411 = arith.index_cast %multiple_of3A_1410 : i32 to index
      %get3A_1412 = tpu.vector_load %arg6[%get3A_1411] {strides = array<i32>} : memref<32768xf32, #tpu.memory_space<vmem>>, vector<16xf32>,
      %max3A_1413 = arith.maximumf %max3A_1401, %get3A_1412 : vector<16xf32>
      %add3A_1414 = arith.constant 96 : i32
      %add3A_1415 = arith.addi %mul3A_1346, %add3A_1414 : i32
      %multiple_of3A_1416 = tpu.assume_multiple %add3A_1415, 16 : i32
      %get3A_1417 = arith.index_cast %multiple_of3A_1416 : i32 to index
      %get3A_1418 = tpu.vector_load %arg6[%get3A_1417] {strides = array<i32>} : memref<32768xf32, #tpu.memory_space<vmem>>, vector<16xf32>,
      %max3A_1419 = arith.maximumf %max3A_1407, %get3A_1418 : vector<16xf32>
      %add3A_1420 = arith.constant 224 : i32
      %add3A_1421 = arith.addi %mul3A_1346, %add3A_1420 : i32
      %multiple_of3A_1422 = tpu.assume_multiple %add3A_1421, 16 : i32
      %get3A_1423 = arith.index_cast %multiple_of3A_1422 : i32 to index
      %get3A_1424 = tpu.vector_load %arg6[%get3A_1423] {strides = array<i32>} : memref<32768xf32, #tpu.memory_space<vmem>>, vector<16xf32>,
      %max3A_1425 = arith.maximumf %max3A_1413, %get3A_1424 : vector<16xf32>
      %add3A_1426 = arith.constant 112 : i32
      %add3A_1427 = arith.addi %mul3A_1346, %add3A_1426 : i32
      %multiple_of3A_1428 = tpu.assume_multiple %add3A_1427, 16 : i32
      %get3A_1429 = arith.index_cast %multiple_of3A_1428 : i32 to index
      %get3A_1430 = tpu.vector_load %arg6[%get3A_1429] {strides = array<i32>} : memref<32768xf32, #tpu.memory_space<vmem>>, vector<16xf32>,
      %max3A_1431 = arith.maximumf %max3A_1419, %get3A_1430 : vector<16xf32>
      %add3A_1432 = arith.constant 240 : i32
      %add3A_1433 = arith.addi %mul3A_1346, %add3A_1432 : i32
      %multiple_of3A_1434 = tpu.assume_multiple %add3A_1433, 16 : i32
      %get3A_1435 = arith.index_cast %multiple_of3A_1434 : i32 to index
      %get3A_1436 = tpu.vector_load %arg6[%get3A_1435] {strides = array<i32>} : memref<32768xf32, #tpu.memory_space<vmem>>, vector<16xf32>,
      %max3A_1437 = arith.maximumf %max3A_1425, %get3A_1436 : vector<16xf32>
      %max3A_1438 = arith.maximumf %max3A_1431, %max3A_1437 : vector<16xf32>
      %gt3A = arith.cmpf ogt, %max3A_1438, %scan3A_1342 : vector<16xf32>
      %max3A_1439 = arith.maximumf %scan3A_1342, %max3A_1438 : vector<16xf32>
      %select_n3A_1440 = arith.select %gt3A, %scan3A_1344, %scan3A_1343 : vector<16xi1>, vector<16xi32>
      %add3A_1441 = arith.constant 1 : i32
      %add3A_1442 = vector.broadcast %add3A_1441 : i32 to vector<16xi32>
      %add3A_1443 = arith.addi %scan3A_1344, %add3A_1442 : vector<16xi32>
      scf.yield %max3A_1439, %select_n3A_1440, %add3A_1443 : vector<16xf32>, vector<16xi32>, vector<16xi32>
    }
    %scan3A_700 = arith.constant 128 : i32
    %reduce_max3A_701 = arith.constant true
    %reduce_max3A_702 = vector.broadcast %reduce_max3A_701 : i1 to vector<16xi1>
    %reduce_max3A_703 = tpu.scan <max>, %scan3A_699#0 masked %reduce_max3A_702 : vector<16xf32>, vector<16xi1> -> vector<16xf32>
    %reduce_max3A_704 = vector.extract %reduce_max3A_703[15] : f32 from vector<16xf32>
    %eq3A_705 = vector.broadcast %reduce_max3A_704 : f32 to vector<16xf32>
    %eq3A_706 = arith.cmpf oeq, %scan3A_699#0, %eq3A_705 : vector<16xf32>
    %jit3A_707 = arith.constant 128 : i32
    %broadcast_in_dim3A_708 = vector.broadcast %jit3A_707 : i32 to vector<16xi32>
    %select_n3A_709 = arith.select %eq3A_706, %scan3A_699#1, %broadcast_in_dim3A_708 : vector<16xi1>, vector<16xi32>
    %reduce_min3A_710 = arith.constant true
    %reduce_min3A_711 = vector.broadcast %reduce_min3A_710 : i1 to vector<16xi1>
    %reduce_min3A_712 = arith.constant -2147483648 : i32
    %reduce_min3A_713 = vector.broadcast %reduce_min3A_712 : i32 to vector<16xi32>
    %reduce_min3A_714 = arith.xori %select_n3A_709, %reduce_min3A_713 : vector<16xi32>
    %reduce_min3A_715 = tpu.scan <min>, %reduce_min3A_714 masked %reduce_min3A_711 : vector<16xi32>, vector<16xi1> -> vector<16xi32>
    %reduce_min3A_716 = arith.xori %reduce_min3A_715, %reduce_min3A_713 : vector<16xi32>
    %reduce_min3A_717 = vector.extract %reduce_min3A_716[15] : i32 from vector<16xi32>
    %mul3A_718 = arith.constant 256 : i32
    %mul3A_719 = arith.muli %reduce_min3A_717, %mul3A_718 : i32
    %broadcast_in_dim3A_720 = arith.constant 32768 : i32
    %broadcast_in_dim3A_721 = vector.broadcast %broadcast_in_dim3A_720 : i32 to vector<16xi32>
    %add3A_722 = arith.constant 0 : i32
    %add3A_723 = arith.addi %mul3A_719, %add3A_722 : i32
    %multiple_of3A_724 = tpu.assume_multiple %add3A_723, 16 : i32
    %get3A_725 = arith.index_cast %multiple_of3A_724 : i32 to index
    %get3A_726 = tpu.vector_load %arg6[%get3A_725] {strides = array<i32>} : memref<32768xf32, #tpu.memory_space<vmem>>, vector<16xf32>,
    %add3A_727 = arith.constant 0 : i32
    %add3A_728 = arith.addi %mul3A_719, %add3A_727 : i32
    %add3A_729 = vector.broadcast %add3A_728 : i32 to vector<16xi32>
    %add3A_730 = arith.addi %add3A_729, %iota3A : vector<16xi32>
    %eq3A_731 = vector.broadcast %reduce_max3A_704 : f32 to vector<16xf32>
    %eq3A_732 = arith.cmpf oeq, %get3A_726, %eq3A_731 : vector<16xf32>
    %jit3A_733 = arith.constant 32768 : i32
    %broadcast_in_dim3A_734 = vector.broadcast %jit3A_733 : i32 to vector<16xi32>
    %select_n3A_735 = arith.select %eq3A_732, %add3A_730, %broadcast_in_dim3A_734 : vector<16xi1>, vector<16xi32>
    %min3A_736 = arith.minsi %broadcast_in_dim3A_721, %select_n3A_735 : vector<16xi32>
    %add3A_737 = arith.constant 16 : i32
    %add3A_738 = arith.addi %mul3A_719, %add3A_737 : i32
    %multiple_of3A_739 = tpu.assume_multiple %add3A_738, 16 : i32
    %get3A_740 = arith.index_cast %multiple_of3A_739 : i32 to index
    %get3A_741 = tpu.vector_load %arg6[%get3A_740] {strides = array<i32>} : memref<32768xf32, #tpu.memory_space<vmem>>, vector<16xf32>,
    %add3A_742 = arith.constant 16 : i32
    %add3A_743 = arith.addi %mul3A_719, %add3A_742 : i32
    %add3A_744 = vector.broadcast %add3A_743 : i32 to vector<16xi32>
    %add3A_745 = arith.addi %add3A_744, %iota3A : vector<16xi32>
    %eq3A_746 = vector.broadcast %reduce_max3A_704 : f32 to vector<16xf32>
    %eq3A_747 = arith.cmpf oeq, %get3A_741, %eq3A_746 : vector<16xf32>
    %jit3A_748 = arith.constant 32768 : i32
    %broadcast_in_dim3A_749 = vector.broadcast %jit3A_748 : i32 to vector<16xi32>
    %select_n3A_750 = arith.select %eq3A_747, %add3A_745, %broadcast_in_dim3A_749 : vector<16xi1>, vector<16xi32>
    %min3A_751 = arith.minsi %min3A_736, %select_n3A_750 : vector<16xi32>
    %add3A_752 = arith.constant 32 : i32
    %add3A_753 = arith.addi %mul3A_719, %add3A_752 : i32
    %multiple_of3A_754 = tpu.assume_multiple %add3A_753, 16 : i32
    %get3A_755 = arith.index_cast %multiple_of3A_754 : i32 to index
    %get3A_756 = tpu.vector_load %arg6[%get3A_755] {strides = array<i32>} : memref<32768xf32, #tpu.memory_space<vmem>>, vector<16xf32>,
    %add3A_757 = arith.constant 32 : i32
    %add3A_758 = arith.addi %mul3A_719, %add3A_757 : i32
    %add3A_759 = vector.broadcast %add3A_758 : i32 to vector<16xi32>
    %add3A_760 = arith.addi %add3A_759, %iota3A : vector<16xi32>
    %eq3A_761 = vector.broadcast %reduce_max3A_704 : f32 to vector<16xf32>
    %eq3A_762 = arith.cmpf oeq, %get3A_756, %eq3A_761 : vector<16xf32>
    %jit3A_763 = arith.constant 32768 : i32
    %broadcast_in_dim3A_764 = vector.broadcast %jit3A_763 : i32 to vector<16xi32>
    %select_n3A_765 = arith.select %eq3A_762, %add3A_760, %broadcast_in_dim3A_764 : vector<16xi1>, vector<16xi32>
    %min3A_766 = arith.minsi %min3A_751, %select_n3A_765 : vector<16xi32>
    %add3A_767 = arith.constant 48 : i32
    %add3A_768 = arith.addi %mul3A_719, %add3A_767 : i32
    %multiple_of3A_769 = tpu.assume_multiple %add3A_768, 16 : i32
    %get3A_770 = arith.index_cast %multiple_of3A_769 : i32 to index
    %get3A_771 = tpu.vector_load %arg6[%get3A_770] {strides = array<i32>} : memref<32768xf32, #tpu.memory_space<vmem>>, vector<16xf32>,
    %add3A_772 = arith.constant 48 : i32
    %add3A_773 = arith.addi %mul3A_719, %add3A_772 : i32
    %add3A_774 = vector.broadcast %add3A_773 : i32 to vector<16xi32>
    %add3A_775 = arith.addi %add3A_774, %iota3A : vector<16xi32>
    %eq3A_776 = vector.broadcast %reduce_max3A_704 : f32 to vector<16xf32>
    %eq3A_777 = arith.cmpf oeq, %get3A_771, %eq3A_776 : vector<16xf32>
    %jit3A_778 = arith.constant 32768 : i32
    %broadcast_in_dim3A_779 = vector.broadcast %jit3A_778 : i32 to vector<16xi32>
    %select_n3A_780 = arith.select %eq3A_777, %add3A_775, %broadcast_in_dim3A_779 : vector<16xi1>, vector<16xi32>
    %min3A_781 = arith.minsi %min3A_766, %select_n3A_780 : vector<16xi32>
    %add3A_782 = arith.constant 64 : i32
    %add3A_783 = arith.addi %mul3A_719, %add3A_782 : i32
    %multiple_of3A_784 = tpu.assume_multiple %add3A_783, 16 : i32
    %get3A_785 = arith.index_cast %multiple_of3A_784 : i32 to index
    %get3A_786 = tpu.vector_load %arg6[%get3A_785] {strides = array<i32>} : memref<32768xf32, #tpu.memory_space<vmem>>, vector<16xf32>,
    %add3A_787 = arith.constant 64 : i32
    %add3A_788 = arith.addi %mul3A_719, %add3A_787 : i32
    %add3A_789 = vector.broadcast %add3A_788 : i32 to vector<16xi32>
    %add3A_790 = arith.addi %add3A_789, %iota3A : vector<16xi32>
    %eq3A_791 = vector.broadcast %reduce_max3A_704 : f32 to vector<16xf32>
    %eq3A_792 = arith.cmpf oeq, %get3A_786, %eq3A_791 : vector<16xf32>
    %jit3A_793 = arith.constant 32768 : i32
    %broadcast_in_dim3A_794 = vector.broadcast %jit3A_793 : i32 to vector<16xi32>
    %select_n3A_795 = arith.select %eq3A_792, %add3A_790, %broadcast_in_dim3A_794 : vector<16xi1>, vector<16xi32>
    %min3A_796 = arith.minsi %min3A_781, %select_n3A_795 : vector<16xi32>
    %add3A_797 = arith.constant 80 : i32
    %add3A_798 = arith.addi %mul3A_719, %add3A_797 : i32
    %multiple_of3A_799 = tpu.assume_multiple %add3A_798, 16 : i32
    %get3A_800 = arith.index_cast %multiple_of3A_799 : i32 to index
    %get3A_801 = tpu.vector_load %arg6[%get3A_800] {strides = array<i32>} : memref<32768xf32, #tpu.memory_space<vmem>>, vector<16xf32>,
    %add3A_802 = arith.constant 80 : i32
    %add3A_803 = arith.addi %mul3A_719, %add3A_802 : i32
    %add3A_804 = vector.broadcast %add3A_803 : i32 to vector<16xi32>
    %add3A_805 = arith.addi %add3A_804, %iota3A : vector<16xi32>
    %eq3A_806 = vector.broadcast %reduce_max3A_704 : f32 to vector<16xf32>
    %eq3A_807 = arith.cmpf oeq, %get3A_801, %eq3A_806 : vector<16xf32>
    %jit3A_808 = arith.constant 32768 : i32
    %broadcast_in_dim3A_809 = vector.broadcast %jit3A_808 : i32 to vector<16xi32>
    %select_n3A_810 = arith.select %eq3A_807, %add3A_805, %broadcast_in_dim3A_809 : vector<16xi1>, vector<16xi32>
    %min3A_811 = arith.minsi %min3A_796, %select_n3A_810 : vector<16xi32>
    %add3A_812 = arith.constant 96 : i32
    %add3A_813 = arith.addi %mul3A_719, %add3A_812 : i32
    %multiple_of3A_814 = tpu.assume_multiple %add3A_813, 16 : i32
    %get3A_815 = arith.index_cast %multiple_of3A_814 : i32 to index
    %get3A_816 = tpu.vector_load %arg6[%get3A_815] {strides = array<i32>} : memref<32768xf32, #tpu.memory_space<vmem>>, vector<16xf32>,
    %add3A_817 = arith.constant 96 : i32
    %add3A_818 = arith.addi %mul3A_719, %add3A_817 : i32
    %add3A_819 = vector.broadcast %add3A_818 : i32 to vector<16xi32>
    %add3A_820 = arith.addi %add3A_819, %iota3A : vector<16xi32>
    %eq3A_821 = vector.broadcast %reduce_max3A_704 : f32 to vector<16xf32>
    %eq3A_822 = arith.cmpf oeq, %get3A_816, %eq3A_821 : vector<16xf32>
    %jit3A_823 = arith.constant 32768 : i32
    %broadcast_in_dim3A_824 = vector.broadcast %jit3A_823 : i32 to vector<16xi32>
    %select_n3A_825 = arith.select %eq3A_822, %add3A_820, %broadcast_in_dim3A_824 : vector<16xi1>, vector<16xi32>
    %min3A_826 = arith.minsi %min3A_811, %select_n3A_825 : vector<16xi32>
    %add3A_827 = arith.constant 112 : i32
    %add3A_828 = arith.addi %mul3A_719, %add3A_827 : i32
    %multiple_of3A_829 = tpu.assume_multiple %add3A_828, 16 : i32
    %get3A_830 = arith.index_cast %multiple_of3A_829 : i32 to index
    %get3A_831 = tpu.vector_load %arg6[%get3A_830] {strides = array<i32>} : memref<32768xf32, #tpu.memory_space<vmem>>, vector<16xf32>,
    %add3A_832 = arith.constant 112 : i32
    %add3A_833 = arith.addi %mul3A_719, %add3A_832 : i32
    %add3A_834 = vector.broadcast %add3A_833 : i32 to vector<16xi32>
    %add3A_835 = arith.addi %add3A_834, %iota3A : vector<16xi32>
    %eq3A_836 = vector.broadcast %reduce_max3A_704 : f32 to vector<16xf32>
    %eq3A_837 = arith.cmpf oeq, %get3A_831, %eq3A_836 : vector<16xf32>
    %jit3A_838 = arith.constant 32768 : i32
    %broadcast_in_dim3A_839 = vector.broadcast %jit3A_838 : i32 to vector<16xi32>
    %select_n3A_840 = arith.select %eq3A_837, %add3A_835, %broadcast_in_dim3A_839 : vector<16xi1>, vector<16xi32>
    %min3A_841 = arith.minsi %min3A_826, %select_n3A_840 : vector<16xi32>
    %add3A_842 = arith.constant 128 : i32
    %add3A_843 = arith.addi %mul3A_719, %add3A_842 : i32
    %multiple_of3A_844 = tpu.assume_multiple %add3A_843, 16 : i32
    %get3A_845 = arith.index_cast %multiple_of3A_844 : i32 to index
    %get3A_846 = tpu.vector_load %arg6[%get3A_845] {strides = array<i32>} : memref<32768xf32, #tpu.memory_space<vmem>>, vector<16xf32>,
    %add3A_847 = arith.constant 128 : i32
    %add3A_848 = arith.addi %mul3A_719, %add3A_847 : i32
    %add3A_849 = vector.broadcast %add3A_848 : i32 to vector<16xi32>
    %add3A_850 = arith.addi %add3A_849, %iota3A : vector<16xi32>
    %eq3A_851 = vector.broadcast %reduce_max3A_704 : f32 to vector<16xf32>
    %eq3A_852 = arith.cmpf oeq, %get3A_846, %eq3A_851 : vector<16xf32>
    %jit3A_853 = arith.constant 32768 : i32
    %broadcast_in_dim3A_854 = vector.broadcast %jit3A_853 : i32 to vector<16xi32>
    %select_n3A_855 = arith.select %eq3A_852, %add3A_850, %broadcast_in_dim3A_854 : vector<16xi1>, vector<16xi32>
    %min3A_856 = arith.minsi %min3A_841, %select_n3A_855 : vector<16xi32>
    %add3A_857 = arith.constant 144 : i32
    %add3A_858 = arith.addi %mul3A_719, %add3A_857 : i32
    %multiple_of3A_859 = tpu.assume_multiple %add3A_858, 16 : i32
    %get3A_860 = arith.index_cast %multiple_of3A_859 : i32 to index
    %get3A_861 = tpu.vector_load %arg6[%get3A_860] {strides = array<i32>} : memref<32768xf32, #tpu.memory_space<vmem>>, vector<16xf32>,
    %add3A_862 = arith.constant 144 : i32
    %add3A_863 = arith.addi %mul3A_719, %add3A_862 : i32
    %add3A_864 = vector.broadcast %add3A_863 : i32 to vector<16xi32>
    %add3A_865 = arith.addi %add3A_864, %iota3A : vector<16xi32>
    %eq3A_866 = vector.broadcast %reduce_max3A_704 : f32 to vector<16xf32>
    %eq3A_867 = arith.cmpf oeq, %get3A_861, %eq3A_866 : vector<16xf32>
    %jit3A_868 = arith.constant 32768 : i32
    %broadcast_in_dim3A_869 = vector.broadcast %jit3A_868 : i32 to vector<16xi32>
    %select_n3A_870 = arith.select %eq3A_867, %add3A_865, %broadcast_in_dim3A_869 : vector<16xi1>, vector<16xi32>
    %min3A_871 = arith.minsi %min3A_856, %select_n3A_870 : vector<16xi32>
    %add3A_872 = arith.constant 160 : i32
    %add3A_873 = arith.addi %mul3A_719, %add3A_872 : i32
    %multiple_of3A_874 = tpu.assume_multiple %add3A_873, 16 : i32
    %get3A_875 = arith.index_cast %multiple_of3A_874 : i32 to index
    %get3A_876 = tpu.vector_load %arg6[%get3A_875] {strides = array<i32>} : memref<32768xf32, #tpu.memory_space<vmem>>, vector<16xf32>,
    %add3A_877 = arith.constant 160 : i32
    %add3A_878 = arith.addi %mul3A_719, %add3A_877 : i32
    %add3A_879 = vector.broadcast %add3A_878 : i32 to vector<16xi32>
    %add3A_880 = arith.addi %add3A_879, %iota3A : vector<16xi32>
    %eq3A_881 = vector.broadcast %reduce_max3A_704 : f32 to vector<16xf32>
    %eq3A_882 = arith.cmpf oeq, %get3A_876, %eq3A_881 : vector<16xf32>
    %jit3A_883 = arith.constant 32768 : i32
    %broadcast_in_dim3A_884 = vector.broadcast %jit3A_883 : i32 to vector<16xi32>
    %select_n3A_885 = arith.select %eq3A_882, %add3A_880, %broadcast_in_dim3A_884 : vector<16xi1>, vector<16xi32>
    %min3A_886 = arith.minsi %min3A_871, %select_n3A_885 : vector<16xi32>
    %add3A_887 = arith.constant 176 : i32
    %add3A_888 = arith.addi %mul3A_719, %add3A_887 : i32
    %multiple_of3A_889 = tpu.assume_multiple %add3A_888, 16 : i32
    %get3A_890 = arith.index_cast %multiple_of3A_889 : i32 to index
    %get3A_891 = tpu.vector_load %arg6[%get3A_890] {strides = array<i32>} : memref<32768xf32, #tpu.memory_space<vmem>>, vector<16xf32>,
    %add3A_892 = arith.constant 176 : i32
    %add3A_893 = arith.addi %mul3A_719, %add3A_892 : i32
    %add3A_894 = vector.broadcast %add3A_893 : i32 to vector<16xi32>
    %add3A_895 = arith.addi %add3A_894, %iota3A : vector<16xi32>
    %eq3A_896 = vector.broadcast %reduce_max3A_704 : f32 to vector<16xf32>
    %eq3A_897 = arith.cmpf oeq, %get3A_891, %eq3A_896 : vector<16xf32>
    %jit3A_898 = arith.constant 32768 : i32
    %broadcast_in_dim3A_899 = vector.broadcast %jit3A_898 : i32 to vector<16xi32>
    %select_n3A_900 = arith.select %eq3A_897, %add3A_895, %broadcast_in_dim3A_899 : vector<16xi1>, vector<16xi32>
    %min3A_901 = arith.minsi %min3A_886, %select_n3A_900 : vector<16xi32>
    %add3A_902 = arith.constant 192 : i32
    %add3A_903 = arith.addi %mul3A_719, %add3A_902 : i32
    %multiple_of3A_904 = tpu.assume_multiple %add3A_903, 16 : i32
    %get3A_905 = arith.index_cast %multiple_of3A_904 : i32 to index
    %get3A_906 = tpu.vector_load %arg6[%get3A_905] {strides = array<i32>} : memref<32768xf32, #tpu.memory_space<vmem>>, vector<16xf32>,
    %add3A_907 = arith.constant 192 : i32
    %add3A_908 = arith.addi %mul3A_719, %add3A_907 : i32
    %add3A_909 = vector.broadcast %add3A_908 : i32 to vector<16xi32>
    %add3A_910 = arith.addi %add3A_909, %iota3A : vector<16xi32>
    %eq3A_911 = vector.broadcast %reduce_max3A_704 : f32 to vector<16xf32>
    %eq3A_912 = arith.cmpf oeq, %get3A_906, %eq3A_911 : vector<16xf32>
    %jit3A_913 = arith.constant 32768 : i32
    %broadcast_in_dim3A_914 = vector.broadcast %jit3A_913 : i32 to vector<16xi32>
    %select_n3A_915 = arith.select %eq3A_912, %add3A_910, %broadcast_in_dim3A_914 : vector<16xi1>, vector<16xi32>
    %min3A_916 = arith.minsi %min3A_901, %select_n3A_915 : vector<16xi32>
    %add3A_917 = arith.constant 208 : i32
    %add3A_918 = arith.addi %mul3A_719, %add3A_917 : i32
    %multiple_of3A_919 = tpu.assume_multiple %add3A_918, 16 : i32
    %get3A_920 = arith.index_cast %multiple_of3A_919 : i32 to index
    %get3A_921 = tpu.vector_load %arg6[%get3A_920] {strides = array<i32>} : memref<32768xf32, #tpu.memory_space<vmem>>, vector<16xf32>,
    %add3A_922 = arith.constant 208 : i32
    %add3A_923 = arith.addi %mul3A_719, %add3A_922 : i32
    %add3A_924 = vector.broadcast %add3A_923 : i32 to vector<16xi32>
    %add3A_925 = arith.addi %add3A_924, %iota3A : vector<16xi32>
    %eq3A_926 = vector.broadcast %reduce_max3A_704 : f32 to vector<16xf32>
    %eq3A_927 = arith.cmpf oeq, %get3A_921, %eq3A_926 : vector<16xf32>
    %jit3A_928 = arith.constant 32768 : i32
    %broadcast_in_dim3A_929 = vector.broadcast %jit3A_928 : i32 to vector<16xi32>
    %select_n3A_930 = arith.select %eq3A_927, %add3A_925, %broadcast_in_dim3A_929 : vector<16xi1>, vector<16xi32>
    %min3A_931 = arith.minsi %min3A_916, %select_n3A_930 : vector<16xi32>
    %add3A_932 = arith.constant 224 : i32
    %add3A_933 = arith.addi %mul3A_719, %add3A_932 : i32
    %multiple_of3A_934 = tpu.assume_multiple %add3A_933, 16 : i32
    %get3A_935 = arith.index_cast %multiple_of3A_934 : i32 to index
    %get3A_936 = tpu.vector_load %arg6[%get3A_935] {strides = array<i32>} : memref<32768xf32, #tpu.memory_space<vmem>>, vector<16xf32>,
    %add3A_937 = arith.constant 224 : i32
    %add3A_938 = arith.addi %mul3A_719, %add3A_937 : i32
    %add3A_939 = vector.broadcast %add3A_938 : i32 to vector<16xi32>
    %add3A_940 = arith.addi %add3A_939, %iota3A : vector<16xi32>
    %eq3A_941 = vector.broadcast %reduce_max3A_704 : f32 to vector<16xf32>
    %eq3A_942 = arith.cmpf oeq, %get3A_936, %eq3A_941 : vector<16xf32>
    %jit3A_943 = arith.constant 32768 : i32
    %broadcast_in_dim3A_944 = vector.broadcast %jit3A_943 : i32 to vector<16xi32>
    %select_n3A_945 = arith.select %eq3A_942, %add3A_940, %broadcast_in_dim3A_944 : vector<16xi1>, vector<16xi32>
    %min3A_946 = arith.minsi %min3A_931, %select_n3A_945 : vector<16xi32>
    %add3A_947 = arith.constant 240 : i32
    %add3A_948 = arith.addi %mul3A_719, %add3A_947 : i32
    %multiple_of3A_949 = tpu.assume_multiple %add3A_948, 16 : i32
    %get3A_950 = arith.index_cast %multiple_of3A_949 : i32 to index
    %get3A_951 = tpu.vector_load %arg6[%get3A_950] {strides = array<i32>} : memref<32768xf32, #tpu.memory_space<vmem>>, vector<16xf32>,
    %add3A_952 = arith.constant 240 : i32
    %add3A_953 = arith.addi %mul3A_719, %add3A_952 : i32
    %add3A_954 = vector.broadcast %add3A_953 : i32 to vector<16xi32>
    %add3A_955 = arith.addi %add3A_954, %iota3A : vector<16xi32>
    %eq3A_956 = vector.broadcast %reduce_max3A_704 : f32 to vector<16xf32>
    %eq3A_957 = arith.cmpf oeq, %get3A_951, %eq3A_956 : vector<16xf32>
    %jit3A_958 = arith.constant 32768 : i32
    %broadcast_in_dim3A_959 = vector.broadcast %jit3A_958 : i32 to vector<16xi32>
    %select_n3A_960 = arith.select %eq3A_957, %add3A_955, %broadcast_in_dim3A_959 : vector<16xi1>, vector<16xi32>
    %min3A_961 = arith.minsi %min3A_946, %select_n3A_960 : vector<16xi32>
    %reduce_min3A_962 = arith.constant true
    %reduce_min3A_963 = vector.broadcast %reduce_min3A_962 : i1 to vector<16xi1>
    %reduce_min3A_964 = arith.constant -2147483648 : i32
    %reduce_min3A_965 = vector.broadcast %reduce_min3A_964 : i32 to vector<16xi32>
    %reduce_min3A_966 = arith.xori %min3A_961, %reduce_min3A_965 : vector<16xi32>
    %reduce_min3A_967 = tpu.scan <min>, %reduce_min3A_966 masked %reduce_min3A_963 : vector<16xi32>, vector<16xi1> -> vector<16xi32>
    %reduce_min3A_968 = arith.xori %reduce_min3A_967, %reduce_min3A_965 : vector<16xi32>
    %reduce_min3A_969 = vector.extract %reduce_min3A_968[15] : i32 from vector<16xi32>
    %rem3A_970 = arith.constant 16 : i32
    %rem3A_971 = arith.remsi %reduce_min3A_969, %rem3A_970 : i32
    %sub3A_972 = arith.subi %reduce_min3A_969, %rem3A_971 : i32
    %eq3A_973 = vector.broadcast %rem3A_971 : i32 to vector<16xi32>
    %eq3A_974 = arith.cmpi eq, %iota3A, %eq3A_973 : vector<16xi32>
    %jit3A_975 = arith.constant 1.000000e+00 : f32
    %jit3A_976 = arith.constant 0.000000e+00 : f32
    %broadcast_in_dim3A_977 = vector.broadcast %jit3A_975 : f32 to vector<16xf32>
    %broadcast_in_dim3A_978 = vector.broadcast %jit3A_976 : f32 to vector<16xf32>
    %select_n3A_979 = arith.select %eq3A_974, %broadcast_in_dim3A_977, %broadcast_in_dim3A_978 : vector<16xi1>, vector<16xf32>
    %swap3A_980 = arith.constant 32 : index
    %swap3A_981 = tpu.vector_load %arg8[%swap3A_980] {strides = array<i32>} : memref<64xf32, #tpu.memory_space<vmem>>, vector<16xf32>,
    tpu.vector_store %arg8[%swap3A_980], %select_n3A_979 {strides = array<i32>} : memref<64xf32, #tpu.memory_space<vmem>>, vector<16xf32>,
    %dma_wait3A_982 = arith.constant 0 : i32
    %dma_wait3A_983 = tpu.memref_slice %arg2[%add3A_383, %dma_wait3A_982] : memref<128x32768xf32, #tpu.memory_space<hbm>> -> memref<1x32768xf32, #tpu.memory_space<hbm>>
    %dma_wait3A_984 = tpu.memref_squeeze %dma_wait3A_983 : memref<1x32768xf32, #tpu.memory_space<hbm>> -> memref<32768xf32, #tpu.memory_space<hbm>>
    %dma_wait3A_985 = arith.constant 0 : i32
    %dma_wait3A_986 = tpu.memref_slice %arg2[%add3A_383, %dma_wait3A_985] : memref<128x32768xf32, #tpu.memory_space<hbm>> -> memref<1x32768xf32, #tpu.memory_space<hbm>>
    %dma_wait3A_987 = tpu.memref_squeeze %dma_wait3A_986 : memref<1x32768xf32, #tpu.memory_space<hbm>> -> memref<32768xf32, #tpu.memory_space<hbm>>
    tpu.wait_dma2 semaphore(%arg10 : memref<!tpu.dma_semaphore, #tpu.memory_space<semaphore_mem>>) src(%dma_wait3A_987 : memref<32768xf32, #tpu.memory_space<hbm>>) dst(%arg4 : memref<32768xf32, #tpu.memory_space<vmem>>)
    %broadcast_in_dim3A_988 = arith.constant 0xFF800000 : f32
    %broadcast_in_dim3A_989 = vector.broadcast %broadcast_in_dim3A_988 : f32 to vector<16xf32>
    %broadcast_in_dim3A_990 = arith.constant 0 : i32
    %broadcast_in_dim3A_991 = vector.broadcast %broadcast_in_dim3A_990 : i32 to vector<16xi32>
    %broadcast_in_dim3A_992 = arith.constant 0 : i32
    %broadcast_in_dim3A_993 = vector.broadcast %broadcast_in_dim3A_992 : i32 to vector<16xi32>
    %scan3A_994 = arith.constant 0 : i32
    %scan3A_995 = arith.constant 128 : i32
    %scan3A_996 = arith.addi %scan3A_994, %scan3A_995 : i32
    %scan3A_997 = arith.constant 1 : i32
    %scan3A_998:3 = scf.for %scan3A_1341 = %scan3A_994 to %scan3A_996 step %scan3A_997 iter_args(%scan3A_1342 = %broadcast_in_dim3A_989, %scan3A_1343 = %broadcast_in_dim3A_991, %scan3A_1344 = %broadcast_in_dim3A_993) -> (vector<16xf32>, vector<16xi32>, vector<16xi32>)  : i32 {
      %mul3A_1345 = arith.constant 256 : i32
      %mul3A_1346 = arith.muli %scan3A_1341, %mul3A_1345 : i32
      %multiple_of3A_1347 = tpu.assume_multiple %mul3A_1346, 16 : i32
      %get3A_1348 = arith.index_cast %multiple_of3A_1347 : i32 to index
      %get3A_1349 = tpu.vector_load %arg4[%get3A_1348] {strides = array<i32>} : memref<32768xf32, #tpu.memory_space<vmem>>, vector<16xf32>,
      %add3A_1350 = arith.constant 128 : i32
      %add3A_1351 = arith.addi %mul3A_1346, %add3A_1350 : i32
      %multiple_of3A_1352 = tpu.assume_multiple %add3A_1351, 16 : i32
      %get3A_1353 = arith.index_cast %multiple_of3A_1352 : i32 to index
      %get3A_1354 = tpu.vector_load %arg4[%get3A_1353] {strides = array<i32>} : memref<32768xf32, #tpu.memory_space<vmem>>, vector<16xf32>,
      %add3A_1355 = arith.constant 16 : i32
      %add3A_1356 = arith.addi %mul3A_1346, %add3A_1355 : i32
      %multiple_of3A_1357 = tpu.assume_multiple %add3A_1356, 16 : i32
      %get3A_1358 = arith.index_cast %multiple_of3A_1357 : i32 to index
      %get3A_1359 = tpu.vector_load %arg4[%get3A_1358] {strides = array<i32>} : memref<32768xf32, #tpu.memory_space<vmem>>, vector<16xf32>,
      %max3A = arith.maximumf %get3A_1349, %get3A_1359 : vector<16xf32>
      %add3A_1360 = arith.constant 144 : i32
      %add3A_1361 = arith.addi %mul3A_1346, %add3A_1360 : i32
      %multiple_of3A_1362 = tpu.assume_multiple %add3A_1361, 16 : i32
      %get3A_1363 = arith.index_cast %multiple_of3A_1362 : i32 to index
      %get3A_1364 = tpu.vector_load %arg4[%get3A_1363] {strides = array<i32>} : memref<32768xf32, #tpu.memory_space<vmem>>, vector<16xf32>,
      %max3A_1365 = arith.maximumf %get3A_1354, %get3A_1364 : vector<16xf32>
      %add3A_1366 = arith.constant 32 : i32
      %add3A_1367 = arith.addi %mul3A_1346, %add3A_1366 : i32
      %multiple_of3A_1368 = tpu.assume_multiple %add3A_1367, 16 : i32
      %get3A_1369 = arith.index_cast %multiple_of3A_1368 : i32 to index
      %get3A_1370 = tpu.vector_load %arg4[%get3A_1369] {strides = array<i32>} : memref<32768xf32, #tpu.memory_space<vmem>>, vector<16xf32>,
      %max3A_1371 = arith.maximumf %max3A, %get3A_1370 : vector<16xf32>
      %add3A_1372 = arith.constant 160 : i32
      %add3A_1373 = arith.addi %mul3A_1346, %add3A_1372 : i32
      %multiple_of3A_1374 = tpu.assume_multiple %add3A_1373, 16 : i32
      %get3A_1375 = arith.index_cast %multiple_of3A_1374 : i32 to index
      %get3A_1376 = tpu.vector_load %arg4[%get3A_1375] {strides = array<i32>} : memref<32768xf32, #tpu.memory_space<vmem>>, vector<16xf32>,
      %max3A_1377 = arith.maximumf %max3A_1365, %get3A_1376 : vector<16xf32>
      %add3A_1378 = arith.constant 48 : i32
      %add3A_1379 = arith.addi %mul3A_1346, %add3A_1378 : i32
      %multiple_of3A_1380 = tpu.assume_multiple %add3A_1379, 16 : i32
      %get3A_1381 = arith.index_cast %multiple_of3A_1380 : i32 to index
      %get3A_1382 = tpu.vector_load %arg4[%get3A_1381] {strides = array<i32>} : memref<32768xf32, #tpu.memory_space<vmem>>, vector<16xf32>,
      %max3A_1383 = arith.maximumf %max3A_1371, %get3A_1382 : vector<16xf32>
      %add3A_1384 = arith.constant 176 : i32
      %add3A_1385 = arith.addi %mul3A_1346, %add3A_1384 : i32
      %multiple_of3A_1386 = tpu.assume_multiple %add3A_1385, 16 : i32
      %get3A_1387 = arith.index_cast %multiple_of3A_1386 : i32 to index
      %get3A_1388 = tpu.vector_load %arg4[%get3A_1387] {strides = array<i32>} : memref<32768xf32, #tpu.memory_space<vmem>>, vector<16xf32>,
      %max3A_1389 = arith.maximumf %max3A_1377, %get3A_1388 : vector<16xf32>
      %add3A_1390 = arith.constant 64 : i32
      %add3A_1391 = arith.addi %mul3A_1346, %add3A_1390 : i32
      %multiple_of3A_1392 = tpu.assume_multiple %add3A_1391, 16 : i32
      %get3A_1393 = arith.index_cast %multiple_of3A_1392 : i32 to index
      %get3A_1394 = tpu.vector_load %arg4[%get3A_1393] {strides = array<i32>} : memref<32768xf32, #tpu.memory_space<vmem>>, vector<16xf32>,
      %max3A_1395 = arith.maximumf %max3A_1383, %get3A_1394 : vector<16xf32>
      %add3A_1396 = arith.constant 192 : i32
      %add3A_1397 = arith.addi %mul3A_1346, %add3A_1396 : i32
      %multiple_of3A_1398 = tpu.assume_multiple %add3A_1397, 16 : i32
      %get3A_1399 = arith.index_cast %multiple_of3A_1398 : i32 to index
      %get3A_1400 = tpu.vector_load %arg4[%get3A_1399] {strides = array<i32>} : memref<32768xf32, #tpu.memory_space<vmem>>, vector<16xf32>,
      %max3A_1401 = arith.maximumf %max3A_1389, %get3A_1400 : vector<16xf32>
      %add3A_1402 = arith.constant 80 : i32
      %add3A_1403 = arith.addi %mul3A_1346, %add3A_1402 : i32
      %multiple_of3A_1404 = tpu.assume_multiple %add3A_1403, 16 : i32
      %get3A_1405 = arith.index_cast %multiple_of3A_1404 : i32 to index
      %get3A_1406 = tpu.vector_load %arg4[%get3A_1405] {strides = array<i32>} : memref<32768xf32, #tpu.memory_space<vmem>>, vector<16xf32>,
      %max3A_1407 = arith.maximumf %max3A_1395, %get3A_1406 : vector<16xf32>
      %add3A_1408 = arith.constant 208 : i32
      %add3A_1409 = arith.addi %mul3A_1346, %add3A_1408 : i32
      %multiple_of3A_1410 = tpu.assume_multiple %add3A_1409, 16 : i32
      %get3A_1411 = arith.index_cast %multiple_of3A_1410 : i32 to index
      %get3A_1412 = tpu.vector_load %arg4[%get3A_1411] {strides = array<i32>} : memref<32768xf32, #tpu.memory_space<vmem>>, vector<16xf32>,
      %max3A_1413 = arith.maximumf %max3A_1401, %get3A_1412 : vector<16xf32>
      %add3A_1414 = arith.constant 96 : i32
      %add3A_1415 = arith.addi %mul3A_1346, %add3A_1414 : i32
      %multiple_of3A_1416 = tpu.assume_multiple %add3A_1415, 16 : i32
      %get3A_1417 = arith.index_cast %multiple_of3A_1416 : i32 to index
      %get3A_1418 = tpu.vector_load %arg4[%get3A_1417] {strides = array<i32>} : memref<32768xf32, #tpu.memory_space<vmem>>, vector<16xf32>,
      %max3A_1419 = arith.maximumf %max3A_1407, %get3A_1418 : vector<16xf32>
      %add3A_1420 = arith.constant 224 : i32
      %add3A_1421 = arith.addi %mul3A_1346, %add3A_1420 : i32
      %multiple_of3A_1422 = tpu.assume_multiple %add3A_1421, 16 : i32
      %get3A_1423 = arith.index_cast %multiple_of3A_1422 : i32 to index
      %get3A_1424 = tpu.vector_load %arg4[%get3A_1423] {strides = array<i32>} : memref<32768xf32, #tpu.memory_space<vmem>>, vector<16xf32>,
      %max3A_1425 = arith.maximumf %max3A_1413, %get3A_1424 : vector<16xf32>
      %add3A_1426 = arith.constant 112 : i32
      %add3A_1427 = arith.addi %mul3A_1346, %add3A_1426 : i32
      %multiple_of3A_1428 = tpu.assume_multiple %add3A_1427, 16 : i32
      %get3A_1429 = arith.index_cast %multiple_of3A_1428 : i32 to index
      %get3A_1430 = tpu.vector_load %arg4[%get3A_1429] {strides = array<i32>} : memref<32768xf32, #tpu.memory_space<vmem>>, vector<16xf32>,
      %max3A_1431 = arith.maximumf %max3A_1419, %get3A_1430 : vector<16xf32>
      %add3A_1432 = arith.constant 240 : i32
      %add3A_1433 = arith.addi %mul3A_1346, %add3A_1432 : i32
      %multiple_of3A_1434 = tpu.assume_multiple %add3A_1433, 16 : i32
      %get3A_1435 = arith.index_cast %multiple_of3A_1434 : i32 to index
      %get3A_1436 = tpu.vector_load %arg4[%get3A_1435] {strides = array<i32>} : memref<32768xf32, #tpu.memory_space<vmem>>, vector<16xf32>,
      %max3A_1437 = arith.maximumf %max3A_1425, %get3A_1436 : vector<16xf32>
      %max3A_1438 = arith.maximumf %max3A_1431, %max3A_1437 : vector<16xf32>
      %gt3A = arith.cmpf ogt, %max3A_1438, %scan3A_1342 : vector<16xf32>
      %max3A_1439 = arith.maximumf %scan3A_1342, %max3A_1438 : vector<16xf32>
      %select_n3A_1440 = arith.select %gt3A, %scan3A_1344, %scan3A_1343 : vector<16xi1>, vector<16xi32>
      %add3A_1441 = arith.constant 1 : i32
      %add3A_1442 = vector.broadcast %add3A_1441 : i32 to vector<16xi32>
      %add3A_1443 = arith.addi %scan3A_1344, %add3A_1442 : vector<16xi32>
      scf.yield %max3A_1439, %select_n3A_1440, %add3A_1443 : vector<16xf32>, vector<16xi32>, vector<16xi32>
    }
    %scan3A_999 = arith.constant 128 : i32
    %reduce_max3A_1000 = arith.constant true
    %reduce_max3A_1001 = vector.broadcast %reduce_max3A_1000 : i1 to vector<16xi1>
    %reduce_max3A_1002 = tpu.scan <max>, %scan3A_998#0 masked %reduce_max3A_1001 : vector<16xf32>, vector<16xi1> -> vector<16xf32>
    %reduce_max3A_1003 = vector.extract %reduce_max3A_1002[15] : f32 from vector<16xf32>
    %eq3A_1004 = vector.broadcast %reduce_max3A_1003 : f32 to vector<16xf32>
    %eq3A_1005 = arith.cmpf oeq, %scan3A_998#0, %eq3A_1004 : vector<16xf32>
    %jit3A_1006 = arith.constant 128 : i32
    %broadcast_in_dim3A_1007 = vector.broadcast %jit3A_1006 : i32 to vector<16xi32>
    %select_n3A_1008 = arith.select %eq3A_1005, %scan3A_998#1, %broadcast_in_dim3A_1007 : vector<16xi1>, vector<16xi32>
    %reduce_min3A_1009 = arith.constant true
    %reduce_min3A_1010 = vector.broadcast %reduce_min3A_1009 : i1 to vector<16xi1>
    %reduce_min3A_1011 = arith.constant -2147483648 : i32
    %reduce_min3A_1012 = vector.broadcast %reduce_min3A_1011 : i32 to vector<16xi32>
    %reduce_min3A_1013 = arith.xori %select_n3A_1008, %reduce_min3A_1012 : vector<16xi32>
    %reduce_min3A_1014 = tpu.scan <min>, %reduce_min3A_1013 masked %reduce_min3A_1010 : vector<16xi32>, vector<16xi1> -> vector<16xi32>
    %reduce_min3A_1015 = arith.xori %reduce_min3A_1014, %reduce_min3A_1012 : vector<16xi32>
    %reduce_min3A_1016 = vector.extract %reduce_min3A_1015[15] : i32 from vector<16xi32>
    %mul3A_1017 = arith.constant 256 : i32
    %mul3A_1018 = arith.muli %reduce_min3A_1016, %mul3A_1017 : i32
    %broadcast_in_dim3A_1019 = arith.constant 32768 : i32
    %broadcast_in_dim3A_1020 = vector.broadcast %broadcast_in_dim3A_1019 : i32 to vector<16xi32>
    %add3A_1021 = arith.constant 0 : i32
    %add3A_1022 = arith.addi %mul3A_1018, %add3A_1021 : i32
    %multiple_of3A_1023 = tpu.assume_multiple %add3A_1022, 16 : i32
    %get3A_1024 = arith.index_cast %multiple_of3A_1023 : i32 to index
    %get3A_1025 = tpu.vector_load %arg4[%get3A_1024] {strides = array<i32>} : memref<32768xf32, #tpu.memory_space<vmem>>, vector<16xf32>,
    %add3A_1026 = arith.constant 0 : i32
    %add3A_1027 = arith.addi %mul3A_1018, %add3A_1026 : i32
    %add3A_1028 = vector.broadcast %add3A_1027 : i32 to vector<16xi32>
    %add3A_1029 = arith.addi %add3A_1028, %iota3A : vector<16xi32>
    %eq3A_1030 = vector.broadcast %reduce_max3A_1003 : f32 to vector<16xf32>
    %eq3A_1031 = arith.cmpf oeq, %get3A_1025, %eq3A_1030 : vector<16xf32>
    %jit3A_1032 = arith.constant 32768 : i32
    %broadcast_in_dim3A_1033 = vector.broadcast %jit3A_1032 : i32 to vector<16xi32>
    %select_n3A_1034 = arith.select %eq3A_1031, %add3A_1029, %broadcast_in_dim3A_1033 : vector<16xi1>, vector<16xi32>
    %min3A_1035 = arith.minsi %broadcast_in_dim3A_1020, %select_n3A_1034 : vector<16xi32>
    %add3A_1036 = arith.constant 16 : i32
    %add3A_1037 = arith.addi %mul3A_1018, %add3A_1036 : i32
    %multiple_of3A_1038 = tpu.assume_multiple %add3A_1037, 16 : i32
    %get3A_1039 = arith.index_cast %multiple_of3A_1038 : i32 to index
    %get3A_1040 = tpu.vector_load %arg4[%get3A_1039] {strides = array<i32>} : memref<32768xf32, #tpu.memory_space<vmem>>, vector<16xf32>,
    %add3A_1041 = arith.constant 16 : i32
    %add3A_1042 = arith.addi %mul3A_1018, %add3A_1041 : i32
    %add3A_1043 = vector.broadcast %add3A_1042 : i32 to vector<16xi32>
    %add3A_1044 = arith.addi %add3A_1043, %iota3A : vector<16xi32>
    %eq3A_1045 = vector.broadcast %reduce_max3A_1003 : f32 to vector<16xf32>
    %eq3A_1046 = arith.cmpf oeq, %get3A_1040, %eq3A_1045 : vector<16xf32>
    %jit3A_1047 = arith.constant 32768 : i32
    %broadcast_in_dim3A_1048 = vector.broadcast %jit3A_1047 : i32 to vector<16xi32>
    %select_n3A_1049 = arith.select %eq3A_1046, %add3A_1044, %broadcast_in_dim3A_1048 : vector<16xi1>, vector<16xi32>
    %min3A_1050 = arith.minsi %min3A_1035, %select_n3A_1049 : vector<16xi32>
    %add3A_1051 = arith.constant 32 : i32
    %add3A_1052 = arith.addi %mul3A_1018, %add3A_1051 : i32
    %multiple_of3A_1053 = tpu.assume_multiple %add3A_1052, 16 : i32
    %get3A_1054 = arith.index_cast %multiple_of3A_1053 : i32 to index
    %get3A_1055 = tpu.vector_load %arg4[%get3A_1054] {strides = array<i32>} : memref<32768xf32, #tpu.memory_space<vmem>>, vector<16xf32>,
    %add3A_1056 = arith.constant 32 : i32
    %add3A_1057 = arith.addi %mul3A_1018, %add3A_1056 : i32
    %add3A_1058 = vector.broadcast %add3A_1057 : i32 to vector<16xi32>
    %add3A_1059 = arith.addi %add3A_1058, %iota3A : vector<16xi32>
    %eq3A_1060 = vector.broadcast %reduce_max3A_1003 : f32 to vector<16xf32>
    %eq3A_1061 = arith.cmpf oeq, %get3A_1055, %eq3A_1060 : vector<16xf32>
    %jit3A_1062 = arith.constant 32768 : i32
    %broadcast_in_dim3A_1063 = vector.broadcast %jit3A_1062 : i32 to vector<16xi32>
    %select_n3A_1064 = arith.select %eq3A_1061, %add3A_1059, %broadcast_in_dim3A_1063 : vector<16xi1>, vector<16xi32>
    %min3A_1065 = arith.minsi %min3A_1050, %select_n3A_1064 : vector<16xi32>
    %add3A_1066 = arith.constant 48 : i32
    %add3A_1067 = arith.addi %mul3A_1018, %add3A_1066 : i32
    %multiple_of3A_1068 = tpu.assume_multiple %add3A_1067, 16 : i32
    %get3A_1069 = arith.index_cast %multiple_of3A_1068 : i32 to index
    %get3A_1070 = tpu.vector_load %arg4[%get3A_1069] {strides = array<i32>} : memref<32768xf32, #tpu.memory_space<vmem>>, vector<16xf32>,
    %add3A_1071 = arith.constant 48 : i32
    %add3A_1072 = arith.addi %mul3A_1018, %add3A_1071 : i32
    %add3A_1073 = vector.broadcast %add3A_1072 : i32 to vector<16xi32>
    %add3A_1074 = arith.addi %add3A_1073, %iota3A : vector<16xi32>
    %eq3A_1075 = vector.broadcast %reduce_max3A_1003 : f32 to vector<16xf32>
    %eq3A_1076 = arith.cmpf oeq, %get3A_1070, %eq3A_1075 : vector<16xf32>
    %jit3A_1077 = arith.constant 32768 : i32
    %broadcast_in_dim3A_1078 = vector.broadcast %jit3A_1077 : i32 to vector<16xi32>
    %select_n3A_1079 = arith.select %eq3A_1076, %add3A_1074, %broadcast_in_dim3A_1078 : vector<16xi1>, vector<16xi32>
    %min3A_1080 = arith.minsi %min3A_1065, %select_n3A_1079 : vector<16xi32>
    %add3A_1081 = arith.constant 64 : i32
    %add3A_1082 = arith.addi %mul3A_1018, %add3A_1081 : i32
    %multiple_of3A_1083 = tpu.assume_multiple %add3A_1082, 16 : i32
    %get3A_1084 = arith.index_cast %multiple_of3A_1083 : i32 to index
    %get3A_1085 = tpu.vector_load %arg4[%get3A_1084] {strides = array<i32>} : memref<32768xf32, #tpu.memory_space<vmem>>, vector<16xf32>,
    %add3A_1086 = arith.constant 64 : i32
    %add3A_1087 = arith.addi %mul3A_1018, %add3A_1086 : i32
    %add3A_1088 = vector.broadcast %add3A_1087 : i32 to vector<16xi32>
    %add3A_1089 = arith.addi %add3A_1088, %iota3A : vector<16xi32>
    %eq3A_1090 = vector.broadcast %reduce_max3A_1003 : f32 to vector<16xf32>
    %eq3A_1091 = arith.cmpf oeq, %get3A_1085, %eq3A_1090 : vector<16xf32>
    %jit3A_1092 = arith.constant 32768 : i32
    %broadcast_in_dim3A_1093 = vector.broadcast %jit3A_1092 : i32 to vector<16xi32>
    %select_n3A_1094 = arith.select %eq3A_1091, %add3A_1089, %broadcast_in_dim3A_1093 : vector<16xi1>, vector<16xi32>
    %min3A_1095 = arith.minsi %min3A_1080, %select_n3A_1094 : vector<16xi32>
    %add3A_1096 = arith.constant 80 : i32
    %add3A_1097 = arith.addi %mul3A_1018, %add3A_1096 : i32
    %multiple_of3A_1098 = tpu.assume_multiple %add3A_1097, 16 : i32
    %get3A_1099 = arith.index_cast %multiple_of3A_1098 : i32 to index
    %get3A_1100 = tpu.vector_load %arg4[%get3A_1099] {strides = array<i32>} : memref<32768xf32, #tpu.memory_space<vmem>>, vector<16xf32>,
    %add3A_1101 = arith.constant 80 : i32
    %add3A_1102 = arith.addi %mul3A_1018, %add3A_1101 : i32
    %add3A_1103 = vector.broadcast %add3A_1102 : i32 to vector<16xi32>
    %add3A_1104 = arith.addi %add3A_1103, %iota3A : vector<16xi32>
    %eq3A_1105 = vector.broadcast %reduce_max3A_1003 : f32 to vector<16xf32>
    %eq3A_1106 = arith.cmpf oeq, %get3A_1100, %eq3A_1105 : vector<16xf32>
    %jit3A_1107 = arith.constant 32768 : i32
    %broadcast_in_dim3A_1108 = vector.broadcast %jit3A_1107 : i32 to vector<16xi32>
    %select_n3A_1109 = arith.select %eq3A_1106, %add3A_1104, %broadcast_in_dim3A_1108 : vector<16xi1>, vector<16xi32>
    %min3A_1110 = arith.minsi %min3A_1095, %select_n3A_1109 : vector<16xi32>
    %add3A_1111 = arith.constant 96 : i32
    %add3A_1112 = arith.addi %mul3A_1018, %add3A_1111 : i32
    %multiple_of3A_1113 = tpu.assume_multiple %add3A_1112, 16 : i32
    %get3A_1114 = arith.index_cast %multiple_of3A_1113 : i32 to index
    %get3A_1115 = tpu.vector_load %arg4[%get3A_1114] {strides = array<i32>} : memref<32768xf32, #tpu.memory_space<vmem>>, vector<16xf32>,
    %add3A_1116 = arith.constant 96 : i32
    %add3A_1117 = arith.addi %mul3A_1018, %add3A_1116 : i32
    %add3A_1118 = vector.broadcast %add3A_1117 : i32 to vector<16xi32>
    %add3A_1119 = arith.addi %add3A_1118, %iota3A : vector<16xi32>
    %eq3A_1120 = vector.broadcast %reduce_max3A_1003 : f32 to vector<16xf32>
    %eq3A_1121 = arith.cmpf oeq, %get3A_1115, %eq3A_1120 : vector<16xf32>
    %jit3A_1122 = arith.constant 32768 : i32
    %broadcast_in_dim3A_1123 = vector.broadcast %jit3A_1122 : i32 to vector<16xi32>
    %select_n3A_1124 = arith.select %eq3A_1121, %add3A_1119, %broadcast_in_dim3A_1123 : vector<16xi1>, vector<16xi32>
    %min3A_1125 = arith.minsi %min3A_1110, %select_n3A_1124 : vector<16xi32>
    %add3A_1126 = arith.constant 112 : i32
    %add3A_1127 = arith.addi %mul3A_1018, %add3A_1126 : i32
    %multiple_of3A_1128 = tpu.assume_multiple %add3A_1127, 16 : i32
    %get3A_1129 = arith.index_cast %multiple_of3A_1128 : i32 to index
    %get3A_1130 = tpu.vector_load %arg4[%get3A_1129] {strides = array<i32>} : memref<32768xf32, #tpu.memory_space<vmem>>, vector<16xf32>,
    %add3A_1131 = arith.constant 112 : i32
    %add3A_1132 = arith.addi %mul3A_1018, %add3A_1131 : i32
    %add3A_1133 = vector.broadcast %add3A_1132 : i32 to vector<16xi32>
    %add3A_1134 = arith.addi %add3A_1133, %iota3A : vector<16xi32>
    %eq3A_1135 = vector.broadcast %reduce_max3A_1003 : f32 to vector<16xf32>
    %eq3A_1136 = arith.cmpf oeq, %get3A_1130, %eq3A_1135 : vector<16xf32>
    %jit3A_1137 = arith.constant 32768 : i32
    %broadcast_in_dim3A_1138 = vector.broadcast %jit3A_1137 : i32 to vector<16xi32>
    %select_n3A_1139 = arith.select %eq3A_1136, %add3A_1134, %broadcast_in_dim3A_1138 : vector<16xi1>, vector<16xi32>
    %min3A_1140 = arith.minsi %min3A_1125, %select_n3A_1139 : vector<16xi32>
    %add3A_1141 = arith.constant 128 : i32
    %add3A_1142 = arith.addi %mul3A_1018, %add3A_1141 : i32
    %multiple_of3A_1143 = tpu.assume_multiple %add3A_1142, 16 : i32
    %get3A_1144 = arith.index_cast %multiple_of3A_1143 : i32 to index
    %get3A_1145 = tpu.vector_load %arg4[%get3A_1144] {strides = array<i32>} : memref<32768xf32, #tpu.memory_space<vmem>>, vector<16xf32>,
    %add3A_1146 = arith.constant 128 : i32
    %add3A_1147 = arith.addi %mul3A_1018, %add3A_1146 : i32
    %add3A_1148 = vector.broadcast %add3A_1147 : i32 to vector<16xi32>
    %add3A_1149 = arith.addi %add3A_1148, %iota3A : vector<16xi32>
    %eq3A_1150 = vector.broadcast %reduce_max3A_1003 : f32 to vector<16xf32>
    %eq3A_1151 = arith.cmpf oeq, %get3A_1145, %eq3A_1150 : vector<16xf32>
    %jit3A_1152 = arith.constant 32768 : i32
    %broadcast_in_dim3A_1153 = vector.broadcast %jit3A_1152 : i32 to vector<16xi32>
    %select_n3A_1154 = arith.select %eq3A_1151, %add3A_1149, %broadcast_in_dim3A_1153 : vector<16xi1>, vector<16xi32>
    %min3A_1155 = arith.minsi %min3A_1140, %select_n3A_1154 : vector<16xi32>
    %add3A_1156 = arith.constant 144 : i32
    %add3A_1157 = arith.addi %mul3A_1018, %add3A_1156 : i32
    %multiple_of3A_1158 = tpu.assume_multiple %add3A_1157, 16 : i32
    %get3A_1159 = arith.index_cast %multiple_of3A_1158 : i32 to index
    %get3A_1160 = tpu.vector_load %arg4[%get3A_1159] {strides = array<i32>} : memref<32768xf32, #tpu.memory_space<vmem>>, vector<16xf32>,
    %add3A_1161 = arith.constant 144 : i32
    %add3A_1162 = arith.addi %mul3A_1018, %add3A_1161 : i32
    %add3A_1163 = vector.broadcast %add3A_1162 : i32 to vector<16xi32>
    %add3A_1164 = arith.addi %add3A_1163, %iota3A : vector<16xi32>
    %eq3A_1165 = vector.broadcast %reduce_max3A_1003 : f32 to vector<16xf32>
    %eq3A_1166 = arith.cmpf oeq, %get3A_1160, %eq3A_1165 : vector<16xf32>
    %jit3A_1167 = arith.constant 32768 : i32
    %broadcast_in_dim3A_1168 = vector.broadcast %jit3A_1167 : i32 to vector<16xi32>
    %select_n3A_1169 = arith.select %eq3A_1166, %add3A_1164, %broadcast_in_dim3A_1168 : vector<16xi1>, vector<16xi32>
    %min3A_1170 = arith.minsi %min3A_1155, %select_n3A_1169 : vector<16xi32>
    %add3A_1171 = arith.constant 160 : i32
    %add3A_1172 = arith.addi %mul3A_1018, %add3A_1171 : i32
    %multiple_of3A_1173 = tpu.assume_multiple %add3A_1172, 16 : i32
    %get3A_1174 = arith.index_cast %multiple_of3A_1173 : i32 to index
    %get3A_1175 = tpu.vector_load %arg4[%get3A_1174] {strides = array<i32>} : memref<32768xf32, #tpu.memory_space<vmem>>, vector<16xf32>,
    %add3A_1176 = arith.constant 160 : i32
    %add3A_1177 = arith.addi %mul3A_1018, %add3A_1176 : i32
    %add3A_1178 = vector.broadcast %add3A_1177 : i32 to vector<16xi32>
    %add3A_1179 = arith.addi %add3A_1178, %iota3A : vector<16xi32>
    %eq3A_1180 = vector.broadcast %reduce_max3A_1003 : f32 to vector<16xf32>
    %eq3A_1181 = arith.cmpf oeq, %get3A_1175, %eq3A_1180 : vector<16xf32>
    %jit3A_1182 = arith.constant 32768 : i32
    %broadcast_in_dim3A_1183 = vector.broadcast %jit3A_1182 : i32 to vector<16xi32>
    %select_n3A_1184 = arith.select %eq3A_1181, %add3A_1179, %broadcast_in_dim3A_1183 : vector<16xi1>, vector<16xi32>
    %min3A_1185 = arith.minsi %min3A_1170, %select_n3A_1184 : vector<16xi32>
    %add3A_1186 = arith.constant 176 : i32
    %add3A_1187 = arith.addi %mul3A_1018, %add3A_1186 : i32
    %multiple_of3A_1188 = tpu.assume_multiple %add3A_1187, 16 : i32
    %get3A_1189 = arith.index_cast %multiple_of3A_1188 : i32 to index
    %get3A_1190 = tpu.vector_load %arg4[%get3A_1189] {strides = array<i32>} : memref<32768xf32, #tpu.memory_space<vmem>>, vector<16xf32>,
    %add3A_1191 = arith.constant 176 : i32
    %add3A_1192 = arith.addi %mul3A_1018, %add3A_1191 : i32
    %add3A_1193 = vector.broadcast %add3A_1192 : i32 to vector<16xi32>
    %add3A_1194 = arith.addi %add3A_1193, %iota3A : vector<16xi32>
    %eq3A_1195 = vector.broadcast %reduce_max3A_1003 : f32 to vector<16xf32>
    %eq3A_1196 = arith.cmpf oeq, %get3A_1190, %eq3A_1195 : vector<16xf32>
    %jit3A_1197 = arith.constant 32768 : i32
    %broadcast_in_dim3A_1198 = vector.broadcast %jit3A_1197 : i32 to vector<16xi32>
    %select_n3A_1199 = arith.select %eq3A_1196, %add3A_1194, %broadcast_in_dim3A_1198 : vector<16xi1>, vector<16xi32>
    %min3A_1200 = arith.minsi %min3A_1185, %select_n3A_1199 : vector<16xi32>
    %add3A_1201 = arith.constant 192 : i32
    %add3A_1202 = arith.addi %mul3A_1018, %add3A_1201 : i32
    %multiple_of3A_1203 = tpu.assume_multiple %add3A_1202, 16 : i32
    %get3A_1204 = arith.index_cast %multiple_of3A_1203 : i32 to index
    %get3A_1205 = tpu.vector_load %arg4[%get3A_1204] {strides = array<i32>} : memref<32768xf32, #tpu.memory_space<vmem>>, vector<16xf32>,
    %add3A_1206 = arith.constant 192 : i32
    %add3A_1207 = arith.addi %mul3A_1018, %add3A_1206 : i32
    %add3A_1208 = vector.broadcast %add3A_1207 : i32 to vector<16xi32>
    %add3A_1209 = arith.addi %add3A_1208, %iota3A : vector<16xi32>
    %eq3A_1210 = vector.broadcast %reduce_max3A_1003 : f32 to vector<16xf32>
    %eq3A_1211 = arith.cmpf oeq, %get3A_1205, %eq3A_1210 : vector<16xf32>
    %jit3A_1212 = arith.constant 32768 : i32
    %broadcast_in_dim3A_1213 = vector.broadcast %jit3A_1212 : i32 to vector<16xi32>
    %select_n3A_1214 = arith.select %eq3A_1211, %add3A_1209, %broadcast_in_dim3A_1213 : vector<16xi1>, vector<16xi32>
    %min3A_1215 = arith.minsi %min3A_1200, %select_n3A_1214 : vector<16xi32>
    %add3A_1216 = arith.constant 208 : i32
    %add3A_1217 = arith.addi %mul3A_1018, %add3A_1216 : i32
    %multiple_of3A_1218 = tpu.assume_multiple %add3A_1217, 16 : i32
    %get3A_1219 = arith.index_cast %multiple_of3A_1218 : i32 to index
    %get3A_1220 = tpu.vector_load %arg4[%get3A_1219] {strides = array<i32>} : memref<32768xf32, #tpu.memory_space<vmem>>, vector<16xf32>,
    %add3A_1221 = arith.constant 208 : i32
    %add3A_1222 = arith.addi %mul3A_1018, %add3A_1221 : i32
    %add3A_1223 = vector.broadcast %add3A_1222 : i32 to vector<16xi32>
    %add3A_1224 = arith.addi %add3A_1223, %iota3A : vector<16xi32>
    %eq3A_1225 = vector.broadcast %reduce_max3A_1003 : f32 to vector<16xf32>
    %eq3A_1226 = arith.cmpf oeq, %get3A_1220, %eq3A_1225 : vector<16xf32>
    %jit3A_1227 = arith.constant 32768 : i32
    %broadcast_in_dim3A_1228 = vector.broadcast %jit3A_1227 : i32 to vector<16xi32>
    %select_n3A_1229 = arith.select %eq3A_1226, %add3A_1224, %broadcast_in_dim3A_1228 : vector<16xi1>, vector<16xi32>
    %min3A_1230 = arith.minsi %min3A_1215, %select_n3A_1229 : vector<16xi32>
    %add3A_1231 = arith.constant 224 : i32
    %add3A_1232 = arith.addi %mul3A_1018, %add3A_1231 : i32
    %multiple_of3A_1233 = tpu.assume_multiple %add3A_1232, 16 : i32
    %get3A_1234 = arith.index_cast %multiple_of3A_1233 : i32 to index
    %get3A_1235 = tpu.vector_load %arg4[%get3A_1234] {strides = array<i32>} : memref<32768xf32, #tpu.memory_space<vmem>>, vector<16xf32>,
    %add3A_1236 = arith.constant 224 : i32
    %add3A_1237 = arith.addi %mul3A_1018, %add3A_1236 : i32
    %add3A_1238 = vector.broadcast %add3A_1237 : i32 to vector<16xi32>
    %add3A_1239 = arith.addi %add3A_1238, %iota3A : vector<16xi32>
    %eq3A_1240 = vector.broadcast %reduce_max3A_1003 : f32 to vector<16xf32>
    %eq3A_1241 = arith.cmpf oeq, %get3A_1235, %eq3A_1240 : vector<16xf32>
    %jit3A_1242 = arith.constant 32768 : i32
    %broadcast_in_dim3A_1243 = vector.broadcast %jit3A_1242 : i32 to vector<16xi32>
    %select_n3A_1244 = arith.select %eq3A_1241, %add3A_1239, %broadcast_in_dim3A_1243 : vector<16xi1>, vector<16xi32>
    %min3A_1245 = arith.minsi %min3A_1230, %select_n3A_1244 : vector<16xi32>
    %add3A_1246 = arith.constant 240 : i32
    %add3A_1247 = arith.addi %mul3A_1018, %add3A_1246 : i32
    %multiple_of3A_1248 = tpu.assume_multiple %add3A_1247, 16 : i32
    %get3A_1249 = arith.index_cast %multiple_of3A_1248 : i32 to index
    %get3A_1250 = tpu.vector_load %arg4[%get3A_1249] {strides = array<i32>} : memref<32768xf32, #tpu.memory_space<vmem>>, vector<16xf32>,
    %add3A_1251 = arith.constant 240 : i32
    %add3A_1252 = arith.addi %mul3A_1018, %add3A_1251 : i32
    %add3A_1253 = vector.broadcast %add3A_1252 : i32 to vector<16xi32>
    %add3A_1254 = arith.addi %add3A_1253, %iota3A : vector<16xi32>
    %eq3A_1255 = vector.broadcast %reduce_max3A_1003 : f32 to vector<16xf32>
    %eq3A_1256 = arith.cmpf oeq, %get3A_1250, %eq3A_1255 : vector<16xf32>
    %jit3A_1257 = arith.constant 32768 : i32
    %broadcast_in_dim3A_1258 = vector.broadcast %jit3A_1257 : i32 to vector<16xi32>
    %select_n3A_1259 = arith.select %eq3A_1256, %add3A_1254, %broadcast_in_dim3A_1258 : vector<16xi1>, vector<16xi32>
    %min3A_1260 = arith.minsi %min3A_1245, %select_n3A_1259 : vector<16xi32>
    %reduce_min3A_1261 = arith.constant true
    %reduce_min3A_1262 = vector.broadcast %reduce_min3A_1261 : i1 to vector<16xi1>
    %reduce_min3A_1263 = arith.constant -2147483648 : i32
    %reduce_min3A_1264 = vector.broadcast %reduce_min3A_1263 : i32 to vector<16xi32>
    %reduce_min3A_1265 = arith.xori %min3A_1260, %reduce_min3A_1264 : vector<16xi32>
    %reduce_min3A_1266 = tpu.scan <min>, %reduce_min3A_1265 masked %reduce_min3A_1262 : vector<16xi32>, vector<16xi1> -> vector<16xi32>
    %reduce_min3A_1267 = arith.xori %reduce_min3A_1266, %reduce_min3A_1264 : vector<16xi32>
    %reduce_min3A_1268 = vector.extract %reduce_min3A_1267[15] : i32 from vector<16xi32>
    %rem3A_1269 = arith.constant 16 : i32
    %rem3A_1270 = arith.remsi %reduce_min3A_1268, %rem3A_1269 : i32
    %sub3A_1271 = arith.subi %reduce_min3A_1268, %rem3A_1270 : i32
    %eq3A_1272 = vector.broadcast %rem3A_1270 : i32 to vector<16xi32>
    %eq3A_1273 = arith.cmpi eq, %iota3A, %eq3A_1272 : vector<16xi32>
    %jit3A_1274 = arith.constant 1.000000e+00 : f32
    %jit3A_1275 = arith.constant 0.000000e+00 : f32
    %broadcast_in_dim3A_1276 = vector.broadcast %jit3A_1274 : f32 to vector<16xf32>
    %broadcast_in_dim3A_1277 = vector.broadcast %jit3A_1275 : f32 to vector<16xf32>
    %select_n3A_1278 = arith.select %eq3A_1273, %broadcast_in_dim3A_1276, %broadcast_in_dim3A_1277 : vector<16xi1>, vector<16xf32>
    %swap3A_1279 = arith.constant 48 : index
    %swap3A_1280 = tpu.vector_load %arg8[%swap3A_1279] {strides = array<i32>} : memref<64xf32, #tpu.memory_space<vmem>>, vector<16xf32>,
    tpu.vector_store %arg8[%swap3A_1279], %select_n3A_1278 {strides = array<i32>} : memref<64xf32, #tpu.memory_space<vmem>>, vector<16xf32>,
    %dma_wait3A_1281 = arith.constant 0 : i32
    %dma_wait3A_1282 = tpu.memref_slice %arg3[%add3A_11, %dma_wait3A_1281] : memref<128x32768xf32, #tpu.memory_space<hbm>> -> memref<1x16384xf32, #tpu.memory_space<hbm>>
    %dma_wait3A_1283 = tpu.memref_squeeze %dma_wait3A_1282 : memref<1x16384xf32, #tpu.memory_space<hbm>> -> memref<16384xf32, #tpu.memory_space<hbm>>
    %dma_wait3A_1284 = arith.constant 0 : i32
    %dma_wait3A_1285 = tpu.memref_slice %arg3[%add3A_11, %dma_wait3A_1284] : memref<128x32768xf32, #tpu.memory_space<hbm>> -> memref<1x16384xf32, #tpu.memory_space<hbm>>
    %dma_wait3A_1286 = tpu.memref_squeeze %dma_wait3A_1285 : memref<1x16384xf32, #tpu.memory_space<hbm>> -> memref<16384xf32, #tpu.memory_space<hbm>>
    tpu.wait_dma2 semaphore(%arg9 : memref<!tpu.dma_semaphore, #tpu.memory_space<semaphore_mem>>) src(%arg7 : memref<16384xf32, #tpu.memory_space<vmem>>) dst(%dma_wait3A_1286 : memref<16384xf32, #tpu.memory_space<hbm>>)
    %dma_wait3A_1287 = arith.constant 16384 : i32
    %dma_wait3A_1288 = tpu.memref_slice %arg3[%add3A_11, %dma_wait3A_1287] : memref<128x32768xf32, #tpu.memory_space<hbm>> -> memref<1x16384xf32, #tpu.memory_space<hbm>>
    %dma_wait3A_1289 = tpu.memref_squeeze %dma_wait3A_1288 : memref<1x16384xf32, #tpu.memory_space<hbm>> -> memref<16384xf32, #tpu.memory_space<hbm>>
    %dma_wait3A_1290 = arith.constant 16384 : i32
    %dma_wait3A_1291 = tpu.memref_slice %arg3[%add3A_11, %dma_wait3A_1290] : memref<128x32768xf32, #tpu.memory_space<hbm>> -> memref<1x16384xf32, #tpu.memory_space<hbm>>
    %dma_wait3A_1292 = tpu.memref_squeeze %dma_wait3A_1291 : memref<1x16384xf32, #tpu.memory_space<hbm>> -> memref<16384xf32, #tpu.memory_space<hbm>>
    tpu.wait_dma2 semaphore(%arg9 : memref<!tpu.dma_semaphore, #tpu.memory_space<semaphore_mem>>) src(%arg7 : memref<16384xf32, #tpu.memory_space<vmem>>) dst(%dma_wait3A_1292 : memref<16384xf32, #tpu.memory_space<hbm>>)
    %dma_wait3A_1293 = arith.constant 0 : i32
    %dma_wait3A_1294 = tpu.memref_slice %arg3[%add3A_30, %dma_wait3A_1293] : memref<128x32768xf32, #tpu.memory_space<hbm>> -> memref<1x16384xf32, #tpu.memory_space<hbm>>
    %dma_wait3A_1295 = tpu.memref_squeeze %dma_wait3A_1294 : memref<1x16384xf32, #tpu.memory_space<hbm>> -> memref<16384xf32, #tpu.memory_space<hbm>>
    %dma_wait3A_1296 = arith.constant 0 : i32
    %dma_wait3A_1297 = tpu.memref_slice %arg3[%add3A_30, %dma_wait3A_1296] : memref<128x32768xf32, #tpu.memory_space<hbm>> -> memref<1x16384xf32, #tpu.memory_space<hbm>>
    %dma_wait3A_1298 = tpu.memref_squeeze %dma_wait3A_1297 : memref<1x16384xf32, #tpu.memory_space<hbm>> -> memref<16384xf32, #tpu.memory_space<hbm>>
    tpu.wait_dma2 semaphore(%arg9 : memref<!tpu.dma_semaphore, #tpu.memory_space<semaphore_mem>>) src(%arg7 : memref<16384xf32, #tpu.memory_space<vmem>>) dst(%dma_wait3A_1298 : memref<16384xf32, #tpu.memory_space<hbm>>)
    %dma_wait3A_1299 = arith.constant 16384 : i32
    %dma_wait3A_1300 = tpu.memref_slice %arg3[%add3A_30, %dma_wait3A_1299] : memref<128x32768xf32, #tpu.memory_space<hbm>> -> memref<1x16384xf32, #tpu.memory_space<hbm>>
    %dma_wait3A_1301 = tpu.memref_squeeze %dma_wait3A_1300 : memref<1x16384xf32, #tpu.memory_space<hbm>> -> memref<16384xf32, #tpu.memory_space<hbm>>
    %dma_wait3A_1302 = arith.constant 16384 : i32
    %dma_wait3A_1303 = tpu.memref_slice %arg3[%add3A_30, %dma_wait3A_1302] : memref<128x32768xf32, #tpu.memory_space<hbm>> -> memref<1x16384xf32, #tpu.memory_space<hbm>>
    %dma_wait3A_1304 = tpu.memref_squeeze %dma_wait3A_1303 : memref<1x16384xf32, #tpu.memory_space<hbm>> -> memref<16384xf32, #tpu.memory_space<hbm>>
    tpu.wait_dma2 semaphore(%arg9 : memref<!tpu.dma_semaphore, #tpu.memory_space<semaphore_mem>>) src(%arg7 : memref<16384xf32, #tpu.memory_space<vmem>>) dst(%dma_wait3A_1304 : memref<16384xf32, #tpu.memory_space<hbm>>)
    %dma_wait3A_1305 = arith.constant 0 : i32
    %dma_wait3A_1306 = tpu.memref_slice %arg3[%add3A_50, %dma_wait3A_1305] : memref<128x32768xf32, #tpu.memory_space<hbm>> -> memref<1x16384xf32, #tpu.memory_space<hbm>>
    %dma_wait3A_1307 = tpu.memref_squeeze %dma_wait3A_1306 : memref<1x16384xf32, #tpu.memory_space<hbm>> -> memref<16384xf32, #tpu.memory_space<hbm>>
    %dma_wait3A_1308 = arith.constant 0 : i32
    %dma_wait3A_1309 = tpu.memref_slice %arg3[%add3A_50, %dma_wait3A_1308] : memref<128x32768xf32, #tpu.memory_space<hbm>> -> memref<1x16384xf32, #tpu.memory_space<hbm>>
    %dma_wait3A_1310 = tpu.memref_squeeze %dma_wait3A_1309 : memref<1x16384xf32, #tpu.memory_space<hbm>> -> memref<16384xf32, #tpu.memory_space<hbm>>
    tpu.wait_dma2 semaphore(%arg9 : memref<!tpu.dma_semaphore, #tpu.memory_space<semaphore_mem>>) src(%arg7 : memref<16384xf32, #tpu.memory_space<vmem>>) dst(%dma_wait3A_1310 : memref<16384xf32, #tpu.memory_space<hbm>>)
    %dma_wait3A_1311 = arith.constant 16384 : i32
    %dma_wait3A_1312 = tpu.memref_slice %arg3[%add3A_50, %dma_wait3A_1311] : memref<128x32768xf32, #tpu.memory_space<hbm>> -> memref<1x16384xf32, #tpu.memory_space<hbm>>
    %dma_wait3A_1313 = tpu.memref_squeeze %dma_wait3A_1312 : memref<1x16384xf32, #tpu.memory_space<hbm>> -> memref<16384xf32, #tpu.memory_space<hbm>>
    %dma_wait3A_1314 = arith.constant 16384 : i32
    %dma_wait3A_1315 = tpu.memref_slice %arg3[%add3A_50, %dma_wait3A_1314] : memref<128x32768xf32, #tpu.memory_space<hbm>> -> memref<1x16384xf32, #tpu.memory_space<hbm>>
    %dma_wait3A_1316 = tpu.memref_squeeze %dma_wait3A_1315 : memref<1x16384xf32, #tpu.memory_space<hbm>> -> memref<16384xf32, #tpu.memory_space<hbm>>
    tpu.wait_dma2 semaphore(%arg9 : memref<!tpu.dma_semaphore, #tpu.memory_space<semaphore_mem>>) src(%arg7 : memref<16384xf32, #tpu.memory_space<vmem>>) dst(%dma_wait3A_1316 : memref<16384xf32, #tpu.memory_space<hbm>>)
    %dma_wait3A_1317 = arith.constant 0 : i32
    %dma_wait3A_1318 = tpu.memref_slice %arg3[%add3A_64, %dma_wait3A_1317] : memref<128x32768xf32, #tpu.memory_space<hbm>> -> memref<1x16384xf32, #tpu.memory_space<hbm>>
    %dma_wait3A_1319 = tpu.memref_squeeze %dma_wait3A_1318 : memref<1x16384xf32, #tpu.memory_space<hbm>> -> memref<16384xf32, #tpu.memory_space<hbm>>
    %dma_wait3A_1320 = arith.constant 0 : i32
    %dma_wait3A_1321 = tpu.memref_slice %arg3[%add3A_64, %dma_wait3A_1320] : memref<128x32768xf32, #tpu.memory_space<hbm>> -> memref<1x16384xf32, #tpu.memory_space<hbm>>
    %dma_wait3A_1322 = tpu.memref_squeeze %dma_wait3A_1321 : memref<1x16384xf32, #tpu.memory_space<hbm>> -> memref<16384xf32, #tpu.memory_space<hbm>>
    tpu.wait_dma2 semaphore(%arg9 : memref<!tpu.dma_semaphore, #tpu.memory_space<semaphore_mem>>) src(%arg7 : memref<16384xf32, #tpu.memory_space<vmem>>) dst(%dma_wait3A_1322 : memref<16384xf32, #tpu.memory_space<hbm>>)
    %dma_wait3A_1323 = arith.constant 16384 : i32
    %dma_wait3A_1324 = tpu.memref_slice %arg3[%add3A_64, %dma_wait3A_1323] : memref<128x32768xf32, #tpu.memory_space<hbm>> -> memref<1x16384xf32, #tpu.memory_space<hbm>>
    %dma_wait3A_1325 = tpu.memref_squeeze %dma_wait3A_1324 : memref<1x16384xf32, #tpu.memory_space<hbm>> -> memref<16384xf32, #tpu.memory_space<hbm>>
    %dma_wait3A_1326 = arith.constant 16384 : i32
    %dma_wait3A_1327 = tpu.memref_slice %arg3[%add3A_64, %dma_wait3A_1326] : memref<128x32768xf32, #tpu.memory_space<hbm>> -> memref<1x16384xf32, #tpu.memory_space<hbm>>
    %dma_wait3A_1328 = tpu.memref_squeeze %dma_wait3A_1327 : memref<1x16384xf32, #tpu.memory_space<hbm>> -> memref<16384xf32, #tpu.memory_space<hbm>>
    tpu.wait_dma2 semaphore(%arg9 : memref<!tpu.dma_semaphore, #tpu.memory_space<semaphore_mem>>) src(%arg7 : memref<16384xf32, #tpu.memory_space<vmem>>) dst(%dma_wait3A_1328 : memref<16384xf32, #tpu.memory_space<hbm>>)
    %add3A_1329 = arith.constant 0 : i32
    %add3A_1330 = arith.addi %mul3A_2, %add3A_1329 : i32
    %multiple_of3A_1331 = tpu.assume_multiple %sub3A, 16 : i32
    "tpu.region"() ({
      %run_scoped3A = tpu.sem_alloc : memref<!tpu.dma_semaphore, #tpu.memory_space<semaphore_mem>>
      %dma_start3A_1341 = arith.constant 0 : i32
      %dma_start3A_1342 = tpu.memref_slice %arg8[%dma_start3A_1341] : memref<64xf32, #tpu.memory_space<vmem>> -> memref<16xf32, #tpu.memory_space<vmem>>
      %dma_start3A_1343 = tpu.memref_slice %arg3[%add3A_1330, %multiple_of3A_1331] : memref<128x32768xf32, #tpu.memory_space<hbm>> -> memref<1x16xf32, #tpu.memory_space<hbm>>
      %dma_start3A_1344 = tpu.memref_squeeze %dma_start3A_1343 : memref<1x16xf32, #tpu.memory_space<hbm>> -> memref<16xf32, #tpu.memory_space<hbm>>
      %dma_start3A_1345 = tpu.memref_slice %arg3[%add3A_1330, %multiple_of3A_1331] : memref<128x32768xf32, #tpu.memory_space<hbm>> -> memref<1x16xf32, #tpu.memory_space<hbm>>
      %dma_start3A_1346 = tpu.memref_squeeze %dma_start3A_1345 : memref<1x16xf32, #tpu.memory_space<hbm>> -> memref<16xf32, #tpu.memory_space<hbm>>
      %dma_start3A_1347 = arith.constant 0 : i32
      %dma_start3A_1348 = tpu.memref_slice %arg8[%dma_start3A_1347] : memref<64xf32, #tpu.memory_space<vmem>> -> memref<16xf32, #tpu.memory_space<vmem>>
      tpu.enqueue_dma source(%dma_start3A_1348 : memref<16xf32, #tpu.memory_space<vmem>>) target(%dma_start3A_1346 : memref<16xf32, #tpu.memory_space<hbm>>) target_semaphore(%run_scoped3A : memref<!tpu.dma_semaphore, #tpu.memory_space<semaphore_mem>>)
      %dma_wait3A_1349 = arith.constant 0 : i32
      %dma_wait3A_1350 = tpu.memref_slice %arg8[%dma_wait3A_1349] : memref<64xf32, #tpu.memory_space<vmem>> -> memref<16xf32, #tpu.memory_space<vmem>>
      %dma_wait3A_1351 = tpu.memref_slice %arg3[%add3A_1330, %multiple_of3A_1331] : memref<128x32768xf32, #tpu.memory_space<hbm>> -> memref<1x16xf32, #tpu.memory_space<hbm>>
      %dma_wait3A_1352 = tpu.memref_squeeze %dma_wait3A_1351 : memref<1x16xf32, #tpu.memory_space<hbm>> -> memref<16xf32, #tpu.memory_space<hbm>>
      %dma_wait3A_1353 = tpu.memref_slice %arg3[%add3A_1330, %multiple_of3A_1331] : memref<128x32768xf32, #tpu.memory_space<hbm>> -> memref<1x16xf32, #tpu.memory_space<hbm>>
      %dma_wait3A_1354 = tpu.memref_squeeze %dma_wait3A_1353 : memref<1x16xf32, #tpu.memory_space<hbm>> -> memref<16xf32, #tpu.memory_space<hbm>>
      %dma_wait3A_1355 = arith.constant 0 : i32
      %dma_wait3A_1356 = tpu.memref_slice %arg8[%dma_wait3A_1355] : memref<64xf32, #tpu.memory_space<vmem>> -> memref<16xf32, #tpu.memory_space<vmem>>
      tpu.wait_dma2 semaphore(%run_scoped3A : memref<!tpu.dma_semaphore, #tpu.memory_space<semaphore_mem>>) src(%dma_wait3A_1356 : memref<16xf32, #tpu.memory_space<vmem>>) dst(%dma_wait3A_1354 : memref<16xf32, #tpu.memory_space<hbm>>)
      tpu.yield
    }) : () -> ()
    %add3A_1332 = arith.constant 1 : i32
    %add3A_1333 = arith.addi %mul3A_2, %add3A_1332 : i32
    %multiple_of3A_1334 = tpu.assume_multiple %sub3A_673, 16 : i32
    "tpu.region"() ({
      %run_scoped3A = tpu.sem_alloc : memref<!tpu.dma_semaphore, #tpu.memory_space<semaphore_mem>>
      %dma_start3A_1341 = arith.constant 16 : i32
      %dma_start3A_1342 = tpu.memref_slice %arg8[%dma_start3A_1341] : memref<64xf32, #tpu.memory_space<vmem>> -> memref<16xf32, #tpu.memory_space<vmem>>
      %dma_start3A_1343 = tpu.memref_slice %arg3[%add3A_1333, %multiple_of3A_1334] : memref<128x32768xf32, #tpu.memory_space<hbm>> -> memref<1x16xf32, #tpu.memory_space<hbm>>
      %dma_start3A_1344 = tpu.memref_squeeze %dma_start3A_1343 : memref<1x16xf32, #tpu.memory_space<hbm>> -> memref<16xf32, #tpu.memory_space<hbm>>
      %dma_start3A_1345 = tpu.memref_slice %arg3[%add3A_1333, %multiple_of3A_1334] : memref<128x32768xf32, #tpu.memory_space<hbm>> -> memref<1x16xf32, #tpu.memory_space<hbm>>
      %dma_start3A_1346 = tpu.memref_squeeze %dma_start3A_1345 : memref<1x16xf32, #tpu.memory_space<hbm>> -> memref<16xf32, #tpu.memory_space<hbm>>
      %dma_start3A_1347 = arith.constant 16 : i32
      %dma_start3A_1348 = tpu.memref_slice %arg8[%dma_start3A_1347] : memref<64xf32, #tpu.memory_space<vmem>> -> memref<16xf32, #tpu.memory_space<vmem>>
      tpu.enqueue_dma source(%dma_start3A_1348 : memref<16xf32, #tpu.memory_space<vmem>>) target(%dma_start3A_1346 : memref<16xf32, #tpu.memory_space<hbm>>) target_semaphore(%run_scoped3A : memref<!tpu.dma_semaphore, #tpu.memory_space<semaphore_mem>>)
      %dma_wait3A_1349 = arith.constant 16 : i32
      %dma_wait3A_1350 = tpu.memref_slice %arg8[%dma_wait3A_1349] : memref<64xf32, #tpu.memory_space<vmem>> -> memref<16xf32, #tpu.memory_space<vmem>>
      %dma_wait3A_1351 = tpu.memref_slice %arg3[%add3A_1333, %multiple_of3A_1334] : memref<128x32768xf32, #tpu.memory_space<hbm>> -> memref<1x16xf32, #tpu.memory_space<hbm>>
      %dma_wait3A_1352 = tpu.memref_squeeze %dma_wait3A_1351 : memref<1x16xf32, #tpu.memory_space<hbm>> -> memref<16xf32, #tpu.memory_space<hbm>>
      %dma_wait3A_1353 = tpu.memref_slice %arg3[%add3A_1333, %multiple_of3A_1334] : memref<128x32768xf32, #tpu.memory_space<hbm>> -> memref<1x16xf32, #tpu.memory_space<hbm>>
      %dma_wait3A_1354 = tpu.memref_squeeze %dma_wait3A_1353 : memref<1x16xf32, #tpu.memory_space<hbm>> -> memref<16xf32, #tpu.memory_space<hbm>>
      %dma_wait3A_1355 = arith.constant 16 : i32
      %dma_wait3A_1356 = tpu.memref_slice %arg8[%dma_wait3A_1355] : memref<64xf32, #tpu.memory_space<vmem>> -> memref<16xf32, #tpu.memory_space<vmem>>
      tpu.wait_dma2 semaphore(%run_scoped3A : memref<!tpu.dma_semaphore, #tpu.memory_space<semaphore_mem>>) src(%dma_wait3A_1356 : memref<16xf32, #tpu.memory_space<vmem>>) dst(%dma_wait3A_1354 : memref<16xf32, #tpu.memory_space<hbm>>)
      tpu.yield
    }) : () -> ()
    %add3A_1335 = arith.constant 2 : i32
    %add3A_1336 = arith.addi %mul3A_2, %add3A_1335 : i32
    %multiple_of3A_1337 = tpu.assume_multiple %sub3A_972, 16 : i32
    "tpu.region"() ({
      %run_scoped3A = tpu.sem_alloc : memref<!tpu.dma_semaphore, #tpu.memory_space<semaphore_mem>>
      %dma_start3A_1341 = arith.constant 32 : i32
      %dma_start3A_1342 = tpu.memref_slice %arg8[%dma_start3A_1341] : memref<64xf32, #tpu.memory_space<vmem>> -> memref<16xf32, #tpu.memory_space<vmem>>
      %dma_start3A_1343 = tpu.memref_slice %arg3[%add3A_1336, %multiple_of3A_1337] : memref<128x32768xf32, #tpu.memory_space<hbm>> -> memref<1x16xf32, #tpu.memory_space<hbm>>
      %dma_start3A_1344 = tpu.memref_squeeze %dma_start3A_1343 : memref<1x16xf32, #tpu.memory_space<hbm>> -> memref<16xf32, #tpu.memory_space<hbm>>
      %dma_start3A_1345 = tpu.memref_slice %arg3[%add3A_1336, %multiple_of3A_1337] : memref<128x32768xf32, #tpu.memory_space<hbm>> -> memref<1x16xf32, #tpu.memory_space<hbm>>
      %dma_start3A_1346 = tpu.memref_squeeze %dma_start3A_1345 : memref<1x16xf32, #tpu.memory_space<hbm>> -> memref<16xf32, #tpu.memory_space<hbm>>
      %dma_start3A_1347 = arith.constant 32 : i32
      %dma_start3A_1348 = tpu.memref_slice %arg8[%dma_start3A_1347] : memref<64xf32, #tpu.memory_space<vmem>> -> memref<16xf32, #tpu.memory_space<vmem>>
      tpu.enqueue_dma source(%dma_start3A_1348 : memref<16xf32, #tpu.memory_space<vmem>>) target(%dma_start3A_1346 : memref<16xf32, #tpu.memory_space<hbm>>) target_semaphore(%run_scoped3A : memref<!tpu.dma_semaphore, #tpu.memory_space<semaphore_mem>>)
      %dma_wait3A_1349 = arith.constant 32 : i32
      %dma_wait3A_1350 = tpu.memref_slice %arg8[%dma_wait3A_1349] : memref<64xf32, #tpu.memory_space<vmem>> -> memref<16xf32, #tpu.memory_space<vmem>>
      %dma_wait3A_1351 = tpu.memref_slice %arg3[%add3A_1336, %multiple_of3A_1337] : memref<128x32768xf32, #tpu.memory_space<hbm>> -> memref<1x16xf32, #tpu.memory_space<hbm>>
      %dma_wait3A_1352 = tpu.memref_squeeze %dma_wait3A_1351 : memref<1x16xf32, #tpu.memory_space<hbm>> -> memref<16xf32, #tpu.memory_space<hbm>>
      %dma_wait3A_1353 = tpu.memref_slice %arg3[%add3A_1336, %multiple_of3A_1337] : memref<128x32768xf32, #tpu.memory_space<hbm>> -> memref<1x16xf32, #tpu.memory_space<hbm>>
      %dma_wait3A_1354 = tpu.memref_squeeze %dma_wait3A_1353 : memref<1x16xf32, #tpu.memory_space<hbm>> -> memref<16xf32, #tpu.memory_space<hbm>>
      %dma_wait3A_1355 = arith.constant 32 : i32
      %dma_wait3A_1356 = tpu.memref_slice %arg8[%dma_wait3A_1355] : memref<64xf32, #tpu.memory_space<vmem>> -> memref<16xf32, #tpu.memory_space<vmem>>
      tpu.wait_dma2 semaphore(%run_scoped3A : memref<!tpu.dma_semaphore, #tpu.memory_space<semaphore_mem>>) src(%dma_wait3A_1356 : memref<16xf32, #tpu.memory_space<vmem>>) dst(%dma_wait3A_1354 : memref<16xf32, #tpu.memory_space<hbm>>)
      tpu.yield
    }) : () -> ()
    %add3A_1338 = arith.constant 3 : i32
    %add3A_1339 = arith.addi %mul3A_2, %add3A_1338 : i32
    %multiple_of3A_1340 = tpu.assume_multiple %sub3A_1271, 16 : i32
    "tpu.region"() ({
      %run_scoped3A = tpu.sem_alloc : memref<!tpu.dma_semaphore, #tpu.memory_space<semaphore_mem>>
      %dma_start3A_1341 = arith.constant 48 : i32
      %dma_start3A_1342 = tpu.memref_slice %arg8[%dma_start3A_1341] : memref<64xf32, #tpu.memory_space<vmem>> -> memref<16xf32, #tpu.memory_space<vmem>>
      %dma_start3A_1343 = tpu.memref_slice %arg3[%add3A_1339, %multiple_of3A_1340] : memref<128x32768xf32, #tpu.memory_space<hbm>> -> memref<1x16xf32, #tpu.memory_space<hbm>>
      %dma_start3A_1344 = tpu.memref_squeeze %dma_start3A_1343 : memref<1x16xf32, #tpu.memory_space<hbm>> -> memref<16xf32, #tpu.memory_space<hbm>>
      %dma_start3A_1345 = tpu.memref_slice %arg3[%add3A_1339, %multiple_of3A_1340] : memref<128x32768xf32, #tpu.memory_space<hbm>> -> memref<1x16xf32, #tpu.memory_space<hbm>>
      %dma_start3A_1346 = tpu.memref_squeeze %dma_start3A_1345 : memref<1x16xf32, #tpu.memory_space<hbm>> -> memref<16xf32, #tpu.memory_space<hbm>>
      %dma_start3A_1347 = arith.constant 48 : i32
      %dma_start3A_1348 = tpu.memref_slice %arg8[%dma_start3A_1347] : memref<64xf32, #tpu.memory_space<vmem>> -> memref<16xf32, #tpu.memory_space<vmem>>
      tpu.enqueue_dma source(%dma_start3A_1348 : memref<16xf32, #tpu.memory_space<vmem>>) target(%dma_start3A_1346 : memref<16xf32, #tpu.memory_space<hbm>>) target_semaphore(%run_scoped3A : memref<!tpu.dma_semaphore, #tpu.memory_space<semaphore_mem>>)
      %dma_wait3A_1349 = arith.constant 48 : i32
      %dma_wait3A_1350 = tpu.memref_slice %arg8[%dma_wait3A_1349] : memref<64xf32, #tpu.memory_space<vmem>> -> memref<16xf32, #tpu.memory_space<vmem>>
      %dma_wait3A_1351 = tpu.memref_slice %arg3[%add3A_1339, %multiple_of3A_1340] : memref<128x32768xf32, #tpu.memory_space<hbm>> -> memref<1x16xf32, #tpu.memory_space<hbm>>
      %dma_wait3A_1352 = tpu.memref_squeeze %dma_wait3A_1351 : memref<1x16xf32, #tpu.memory_space<hbm>> -> memref<16xf32, #tpu.memory_space<hbm>>
      %dma_wait3A_1353 = tpu.memref_slice %arg3[%add3A_1339, %multiple_of3A_1340] : memref<128x32768xf32, #tpu.memory_space<hbm>> -> memref<1x16xf32, #tpu.memory_space<hbm>>
      %dma_wait3A_1354 = tpu.memref_squeeze %dma_wait3A_1353 : memref<1x16xf32, #tpu.memory_space<hbm>> -> memref<16xf32, #tpu.memory_space<hbm>>
      %dma_wait3A_1355 = arith.constant 48 : i32
      %dma_wait3A_1356 = tpu.memref_slice %arg8[%dma_wait3A_1355] : memref<64xf32, #tpu.memory_space<vmem>> -> memref<16xf32, #tpu.memory_space<vmem>>
      tpu.wait_dma2 semaphore(%run_scoped3A : memref<!tpu.dma_semaphore, #tpu.memory_space<semaphore_mem>>) src(%dma_wait3A_1356 : memref<16xf32, #tpu.memory_space<vmem>>) dst(%dma_wait3A_1354 : memref<16xf32, #tpu.memory_space<hbm>>)
      tpu.yield
    }) : () -> ()
    return
  }
}

</mosaic_0001>

<sc_bundles>
// kernel: kernel.3.cloned.1.call-start
scs
__scs_entry_jumppad:
0x0: {  	(pc) =	sbr.rel $0x88, $3  }
0x1: {  	(tag) =	ssettag $0x0;
	lr =	simm.s32 $0x1  }
0x2: {  	[smem:$0x3FA0] =	sst lr;
	_ =	strace $0xD0000000  }
0x3: {  	_ = 	snop  }
0x4: {  	_ = 	snop  }
0x5: {  	_ = 	snop  }
0x6: {  	_ = 	snop  }
0x7: {  	_ = 	snop  }
__scs_overlays_trampoline_lowered:
0x8: {  	[smem:$0x3FAF] =	sst s0  }
0x9: {  	[smem:$0x3FB0] =	sst s1  }
0xa: {  	[smem:$0x3FB1] =	sst s2  }
0xb: {  	[smem:$0x3FB2] =	sst s3  }
0xc: {  	[smem:$0x3FB3] =	sst s4  }
0xd: {  	[smem:$0x3FB4] =	sst s5  }
0xe: {  	[smem:$0x3FB5] =	sst s6  }
0xf: {  	[smem:$0x3FB6] =	sst s7  }
0x10: {  	[smem:$0x3FB7] =	sst s8  }
0x11: {  	[smem:$0x3FB8] =	sst s9;
	s0 =	simm.s32 @!p0 $0x0  }
0x12: {  	s1 =	sld [smem:$0x3F9E];
	s0 =	simm.s32 @p0 $0x1  }
0x13: {  	[smem:$0x3FB9] =	sst s0;
	s0 =	simm.s32 @!p1 $0x0  }
0x14: {  	s2 =	sld [smem:$0x3F9D];
	s0 =	simm.s32 @p1 $0x1  }
0x15: {  	[smem:$0x3FBA] =	sst s0;
	s0 =	simm.s32 @!p2 $0x0  }
0x16: {  	s3 =	sld [smem:$0x3FDB];
	s0 =	simm.s32 @p2 $0x1  }
0x17: {  	s4 =	simm.s32 $0x1BF5;
	[smem:$0x3FBC] =	sst s0  }
0x18: {  	s0 =	sld [smem:$0x3F9F];
	_ =	swait.ge [sflag:s4], $0x0  }
0x19: {  	s7 =	sld [smem:$0x3FA0]  }
0x1a: {  	s8 =	sadd.s32 $0xFFFFE003, lr  }
0x1b: {  	s9 =	sadd.s32 $0xFFFFFEF7, lr;
	s5 =	simm.s32 $0xFFFFFFFF;
	p2 =	slt.u32 s8, $0xFFFFF086  }
0x1c: {  	p1 =	slt.u32 s9, $0xF7A;
	s5 =	simm.s32 @!p2 $0x0  }
0x1d: {  	s5 =	simm.s32 @p1 $0x1;
	p0 =	seq.s32 s7, s2  }
0x1e: {  	s7 =	smul.u32 @!p0 $0xF7A, s2;
	p2 =	seq.s32 @!p0 s5, $0x0  }
0x1f: {  	s9 =	smul.u32 $0xF7A, s1;
	s8 =	simm.s32 @!p0 $0x1BF5;
	p2 =	por !p2, p0  }
0x20: {  	[sflag:s8] =	ssyncset.s32 @!p0 $0xFFFFF086;
	s6 =	sadd.s32 @!p0 s3, s7;
	s7 =	simm.s32 @!p0 $0x108  }
0x21: {  	s3 =	sadd.s32 s3, s9;
	s6 =	sadd.s32 @!p0 $0x88, s6;
	s7 =	simm.s32 @p2 $0x1082  }
0x22: {  	[simem:s7], [sflag:s8] =	dma.local @!p0 [hbm:s6], $0xF7A  }
0x23: {  	s9 =	sor.u32 $0xD0000000, s2;
	s6 =	simm.s32 $0x108;
	_ =	swait.ge @!p0 [sflag:s8], $0x0  }
0x24: {  	s3 =	sadd.s32 $0x88, s3;
	s6 =	simm.s32 @!p1 $0x1082;
	[sflag:s4] =	ssyncset.s32 $0xFFFFF086  }
0x25: {  	[simem:s6], [sflag:s4] =	dma.local [hbm:s3], $0xF7A  }
0x26: {  	[smem:$0x3FA0] =	sst s1;
	(tag) =	ssettag s2;
	_ =	strace s9  }
0x27: {  	s1 =	sld [smem:$0x3FB0]  }
0x28: {  	s2 =	sld [smem:$0x3FB1]  }
0x29: {  	s4 =	sld [smem:$0x3FB3]  }
0x2a: {  	p0 =	seq.s32 s5, $0x0;
	s5 =	sld [smem:$0x3FB4]  }
0x2b: {  	s6 =	sld [smem:$0x3FB5]  }
0x2c: {  	s7 =	sld [smem:$0x3FB6]  }
0x2d: {  	s3 =	simm.s32 $0x108;
	s8 =	sld [smem:$0x3FB7]  }
0x2e: {  	s3 =	simm.s32 @!p0 $0x1082;
	s9 =	sld [smem:$0x3FB8]  }
0x2f: {  	lr =	sadd.s32 s0, s3;
	s0 =	sld [smem:$0x3FAF]  }
0x30: {  	s3 =	sld [smem:$0x3FB2]  }
0x31: {  	[smem:$0x3FBB] =	sst s10  }
0x32: {  	s10 =	sld [smem:$0x3FB9];
	_ =	sdelay $0x3  }
0x33: {  	p0 =	seq.s32 s10, $0x1;
	s10 =	sld [smem:$0x3FBB];
	_ =	sdelay $0x3  }
0x34: {  	[smem:$0x3FBB] =	sst s10  }
0x35: {  	s10 =	sld [smem:$0x3FBA];
	_ =	sdelay $0x3  }
0x36: {  	p1 =	seq.s32 s10, $0x1;
	s10 =	sld [smem:$0x3FBB];
	_ =	sdelay $0x3  }
0x37: {  	[smem:$0x3FBB] =	sst s10  }
0x38: {  	s10 =	sld [smem:$0x3FBC]  }
0x39: {  	_ = 	snop;
	(pc) =	sbr.ind lr, $3  }
0x3a: {  	_ = 	snop  }
0x3b: {  	_ = 	snop  }
0x3c: {  	p2 =	seq.s32 s10, $0x1;
	s10 =	sld [smem:$0x3FBB]  }
0x3d: {  	_ =	shalt  }
0x3e: {  	_ =	shalt  }
0x3f: {  	_ =	shalt  }
0x40: {  	_ =	shalt  }
0x41: {  	_ =	shalt  }
0x42: {  	_ =	shalt  }
0x43: {  	_ =	shalt  }
0x44: {  	_ =	shalt  }
0x45: {  	_ =	shalt  }
0x46: {  	_ =	shalt  }
0x47: {  	_ =	shalt  }
0x48: {  	_ =	shalt  }
0x49: {  	_ =	shalt  }
0x4a: {  	_ =	shalt  }
0x4b: {  	_ =	shalt  }
0x4c: {  	_ =	shalt  }
0x4d: {  	_ =	shalt  }
0x4e: {  	_ =	shalt  }
0x4f: {  	_ =	shalt  }
0x50: {  	_ =	shalt  }
0x51: {  	_ =	shalt  }
0x52: {  	_ =	shalt  }
0x53: {  	_ =	shalt  }
0x54: {  	_ =	shalt  }
0x55: {  	_ =	shalt  }
0x56: {  	_ =	shalt  }
0x57: {  	_ =	shalt  }
0x58: {  	_ =	shalt  }
0x59: {  	_ =	shalt  }
0x5a: {  	_ =	shalt  }
0x5b: {  	_ =	shalt  }
0x5c: {  	_ =	shalt  }
0x5d: {  	_ =	shalt  }
0x5e: {  	_ =	shalt  }
0x5f: {  	_ =	shalt  }
0x60: {  	_ =	shalt  }
0x61: {  	_ =	shalt  }
0x62: {  	_ =	shalt  }
0x63: {  	_ =	shalt  }
0x64: {  	_ =	shalt  }
0x65: {  	_ =	shalt  }
0x66: {  	_ =	shalt  }
0x67: {  	_ =	shalt  }
0x68: {  	_ =	shalt  }
0x69: {  	_ =	shalt  }
0x6a: {  	_ =	shalt  }
0x6b: {  	_ =	shalt  }
0x6c: {  	_ =	shalt  }
0x6d: {  	_ =	shalt  }
0x6e: {  	_ =	shalt  }
0x6f: {  	_ =	shalt  }
0x70: {  	_ =	shalt  }
0x71: {  	_ =	shalt  }
0x72: {  	_ =	shalt  }
0x73: {  	_ =	shalt  }
0x74: {  	_ =	shalt  }
0x75: {  	_ =	shalt  }
0x76: {  	_ =	shalt  }
0x77: {  	_ =	shalt  }
0x78: {  	_ =	shalt  }
0x79: {  	_ =	shalt  }
0x7a: {  	_ =	shalt  }
0x7b: {  	_ =	shalt  }
0x7c: {  	_ =	shalt  }
0x7d: {  	_ =	shalt  }
0x7e: {  	_ =	shalt  }
0x7f: {  	_ =	shalt  }
0x80: {  	_ =	shalt  }
0x81: {  	_ =	shalt  }
0x82: {  	_ =	shalt  }
0x83: {  	_ =	shalt  }
0x84: {  	_ =	shalt  }
0x85: {  	_ =	shalt  }
0x86: {  	_ =	shalt  }
0x87: {  	_ =	shalt  }
.Lfunc_end0:
.L_simem_size_0:
called_computation_lowered:
.L_overlay_start_0:
0x88: {  	s2 =	sld [smem:$0x3FD9]  }
0x89: {  	s3 =	sld [smem:$0x3FFE];
	_ =	sdelay $0x1  }
0x8a: {  	s1 =	srdreg.scid  }
0x8b: {  	s0 =	sand.u32 $0x1, s1  }
0x8c: {  	s18 =	sshll.u32 s0, $0xA;
	s2 =	sadd.s32 s3, s2  }
0x8d: {  	s2 =	sadd.s32 s2, s18  }
0x8e: {  	[smem:$0x3FC7] =	sst s2  }
0x8f: {  	_ = 	snop  }
0x90: {  	s2 =	sld [smem:$0x3FC9]  }
0x91: {  	s19 =	sld [smem:$0x3FD0];
	(tm) =	ssettm $0x1  }
0x92: {  	s4 =	sld [smem:$0x3FFB];
	_ =	sdelay $0x3  }
0x93: {  	_ =	strace s4  }
0x94: {  	s4 =	sld [smem:$0x3FFC];
	_ =	sdelay $0x3  }
0x95: {  	_ =	strace s4  }
0x96: {  	s4 =	sld [smem:$0x3FFD];
	_ =	sdelay $0x3  }
0x97: {  	_ =	strace s4  }
0x98: {  	_ =	strace $0x8FFFFFFF  }
0x99: {  	s20 =	sld [smem:$0x3FDB];
	_ =	sdelay $0x1  }
0x9a: {  	s5 =	simm.s32 $_scs_section_size  }
0x9b: {  	s6 =	simm.s32 $_size__tile_overlayer_lowered;
	s7 =	simm.s32 $_tile_overlayer_lowered  }
0x9c: {  	s23 =	simm.s32 $0x1BFF;
	s22 =	sshll.u32 s7, $0x1;
	s4 =	sadd.s32 s5, s20  }
0x9d: {  	s8 =	simm.s32 $0x0;
	s21 =	sshll.u32 s6, $0x1;
	s6 =	sadd.s32 s22, s4  }
0x9e: {  	[timem:s8], [sflag:s23] =	dma.local [hbm:s6], s21  }
0x9f: {  	_ =	swait.ge [sflag:s23], s21  }
0xa0: {  	s5 =	ssub.s32 $0x0, s21;
	[sflag:s23] =	ssyncset.done $0x0  }
0xa1: {  	[sflag:s23] =	ssyncadd.s32 s5;
	_ =	sdelay $0x1  }
0xa2: {  	s24 =	simm.s32 $0x1B8B  }
0xa3: {  	_ =	swait.ge [sflag:s24], $0x1  }
0xa4: {  	[sflag:s24] =	ssyncset.done $0x0  }
0xa5: {  	s25 =	simm.s32 $0x1B8E;
	[sflag:s24] =	ssyncadd.s32 $0xFFFFFFFF  }
0xa6: {  	s26 =	simm.s32 $execute0_lowered;
	[smem:$0x3FD2] =	sst s25  }
0xa7: {  	s5 =	sshll.u32 s26, $0x1;
	_ =	strace $0x80000046;
	[dreg:$0x1] =	wrdreg $0xFFFFFFFF  }
0xa8: {  	s28 =	simm.s32 $_size_execute0_lowered;
	s4 =	sadd.s32 s4, s5;
	[dreg:$0x0] =	wrdreg $0x0  }
0xa9: {  	s5 =	sshll.u32 s28, $0x1;
	[dreg:$0x2] =	wrdreg s4  }
0xaa: {  	[dreg:$0x3] =	wrdreg s5  }
0xab: {  	[dreg:$0x4] =	wrdreg $0xC0  }
0xac: {  	_ =	task [dreg:s8], $0x5FFFF  }
0xad: {  	[dreg:$0x1] =	wrdreg $0xFFFFFFFF  }
0xae: {  	[dreg:$0x0] =	wrdreg $0x60  }
0xaf: {  	[dreg:$0x2] =	wrdreg s2  }
0xb0: {  	[dreg:$0x3] =	wrdreg s19  }
0xb1: {  	[dreg:$0x4] =	wrdreg $0x9  }
0xb2: {  	_ =	task.clear_ibuf [dreg:s8], $0x5FFFF;
	_ =	strace $0x90000046  }
0xb3: {  	s29 =	simm.s32 $0x9;
	_ =	strace $0x80000048  }
0xb4: {  	_ =	swait.ge [sflag:s29], $0x1  }
0xb5: {  	[sflag:s29] =	ssyncadd.s32 $0xFFFFFFFF  }
0xb6: {  	_ =	strace $0x90000048  }
0xb7: {  	_ =	sfence  }
0xb8: {  	s30 =	sld [smem:$0x0];
	_ =	sdelay $0x2  }
0xb9: {  	s31 =	sshll.u32 s1, $0xD;
	s1 =	sshrl.u32 s1, $0x2  }
0xba: {  	s3 =	sand.u32 $0x4000, s31;
	s1 =	sadd.s32 s1, s30  }
0xbb: {  	s0 =	sor.u32 s3, s0;
	s1 =	sshll.u32 s1, $0x11  }
0xbc: {  	s0 =	sor.u32 s1, s0  }
0xbd: {  	s0 =	sadd.s32 $0x8F2B, s0  }
0xbe: {  	[sflag:s0] =	ssyncadd.remote.s32 $0x1  }
0xbf: {  	_ =	sfence.sel $0xFFFF  }
0xc0: {  	[dreg:$0x0] =	wrdreg $0xFFFFFFFF;
	(pc) =	sbr.abs _section_cstart, $3  }
0xc1: {  	[dreg:$0x1] =	wrdreg $0xFFFFFFFF  }
0xc2: {  	_ =	task.clear_ibuf [dreg:s8], $0x2FFFF;
	_ =	strace $0x9FFFFFFF  }
0xc3: {  	(tm) =	ssettm $0x7FFFFFFF  }
tec
execute0_lowered:
.L_overlay_start_1:
0x0: {  	(tag) =	ssettag $0x1  }
0x1: {  	s0 =	rddreg [dreg:$0x0]  }
0x2: {  	s2 =	rddreg [dreg:$0x1]  }
0x3: {  	s1 =	srdreg.scid;
	s3 =	simm.s32 $0x0;
	s4 =	stileid.u32  }
0x4: {  	s29 =	simm.s32 $0x1;
	s31 =	simm.s32 $0x3;
	s28 =	simm.s32 $0x0  }
0x5: {  	s1 =	sand.u32 $0x1, s1;
	[smem:$0x7FF] =	sst s3;
	s4 =	sshll.u32 s4, $0x12  }
0x6: {  	s22 =	sadd.s32 $0x4000, s2;
	s5 =	sshll.u32 s1, $0x9;
	s1 =	ssub.s32 $0x2, s1  }
0x7: {  	_ =	strace $0x80000047;
	s6 =	sor.u32 s5, s4;
	s7 =	sshrl.u32 s1, $0x1  }
0x8: {  	s11 =	sor.u32 $0x100, s5;
	s13 =	sor.u32 $0x180, s5;
	s8 =	sshrl.u32 s6, $0x3  }
0x9: {  	s6 =	sor.u32 $0x80, s5;
	s1 =	ssub.s32 s1, s7;
	s25 =	sor.u32 s4, s11  }
0xa: {  	s30 =	sor.u32 s4, s13;
	s20 =	sadd.s32 s0, s8;
	s21 =	sor.u32 s4, s6  }
0xb: {  	s9 =	sadd.s32 s2, s8;
	s8 =	sadd.s32 s8, s22;
	[dreg:$0x3] =	wrdreg s20  }
0xc: {  	s26 =	sshrl.u32 s25, $0x3;
	[dreg:$0x4] =	wrdreg s9;
	s7 =	sshrl.u32 s21, $0x3  }
0xd: {  	[dreg:$0x5] =	wrdreg s8;
	s15 =	sadd.s32 s2, s26;
	s16 =	sadd.s32 s26, s22  }
0xe: {  	s8 =	sshrl.u32 s30, $0x3;
	s19 =	sadd.s32 s0, s26;
	s21 =	smax.u32 s1, $0x1  }
0xf: {  	s26 =	simm.s32 $0x2;
	s23 =	sadd.s32 s0, s7;
	s24 =	sadd.s32 s2, s7  }
0x10: {  	s14 =	sadd.s32 s7, s22;
	s17 =	sadd.s32 s2, s8;
	s18 =	sadd.s32 s8, s22  }
0x11: {  	s20 =	sadd.s32 s0, s8;
	s22 =	simm.s32 $0x80;
	[dreg:$0x6] =	wrdreg s23  }
0x12: {  	v0 =	vimm.f32 $0.0e+00;
	v1 =	vlaneseq.u32;
	[dreg:$0x7] =	wrdreg s24;
	s23 =	simm.s32 $0x400;
	s24 =	simm.s32 $0x18000  }
.LBB2_1:
0x13: {  	s0 =	simm.s32 $0x0;
	s1 =	simm.s32 $0x400  }
.LBB2_2:
0x14: {  	p0 =	sne.s32 s1, $0xFC00;
	[tilespmem:s0+$0x180F0] =	vst v0  }
0x15: {  	[tilespmem:s0+$0x18000] =	vst v0  }
0x16: {  	[tilespmem:s0+$0x18010] =	vst v0  }
0x17: {  	[tilespmem:s0+$0x18020] =	vst v0  }
0x18: {  	[tilespmem:s0+$0x18030] =	vst v0  }
0x19: {  	[tilespmem:s0+$0x18040] =	vst v0  }
0x1a: {  	[tilespmem:s0+$0x18050] =	vst v0  }
0x1b: {  	[tilespmem:s0+$0x18060] =	vst v0  }
0x1c: {  	[tilespmem:s0+$0x18070] =	vst v0  }
0x1d: {  	[tilespmem:s0+$0x18080] =	vst v0  }
0x1e: {  	[tilespmem:s0+$0x18090] =	vst v0  }
.Ltmp0:
0x1f: {  	[tilespmem:s0+$0x180A0] =	vst v0;
	(pc) =	sbr.rel @p0 .LBB2_2-.Ltmp0, $4  }
0x20: {  	[tilespmem:s0+$0x180B0] =	vst v0  }
0x21: {  	[tilespmem:s0+$0x180C0] =	vst v0  }
0x22: {  	[tilespmem:s0+$0x180D0] =	vst v0  }
0x23: {  	[tilespmem:s0+$0x180E0] =	vst v0;
	s0 =	sshra.s32 s1, $0x2;
	s1 =	sadd.s32 $0x400, s1  }
0x24: {  	[tilespmem:s0+$0x180F0] =	vst v0  }
0x25: {  	[tilespmem:s0+$0x18000] =	vst v0  }
0x26: {  	[tilespmem:s0+$0x18010] =	vst v0  }
0x27: {  	[tilespmem:s0+$0x18020] =	vst v0  }
0x28: {  	[tilespmem:s0+$0x18030] =	vst v0  }
0x29: {  	[tilespmem:s0+$0x18040] =	vst v0  }
0x2a: {  	[tilespmem:s0+$0x18050] =	vst v0  }
0x2b: {  	[tilespmem:s0+$0x18060] =	vst v0  }
0x2c: {  	[tilespmem:s0+$0x18070] =	vst v0  }
0x2d: {  	[tilespmem:s0+$0x18080] =	vst v0  }
0x2e: {  	[tilespmem:s0+$0x18090] =	vst v0  }
0x2f: {  	[tilespmem:s0+$0x180A0] =	vst v0  }
0x30: {  	[tilespmem:s0+$0x180B0] =	vst v0  }
0x31: {  	[tilespmem:s0+$0x180C0] =	vst v0  }
0x32: {  	[tilespmem:s0+$0x180D0] =	vst v0  }
0x33: {  	[tilespmem:s0+$0x180E0] =	vst v0;
	s30 =	simm.s32 $0x0;
	s1 =	rddreg [dreg:$0x3]  }
0x34: {  	[tilespmem:s30], [sflag:$0x2] =	stream.strided.gather [hbm4b:s1+s22], $0x8000, s23, s22, $0x38;
	[tilespmem:$0x1C080] =	vst v63  }
0x35: {  	s7 =	rddreg [dreg:$0x4]  }
0x36: {  	[hbm4b:s7+s22] =	stream.strided.scatter [tilespmem:s24], [sflag:$0x1], $0x4000, s23, s22, $0x38;
	[tilespmem:$0x1C080] =	vst v63  }
0x37: {  	s8 =	rddreg [dreg:$0x5]  }
0x38: {  	[hbm4b:s8+s22] =	stream.strided.scatter [tilespmem:s24], [sflag:$0x1], $0x4000, s23, s22, $0x38;
	[tilespmem:$0x1C080] =	vst v63  }
0x39: {  	s9 =	rddreg [dreg:$0x6];
	s10 =	simm.s32 $0x8000  }
0x3a: {  	[tilespmem:s10], [sflag:$0x2] =	stream.strided.gather [hbm4b:s9+s22], $0x8000, s23, s22, $0x38;
	[tilespmem:$0x1C080] =	vst v63  }
0x3b: {  	s12 =	rddreg [dreg:$0x7]  }
0x3c: {  	[hbm4b:s12+s22] =	stream.strided.scatter [tilespmem:s24], [sflag:$0x1], $0x4000, s23, s22, $0x38;
	[tilespmem:$0x1C080] =	vst v63  }
0x3d: {  	_ = 	snop  }
0x3e: {  	[hbm4b:s14+s22] =	stream.strided.scatter [tilespmem:s24], [sflag:$0x1], $0x4000, s23, s22, $0x38;
	[tilespmem:$0x1C080] =	vst v63  }
0x3f: {  	_ = 	snop  }
0x40: {  	[hbm4b:s15+s22] =	stream.strided.scatter [tilespmem:s24], [sflag:$0x1], $0x4000, s23, s22, $0x38;
	[tilespmem:$0x1C080] =	vst v63  }
0x41: {  	_ = 	snop  }
0x42: {  	[hbm4b:s16+s22] =	stream.strided.scatter [tilespmem:s24], [sflag:$0x1], $0x4000, s23, s22, $0x38;
	[tilespmem:$0x1C080] =	vst v63  }
0x43: {  	_ = 	snop  }
0x44: {  	[hbm4b:s17+s22] =	stream.strided.scatter [tilespmem:s24], [sflag:$0x1], $0x4000, s23, s22, $0x38;
	[tilespmem:$0x1C080] =	vst v63  }
0x45: {  	_ = 	snop  }
0x46: {  	[hbm4b:s18+s22] =	stream.strided.scatter [tilespmem:s24], [sflag:$0x1], $0x4000, s23, s22, $0x38;
	[tilespmem:$0x1C080] =	vst v63  }
0x47: {  	_ =	swait.ge [sflag:s26], $0x8000  }
0x48: {  	[sflag:s26] =	ssyncset.done $0x0  }
0x49: {  	s25 =	simm.s32 $0x10000;
	s30 =	simm.s32 $0x0;
	[sflag:s26] =	ssyncadd.s32 $0xFFFF8000  }
0x4a: {  	[tilespmem:s25], [sflag:$0x2] =	stream.strided.gather [hbm4b:s19+s22], $0x8000, s23, s22, $0x38;
	[tilespmem:$0x1C080] =	vst v63  }
0x4b: {  	v4 =	vld [tilespmem:s30+$0x70]  }
0x4c: {  	v5 =	vld [tilespmem:s30+$0x60]  }
0x4d: {  	v6 =	vld [tilespmem:s30+$0x50]  }
0x4e: {  	v3 =	vld [tilespmem:s30+$0x40]  }
0x4f: {  	v7 =	vld [tilespmem:s30+$0x30]  }
0x50: {  	v2 =	vld [tilespmem:s30+$0x20]  }
0x51: {  	v8 =	vld [tilespmem:s30+$0x0]  }
0x52: {  	v9 =	vld [tilespmem:s30+$0x80]  }
0x53: {  	v10 =	vld [tilespmem:s30+$0x10]  }
0x54: {  	v11 =	vld [tilespmem:s30+$0x90]  }
0x55: {  	v12 =	vld [tilespmem:s30+$0xA0]  }
0x56: {  	v13 =	vld [tilespmem:s30+$0xB0]  }
0x57: {  	v14 =	vld [tilespmem:s30+$0xC0]  }
0x58: {  	v15 =	vld [tilespmem:s30+$0xD0]  }
0x59: {  	v16 =	vld [tilespmem:s30+$0xE0]  }
0x5a: {  	s0 =	simm.s32 $0x100;
	v8 =	vmax.f32 v8, v10;
	v9 =	vmax.f32 v9, v11;
	v11 =	vld [tilespmem:s30+$0xF0]  }
0x5b: {  	v10 =	vld [tilespmem:s0+$0x30];
	v8 =	vmax.f32 v8, v2;
	v9 =	vmax.f32 v9, v12  }
0x5c: {  	v2 =	vld [tilespmem:s0+$0x70];
	v7 =	vmax.f32 v8, v7;
	v9 =	vmax.f32 v9, v13  }
0x5d: {  	v12 =	vld [tilespmem:s0+$0x0];
	v7 =	vmax.f32 v7, v3;
	v9 =	vmax.f32 v9, v14  }
0x5e: {  	v8 =	vld [tilespmem:s0+$0x60];
	v6 =	vmax.f32 v7, v6;
	v7 =	vmax.f32 v9, v15  }
0x5f: {  	v13 =	vld [tilespmem:s0+$0x80];
	v5 =	vmax.f32 v6, v5;
	v6 =	vmax.f32 v7, v16  }
0x60: {  	v3 =	vld [tilespmem:s0+$0x50];
	v4 =	vmax.f32 v5, v4;
	v5 =	vmax.f32 v6, v11  }
0x61: {  	v14 =	vld [tilespmem:s0+$0x10];
	v6 =	vimm.f32 $-Inf;
	v7 =	vmax.f32 v4, v5  }
0x62: {  	v9 =	vld [tilespmem:s0+$0x40];
	v4 =	vimm.s32 $0x0;
	vm0 =	vgt.f32 v7, v6  }
0x63: {  	s1 =	simm.s32 $0x800;
	v11 =	vld [tilespmem:s0+$0x20];
	v5 =	vsel vm0, v4, v4  }
.LBB2_4:
0x64: {  	p0 =	sne.s32 s1, $0x1FC00;
	v15 =	vld [tilespmem:s0+$0x90]  }
0x65: {  	v16 =	vld [tilespmem:s0+$0xA0]  }
0x66: {  	v17 =	vld [tilespmem:s0+$0xB0]  }
0x67: {  	v18 =	vld [tilespmem:s0+$0xC0]  }
0x68: {  	v19 =	vld [tilespmem:s0+$0xD0]  }
0x69: {  	v12 =	vmax.f32 v12, v14;
	v13 =	vmax.f32 v13, v15;
	v14 =	vld [tilespmem:s0+$0xE0]  }
0x6a: {  	v11 =	vmax.f32 v12, v11;
	v12 =	vmax.f32 v13, v16;
	v13 =	vld [tilespmem:s0+$0xF0];
	s0 =	sshra.s32 s1, $0x2  }
0x6b: {  	v10 =	vmax.f32 v11, v10;
	v15 =	vld [tilespmem:s0+$0x70];
	v11 =	vmax.f32 v12, v17  }
0x6c: {  	v9 =	vmax.f32 v10, v9;
	v16 =	vld [tilespmem:s0+$0x60];
	v10 =	vmax.f32 v11, v18  }
0x6d: {  	v11 =	vmax.f32 v9, v3;
	v3 =	vld [tilespmem:s0+$0x50];
	v10 =	vmax.f32 v10, v19  }
0x6e: {  	v8 =	vmax.f32 v11, v8;
	v9 =	vld [tilespmem:s0+$0x40];
	v11 =	vmax.f32 v10, v14  }
.Ltmp1:
0x6f: {  	v12 =	vmax.f32 v8, v2;
	v10 =	vld [tilespmem:s0+$0x30];
	v13 =	vmax.f32 v11, v13;
	(pc) =	sbr.rel @p0 .LBB2_4-.Ltmp1, $4  }
0x70: {  	v6 =	vmax.f32 v6, v7;
	v11 =	vld [tilespmem:s0+$0x20];
	v7 =	vmax.f32 v12, v13;
	v2 =	vmov v15  }
0x71: {  	v4 =	vadd.s32 $0x1, v4;
	v12 =	vld [tilespmem:s0+$0x0];
	vm0 =	vgt.f32 v7, v6;
	v8 =	vmov v16  }
0x72: {  	v13 =	vld [tilespmem:s0+$0x80];
	v5 =	vsel vm0, v4, v5  }
0x73: {  	s1 =	sadd.s32 $0x400, s1;
	v14 =	vld [tilespmem:s0+$0x10]  }
0x74: {  	v15 =	vld [tilespmem:s0+$0x90]  }
0x75: {  	v16 =	vld [tilespmem:s0+$0xA0]  }
0x76: {  	v17 =	vld [tilespmem:s0+$0xB0]  }
0x77: {  	v18 =	vld [tilespmem:s0+$0xC0]  }
0x78: {  	v19 =	vld [tilespmem:s0+$0xD0]  }
0x79: {  	v12 =	vmax.f32 v12, v14;
	v14 =	vld [tilespmem:s0+$0xE0];
	v13 =	vmax.f32 v13, v15  }
0x7a: {  	v11 =	vmax.f32 v12, v11;
	v12 =	vmax.f32 v13, v16;
	v13 =	vld [tilespmem:s0+$0xF0]  }
0x7b: {  	v10 =	vmax.f32 v11, v10;
	v11 =	vmax.f32 v12, v17  }
0x7c: {  	v9 =	vmax.f32 v10, v9;
	v10 =	vmax.f32 v11, v18  }
0x7d: {  	v3 =	vmax.f32 v9, v3;
	v9 =	vmax.f32 v10, v19  }
0x7e: {  	v3 =	vmax.f32 v3, v8;
	v8 =	vmax.f32 v9, v14  }
0x7f: {  	v2 =	vmax.f32 v3, v2;
	v3 =	vmax.f32 v8, v13  }
0x80: {  	v2 =	vmax.f32 v2, v3;
	v3 =	vmax.f32 v6, v7  }
0x81: {  	v6 =	vmax.f32 v3, v2  }
0x82: {  	(xrf0) =	vmax.scan.msk.f32 $0xffff, v6;
	_ =	sdelay $0x5  }
0x83: {  	v7, _, _ =	vpop (xrf0)  }
0x84: {  	vm0 =	vgt.f32 v2, v3;
	v2 =	vadd.s32 $0x1, v4;
	v3 =	vbroadcast v7, $0xF  }
0x85: {  	v2 =	vsel vm0, v2, v5  }
0x86: {  	v2 =	vxor.u32 $0x80000000, v2;
	vm9 =	veq.f32 v6, v3  }
0x87: {  	v2 =	vnsel vm9, $0x80000080, v2  }
0x88: {  	(xrf0) =	vmin.scan.msk.u32 $0xffff, v2;
	_ =	sdelay $0x5  }
0x89: {  	v2, _, _ =	vpop (xrf0)  }
0x8a: {  	(v2sf) =	vpush v2, $0xF;
	_ =	sdelay $0xe  }
0x8b: {  	s9 =	spop (v2sf)  }
0x8c: {  	s0 =	sshll.u32 s9, $0x8  }
0x8d: {  	v2 =	vld [tilespmem:s0+$0x0];
	_ =	sdelay $0x1  }
0x8e: {  	v4 =	vld [tilespmem:s0+$0x10]  }
0x8f: {  	v5 =	vor.u32 s0, v1;
	v6 =	vld [tilespmem:s0+$0x20]  }
0x90: {  	vm10 =	vlt.s32 v5, $0x8000  }
0x91: {  	s1 =	sor.u32 $0x10, s0;
	vm1 =	veq.f32 v2, v3;
	v2 =	vnsel vm10, $0x8000, v5;
	v5 =	vld [tilespmem:s0+$0x30]  }
0x92: {  	v7 =	vor.u32 s1, v1;
	v2 =	vnsel vm1, $0x8000, v2  }
0x93: {  	s10 =	sor.u32 $0x20, s0;
	vm11 =	veq.f32 v4, v3;
	v4 =	vld [tilespmem:s0+$0x40];
	vm1 =	vlt.s32 v2, v7  }
0x94: {  	v8 =	vor.u32 s10, v1;
	vm12 =	veq.f32 v6, v3;
	v7 =	vsel vm1, v2, v7  }
0x95: {  	s12 =	sor.u32 $0x30, s0;
	v6 =	vnsel vm12, $0x8000, v8;
	v2 =	vsel vm11, v7, v2;
	v7 =	vld [tilespmem:s0+$0x50]  }
0x96: {  	v8 =	vor.u32 s12, v1;
	vm0 =	vlt.s32 v2, v6;
	vm13 =	veq.f32 v5, v3  }
0x97: {  	s25 =	sor.u32 $0x40, s0;
	v2 =	vsel vm0, v2, v6;
	v5 =	vnsel vm13, $0x8000, v8;
	v6 =	vld [tilespmem:s0+$0x60]  }
0x98: {  	vm14 =	veq.f32 v4, v3;
	v8 =	vor.u32 s25, v1;
	vm0 =	vlt.s32 v2, v5  }
0x99: {  	s7 =	sor.u32 $0x50, s0;
	v4 =	vnsel vm14, $0x8000, v8;
	v2 =	vsel vm0, v2, v5;
	v5 =	vld [tilespmem:s0+$0x70]  }
0x9a: {  	v8 =	vor.u32 s7, v1;
	vm0 =	vlt.s32 v2, v4;
	vm15 =	veq.f32 v7, v3  }
0x9b: {  	s8 =	sor.u32 $0x60, s0;
	v7 =	vld [tilespmem:s0+$0x80];
	v2 =	vsel vm0, v2, v4;
	v4 =	vnsel vm15, $0x8000, v8  }
0x9c: {  	v8 =	vor.u32 s8, v1;
	vm0 =	vlt.s32 v2, v4;
	vm4 =	veq.f32 v6, v3  }
0x9d: {  	s9 =	sor.u32 $0x70, s0;
	v6 =	vld [tilespmem:s0+$0x90];
	v2 =	vsel vm0, v2, v4;
	v4 =	vnsel vm4, $0x8000, v8  }
0x9e: {  	v8 =	vor.u32 s9, v1;
	vm0 =	vlt.s32 v2, v4;
	vm5 =	veq.f32 v5, v3  }
0x9f: {  	s10 =	sor.u32 $0x80, s0;
	v5 =	vld [tilespmem:s0+$0xA0];
	v2 =	vsel vm0, v2, v4;
	v4 =	vnsel vm5, $0x8000, v8  }
0xa0: {  	v8 =	vor.u32 s10, v1;
	vm6 =	veq.f32 v7, v3;
	vm0 =	vlt.s32 v2, v4  }
0xa1: {  	s12 =	sor.u32 $0x90, s0;
	v7 =	vld [tilespmem:s0+$0xB0];
	v2 =	vsel vm0, v2, v4;
	v4 =	vnsel vm6, $0x8000, v8  }
0xa2: {  	v8 =	vor.u32 s12, v1;
	vm7 =	veq.f32 v6, v3;
	vm0 =	vlt.s32 v2, v4  }
0xa3: {  	s25 =	sor.u32 $0xA0, s0;
	v6 =	vld [tilespmem:s0+$0xC0];
	v2 =	vsel vm0, v2, v4;
	v4 =	vnsel vm7, $0x8000, v8  }
0xa4: {  	v8 =	vor.u32 s25, v1;
	vm8 =	veq.f32 v5, v3;
	vm0 =	vlt.s32 v2, v4  }
0xa5: {  	s7 =	sor.u32 $0xB0, s0;
	v5 =	vld [tilespmem:s0+$0xD0];
	v2 =	vsel vm0, v2, v4;
	v4 =	vnsel vm8, $0x8000, v8  }
0xa6: {  	vm9 =	veq.f32 v7, v3;
	v8 =	vor.u32 s7, v1;
	vm0 =	vlt.s32 v2, v4  }
0xa7: {  	s8 =	sor.u32 $0xC0, s0;
	v7 =	vld [tilespmem:s0+$0xE0];
	v2 =	vsel vm0, v2, v4;
	v4 =	vnsel vm9, $0x8000, v8  }
0xa8: {  	vm10 =	veq.f32 v6, v3;
	v8 =	vor.u32 s8, v1;
	vm0 =	vlt.s32 v2, v4  }
0xa9: {  	s9 =	sor.u32 $0xD0, s0;
	v6 =	vld [tilespmem:s0+$0xF0];
	v2 =	vsel vm0, v2, v4;
	v4 =	vnsel vm10, $0x8000, v8  }
0xaa: {  	vm11 =	veq.f32 v5, v3;
	v8 =	vor.u32 s9, v1;
	vm0 =	vlt.s32 v2, v4  }
0xab: {  	s10 =	sor.u32 $0xE0, s0;
	v2 =	vsel vm0, v2, v4;
	v4 =	vnsel vm11, $0x8000, v8  }
0xac: {  	v5 =	vor.u32 s10, v1;
	vm12 =	veq.f32 v7, v3;
	vm0 =	vlt.s32 v2, v4  }
0xad: {  	s0 =	sor.u32 $0xF0, s0;
	v2 =	vsel vm0, v2, v4;
	v4 =	vnsel vm12, $0x8000, v5  }
0xae: {  	vm13 =	veq.f32 v6, v3;
	v5 =	vor.u32 s0, v1;
	vm0 =	vlt.s32 v2, v4  }
0xaf: {  	v3 =	vnsel vm13, $0x8000, v5;
	v2 =	vsel vm0, v2, v4  }
0xb0: {  	vm0 =	vlt.s32 v2, v3  }
0xb1: {  	v2 =	vsel vm0, v2, v3  }
0xb2: {  	v2 =	vxor.u32 $0x80000000, v2  }
0xb3: {  	(xrf0) =	vmin.scan.msk.u32 $0xffff, v2;
	_ =	sdelay $0x5  }
0xb4: {  	v2, _, _ =	vpop (xrf0)  }
0xb5: {  	(v2sf) =	vpush v2, $0xF;
	_ =	sdelay $0xe  }
0xb6: {  	s12 =	spop (v2sf)  }
0xb7: {  	s30 =	sxor.u32 $0x80000000, s12  }
0xb8: {  	s0 =	sshra.s32 s30, $0x1F  }
0xb9: {  	s0 =	sshrl.u32 s0, $0x1C  }
0xba: {  	s0 =	sadd.s32 s0, s30  }
0xbb: {  	s0 =	sand.u32 $0xFFFFFFF0, s0  }
0xbc: {  	s0 =	ssub.s32 s30, s0  }
0xbd: {  	v2 =	vmov s0  }
0xbe: {  	vm14 =	veq.s32 v2, v1  }
0xbf: {  	v2 =	vsel vm14, $0x3F800000, v0  }
0xc0: {  	[tilespmem:$0x1C000] =	vst v2  }
0xc1: {  	_ =	swait.ge [sflag:s26], $0x8000  }
0xc2: {  	[sflag:s26] =	ssyncset.done $0x0  }
0xc3: {  	s25 =	simm.s32 $0x0;
	s7 =	simm.s32 $0x0;
	[sflag:s26] =	ssyncadd.s32 $0xFFFF8000  }
0xc4: {  	[tilespmem:s25], [sflag:$0x2] =	stream.strided.gather [hbm4b:s20+s22], $0x8000, s23, s22, $0x38;
	[tilespmem:$0x1C080] =	vst v63  }
0xc5: {  	v4 =	vld [tilespmem:s7+$0x8070]  }
0xc6: {  	v5 =	vld [tilespmem:s7+$0x8060]  }
0xc7: {  	v6 =	vld [tilespmem:s7+$0x8050]  }
0xc8: {  	v3 =	vld [tilespmem:s7+$0x8040]  }
0xc9: {  	v7 =	vld [tilespmem:s7+$0x8030]  }
0xca: {  	v2 =	vld [tilespmem:s7+$0x8020]  }
0xcb: {  	v8 =	vld [tilespmem:s7+$0x8000]  }
0xcc: {  	v9 =	vld [tilespmem:s7+$0x8080]  }
0xcd: {  	v10 =	vld [tilespmem:s7+$0x8010]  }
0xce: {  	v11 =	vld [tilespmem:s7+$0x8090]  }
0xcf: {  	v12 =	vld [tilespmem:s7+$0x80A0]  }
0xd0: {  	v13 =	vld [tilespmem:s7+$0x80B0]  }
0xd1: {  	v14 =	vld [tilespmem:s7+$0x80C0]  }
0xd2: {  	v15 =	vld [tilespmem:s7+$0x80D0]  }
0xd3: {  	v63 =	vld [tilespmem:s7+$0x80E0]  }
0xd4: {  	s1 =	simm.s32 $0x100;
	v8 =	vmax.f32 v8, v10;
	v9 =	vmax.f32 v9, v11;
	v11 =	vld [tilespmem:s7+$0x80F0]  }
0xd5: {  	v10 =	vld [tilespmem:s1+$0x8030];
	v8 =	vmax.f32 v8, v2;
	v9 =	vmax.f32 v9, v12  }
0xd6: {  	v2 =	vld [tilespmem:s1+$0x8070];
	v7 =	vmax.f32 v8, v7;
	v9 =	vmax.f32 v9, v13  }
0xd7: {  	v12 =	vld [tilespmem:s1+$0x8000];
	v7 =	vmax.f32 v7, v3;
	v9 =	vmax.f32 v9, v14  }
0xd8: {  	v8 =	vld [tilespmem:s1+$0x8060];
	v6 =	vmax.f32 v7, v6;
	v7 =	vmax.f32 v9, v15  }
0xd9: {  	v13 =	vld [tilespmem:s1+$0x8080];
	v5 =	vmax.f32 v6, v5;
	v6 =	vmax.f32 v7, v63  }
0xda: {  	v3 =	vld [tilespmem:s1+$0x8050];
	v4 =	vmax.f32 v5, v4;
	v5 =	vmax.f32 v6, v11  }
0xdb: {  	v14 =	vld [tilespmem:s1+$0x8010];
	v6 =	vimm.f32 $-Inf;
	v7 =	vmax.f32 v4, v5  }
0xdc: {  	v9 =	vld [tilespmem:s1+$0x8040];
	v4 =	vimm.s32 $0x0;
	vm15 =	vgt.f32 v7, v6  }
0xdd: {  	s7 =	simm.s32 $0x800;
	v11 =	vld [tilespmem:s1+$0x8020];
	v5 =	vsel vm15, v4, v4  }
.LBB2_6:
0xde: {  	p0 =	sne.s32 s7, $0x1FC00;
	v15 =	vld [tilespmem:s1+$0x8090]  }
0xdf: {  	v16 =	vld [tilespmem:s1+$0x80A0]  }
0xe0: {  	v17 =	vld [tilespmem:s1+$0x80B0]  }
0xe1: {  	v18 =	vld [tilespmem:s1+$0x80C0]  }
0xe2: {  	v19 =	vld [tilespmem:s1+$0x80D0]  }
0xe3: {  	v12 =	vmax.f32 v12, v14;
	v13 =	vmax.f32 v13, v15;
	v14 =	vld [tilespmem:s1+$0x80E0]  }
0xe4: {  	v11 =	vmax.f32 v12, v11;
	v12 =	vmax.f32 v13, v16;
	v13 =	vld [tilespmem:s1+$0x80F0];
	s1 =	sshra.s32 s7, $0x2  }
0xe5: {  	v10 =	vmax.f32 v11, v10;
	v15 =	vld [tilespmem:s1+$0x8070];
	v11 =	vmax.f32 v12, v17  }
0xe6: {  	v9 =	vmax.f32 v10, v9;
	v16 =	vld [tilespmem:s1+$0x8060];
	v10 =	vmax.f32 v11, v18  }
0xe7: {  	v11 =	vmax.f32 v9, v3;
	v3 =	vld [tilespmem:s1+$0x8050];
	v10 =	vmax.f32 v10, v19  }
0xe8: {  	v8 =	vmax.f32 v11, v8;
	v9 =	vld [tilespmem:s1+$0x8040];
	v11 =	vmax.f32 v10, v14  }
.Ltmp2:
0xe9: {  	v12 =	vmax.f32 v8, v2;
	v10 =	vld [tilespmem:s1+$0x8030];
	v13 =	vmax.f32 v11, v13;
	(pc) =	sbr.rel @p0 .LBB2_6-.Ltmp2, $4  }
0xea: {  	v6 =	vmax.f32 v6, v7;
	v11 =	vld [tilespmem:s1+$0x8020];
	v7 =	vmax.f32 v12, v13;
	v2 =	vmov v15  }
0xeb: {  	v4 =	vadd.s32 $0x1, v4;
	v12 =	vld [tilespmem:s1+$0x8000];
	vm0 =	vgt.f32 v7, v6;
	v8 =	vmov v16  }
0xec: {  	v13 =	vld [tilespmem:s1+$0x8080];
	v5 =	vsel vm0, v4, v5  }
0xed: {  	s7 =	sadd.s32 $0x400, s7;
	v14 =	vld [tilespmem:s1+$0x8010]  }
0xee: {  	v15 =	vld [tilespmem:s1+$0x8090]  }
0xef: {  	v16 =	vld [tilespmem:s1+$0x80A0]  }
0xf0: {  	v17 =	vld [tilespmem:s1+$0x80B0]  }
0xf1: {  	v18 =	vld [tilespmem:s1+$0x80C0]  }
0xf2: {  	v19 =	vld [tilespmem:s1+$0x80D0]  }
0xf3: {  	v12 =	vmax.f32 v12, v14;
	v14 =	vld [tilespmem:s1+$0x80E0];
	v13 =	vmax.f32 v13, v15  }
0xf4: {  	v11 =	vmax.f32 v12, v11;
	v12 =	vmax.f32 v13, v16;
	v13 =	vld [tilespmem:s1+$0x80F0]  }
0xf5: {  	v10 =	vmax.f32 v11, v10;
	v11 =	vmax.f32 v12, v17  }
0xf6: {  	v9 =	vmax.f32 v10, v9;
	v10 =	vmax.f32 v11, v18  }
0xf7: {  	v3 =	vmax.f32 v9, v3;
	v9 =	vmax.f32 v10, v19  }
0xf8: {  	v3 =	vmax.f32 v3, v8;
	v8 =	vmax.f32 v9, v14  }
0xf9: {  	v2 =	vmax.f32 v3, v2;
	v3 =	vmax.f32 v8, v13  }
0xfa: {  	v2 =	vmax.f32 v2, v3;
	v3 =	vmax.f32 v6, v7  }
0xfb: {  	v6 =	vmax.f32 v3, v2  }
0xfc: {  	(xrf0) =	vmax.scan.msk.f32 $0xffff, v6;
	_ =	sdelay $0x5  }
0xfd: {  	v7, _, _ =	vpop (xrf0)  }
0xfe: {  	vm0 =	vgt.f32 v2, v3;
	v2 =	vadd.s32 $0x1, v4;
	v3 =	vbroadcast v7, $0xF  }
0xff: {  	v2 =	vsel vm0, v2, v5  }
0x100: {  	v2 =	vxor.u32 $0x80000000, v2;
	vm9 =	veq.f32 v6, v3  }
0x101: {  	v2 =	vnsel vm9, $0x80000080, v2  }
0x102: {  	(xrf0) =	vmin.scan.msk.u32 $0xffff, v2;
	_ =	sdelay $0x5  }
0x103: {  	v2, _, _ =	vpop (xrf0)  }
0x104: {  	(v2sf) =	vpush v2, $0xF;
	_ =	sdelay $0xe  }
0x105: {  	s7 =	spop (v2sf)  }
0x106: {  	s1 =	sshll.u32 s7, $0x8  }
0x107: {  	v2 =	vld [tilespmem:s1+$0x8000];
	_ =	sdelay $0x1  }
0x108: {  	v4 =	vld [tilespmem:s1+$0x8010]  }
0x109: {  	v5 =	vor.u32 s1, v1;
	v6 =	vld [tilespmem:s1+$0x8020]  }
0x10a: {  	vm10 =	vlt.s32 v5, $0x8000  }
0x10b: {  	s7 =	sor.u32 $0x10, s1;
	vm1 =	veq.f32 v2, v3;
	v2 =	vnsel vm10, $0x8000, v5;
	v5 =	vld [tilespmem:s1+$0x8030]  }
0x10c: {  	v7 =	vor.u32 s7, v1;
	v2 =	vnsel vm1, $0x8000, v2  }
0x10d: {  	s8 =	sor.u32 $0x20, s1;
	vm11 =	veq.f32 v4, v3;
	v4 =	vld [tilespmem:s1+$0x8040];
	vm1 =	vlt.s32 v2, v7  }
0x10e: {  	v8 =	vor.u32 s8, v1;
	vm12 =	veq.f32 v6, v3;
	v7 =	vsel vm1, v2, v7  }
0x10f: {  	s9 =	sor.u32 $0x30, s1;
	v6 =	vnsel vm12, $0x8000, v8;
	v2 =	vsel vm11, v7, v2;
	v7 =	vld [tilespmem:s1+$0x8050]  }
0x110: {  	v8 =	vor.u32 s9, v1;
	vm0 =	vlt.s32 v2, v6;
	vm13 =	veq.f32 v5, v3  }
0x111: {  	s10 =	sor.u32 $0x40, s1;
	v2 =	vsel vm0, v2, v6;
	v5 =	vnsel vm13, $0x8000, v8;
	v6 =	vld [tilespmem:s1+$0x8060]  }
0x112: {  	vm14 =	veq.f32 v4, v3;
	v8 =	vor.u32 s10, v1;
	vm0 =	vlt.s32 v2, v5  }
0x113: {  	s12 =	sor.u32 $0x50, s1;
	v4 =	vnsel vm14, $0x8000, v8;
	v2 =	vsel vm0, v2, v5;
	v5 =	vld [tilespmem:s1+$0x8070]  }
0x114: {  	v8 =	vor.u32 s12, v1;
	vm0 =	vlt.s32 v2, v4;
	vm15 =	veq.f32 v7, v3  }
0x115: {  	s25 =	sor.u32 $0x60, s1;
	v7 =	vld [tilespmem:s1+$0x8080];
	v2 =	vsel vm0, v2, v4;
	v4 =	vnsel vm15, $0x8000, v8  }
0x116: {  	v8 =	vor.u32 s25, v1;
	vm0 =	vlt.s32 v2, v4;
	vm4 =	veq.f32 v6, v3  }
0x117: {  	s8 =	sor.u32 $0x70, s1;
	v6 =	vld [tilespmem:s1+$0x8090];
	v2 =	vsel vm0, v2, v4;
	v4 =	vnsel vm4, $0x8000, v8  }
0x118: {  	v8 =	vor.u32 s8, v1;
	vm0 =	vlt.s32 v2, v4;
	vm5 =	veq.f32 v5, v3  }
0x119: {  	s9 =	sor.u32 $0x80, s1;
	v5 =	vld [tilespmem:s1+$0x80A0];
	v2 =	vsel vm0, v2, v4;
	v4 =	vnsel vm5, $0x8000, v8  }
0x11a: {  	v8 =	vor.u32 s9, v1;
	vm6 =	veq.f32 v7, v3;
	vm0 =	vlt.s32 v2, v4  }
0x11b: {  	s10 =	sor.u32 $0x90, s1;
	v7 =	vld [tilespmem:s1+$0x80B0];
	v2 =	vsel vm0, v2, v4;
	v4 =	vnsel vm6, $0x8000, v8  }
0x11c: {  	v8 =	vor.u32 s10, v1;
	vm7 =	veq.f32 v6, v3;
	vm0 =	vlt.s32 v2, v4  }
0x11d: {  	s12 =	sor.u32 $0xA0, s1;
	v6 =	vld [tilespmem:s1+$0x80C0];
	v2 =	vsel vm0, v2, v4;
	v4 =	vnsel vm7, $0x8000, v8  }
0x11e: {  	v8 =	vor.u32 s12, v1;
	vm8 =	veq.f32 v5, v3;
	vm0 =	vlt.s32 v2, v4  }
0x11f: {  	s25 =	sor.u32 $0xB0, s1;
	v5 =	vld [tilespmem:s1+$0x80D0];
	v2 =	vsel vm0, v2, v4;
	v4 =	vnsel vm8, $0x8000, v8  }
0x120: {  	vm9 =	veq.f32 v7, v3;
	v8 =	vor.u32 s25, v1;
	vm0 =	vlt.s32 v2, v4  }
0x121: {  	s8 =	sor.u32 $0xC0, s1;
	v7 =	vld [tilespmem:s1+$0x80E0];
	v2 =	vsel vm0, v2, v4;
	v4 =	vnsel vm9, $0x8000, v8  }
0x122: {  	vm10 =	veq.f32 v6, v3;
	v8 =	vor.u32 s8, v1;
	vm0 =	vlt.s32 v2, v4  }
0x123: {  	s9 =	sor.u32 $0xD0, s1;
	v6 =	vld [tilespmem:s1+$0x80F0];
	v2 =	vsel vm0, v2, v4;
	v4 =	vnsel vm10, $0x8000, v8  }
0x124: {  	vm11 =	veq.f32 v5, v3;
	v8 =	vor.u32 s9, v1;
	vm0 =	vlt.s32 v2, v4  }
0x125: {  	s10 =	sor.u32 $0xE0, s1;
	v2 =	vsel vm0, v2, v4;
	v4 =	vnsel vm11, $0x8000, v8  }
0x126: {  	v5 =	vor.u32 s10, v1;
	vm12 =	veq.f32 v7, v3;
	vm0 =	vlt.s32 v2, v4  }
0x127: {  	s1 =	sor.u32 $0xF0, s1;
	v2 =	vsel vm0, v2, v4;
	v4 =	vnsel vm12, $0x8000, v5  }
0x128: {  	vm13 =	veq.f32 v6, v3;
	v5 =	vor.u32 s1, v1;
	vm0 =	vlt.s32 v2, v4  }
0x129: {  	v3 =	vnsel vm13, $0x8000, v5;
	v2 =	vsel vm0, v2, v4  }
0x12a: {  	vm0 =	vlt.s32 v2, v3  }
0x12b: {  	v2 =	vsel vm0, v2, v3  }
0x12c: {  	v2 =	vxor.u32 $0x80000000, v2  }
0x12d: {  	(xrf0) =	vmin.scan.msk.u32 $0xffff, v2;
	_ =	sdelay $0x5  }
0x12e: {  	v2, _, _ =	vpop (xrf0)  }
0x12f: {  	(v2sf) =	vpush v2, $0xF;
	_ =	sdelay $0xe  }
0x130: {  	s12 =	spop (v2sf)  }
0x131: {  	s1 =	sxor.u32 $0x80000000, s12  }
0x132: {  	s25 =	sshra.s32 s1, $0x1F  }
0x133: {  	s7 =	sshrl.u32 s25, $0x1C  }
0x134: {  	s7 =	sadd.s32 s7, s1  }
0x135: {  	s7 =	sand.u32 $0xFFFFFFF0, s7  }
0x136: {  	s25 =	ssub.s32 s1, s7  }
0x137: {  	v2 =	vmov s25  }
0x138: {  	vm14 =	veq.s32 v2, v1  }
0x139: {  	v2 =	vsel vm14, $0x3F800000, v0  }
0x13a: {  	[tilespmem:$0x1C010] =	vst v2  }
0x13b: {  	_ =	swait.ge [sflag:s26], $0x8000  }
0x13c: {  	[sflag:s26] =	ssyncset.done $0x0  }
0x13d: {  	s8 =	simm.s32 $0x0;
	[sflag:s26] =	ssyncadd.s32 $0xFFFF8000  }
0x13e: {  	v4 =	vld [tilespmem:s8+$0x10070]  }
0x13f: {  	v5 =	vld [tilespmem:s8+$0x10060]  }
0x140: {  	v6 =	vld [tilespmem:s8+$0x10050]  }
0x141: {  	v3 =	vld [tilespmem:s8+$0x10040]  }
0x142: {  	v7 =	vld [tilespmem:s8+$0x10030]  }
0x143: {  	v2 =	vld [tilespmem:s8+$0x10020]  }
0x144: {  	v8 =	vld [tilespmem:s8+$0x10000]  }
0x145: {  	v9 =	vld [tilespmem:s8+$0x10080]  }
0x146: {  	v10 =	vld [tilespmem:s8+$0x10010]  }
0x147: {  	v11 =	vld [tilespmem:s8+$0x10090]  }
0x148: {  	v12 =	vld [tilespmem:s8+$0x100A0]  }
0x149: {  	v13 =	vld [tilespmem:s8+$0x100B0]  }
0x14a: {  	v14 =	vld [tilespmem:s8+$0x100C0]  }
0x14b: {  	v15 =	vld [tilespmem:s8+$0x100D0]  }
0x14c: {  	v63 =	vld [tilespmem:s8+$0x100E0]  }
0x14d: {  	s7 =	simm.s32 $0x100;
	v8 =	vmax.f32 v8, v10;
	v9 =	vmax.f32 v9, v11;
	v11 =	vld [tilespmem:s8+$0x100F0]  }
0x14e: {  	v10 =	vld [tilespmem:s7+$0x10030];
	v8 =	vmax.f32 v8, v2;
	v9 =	vmax.f32 v9, v12  }
0x14f: {  	v2 =	vld [tilespmem:s7+$0x10070];
	v7 =	vmax.f32 v8, v7;
	v9 =	vmax.f32 v9, v13  }
0x150: {  	v12 =	vld [tilespmem:s7+$0x10000];
	v7 =	vmax.f32 v7, v3;
	v9 =	vmax.f32 v9, v14  }
0x151: {  	v8 =	vld [tilespmem:s7+$0x10060];
	v6 =	vmax.f32 v7, v6;
	v7 =	vmax.f32 v9, v15  }
0x152: {  	v13 =	vld [tilespmem:s7+$0x10080];
	v5 =	vmax.f32 v6, v5;
	v6 =	vmax.f32 v7, v63  }
0x153: {  	v3 =	vld [tilespmem:s7+$0x10050];
	v4 =	vmax.f32 v5, v4;
	v5 =	vmax.f32 v6, v11  }
0x154: {  	v14 =	vld [tilespmem:s7+$0x10010];
	v6 =	vimm.f32 $-Inf;
	v7 =	vmax.f32 v4, v5  }
0x155: {  	v9 =	vld [tilespmem:s7+$0x10040];
	v4 =	vimm.s32 $0x0;
	vm15 =	vgt.f32 v7, v6  }
0x156: {  	s8 =	simm.s32 $0x800;
	v11 =	vld [tilespmem:s7+$0x10020];
	v5 =	vsel vm15, v4, v4  }
.LBB2_8:
0x157: {  	p0 =	sne.s32 s8, $0x1FC00;
	v15 =	vld [tilespmem:s7+$0x10090]  }
0x158: {  	v16 =	vld [tilespmem:s7+$0x100A0]  }
0x159: {  	v17 =	vld [tilespmem:s7+$0x100B0]  }
0x15a: {  	v18 =	vld [tilespmem:s7+$0x100C0]  }
0x15b: {  	v19 =	vld [tilespmem:s7+$0x100D0]  }
0x15c: {  	v12 =	vmax.f32 v12, v14;
	v13 =	vmax.f32 v13, v15;
	v14 =	vld [tilespmem:s7+$0x100E0]  }
0x15d: {  	v11 =	vmax.f32 v12, v11;
	v12 =	vmax.f32 v13, v16;
	v13 =	vld [tilespmem:s7+$0x100F0];
	s7 =	sshra.s32 s8, $0x2  }
0x15e: {  	v10 =	vmax.f32 v11, v10;
	v15 =	vld [tilespmem:s7+$0x10070];
	v11 =	vmax.f32 v12, v17  }
0x15f: {  	v9 =	vmax.f32 v10, v9;
	v16 =	vld [tilespmem:s7+$0x10060];
	v10 =	vmax.f32 v11, v18  }
0x160: {  	v11 =	vmax.f32 v9, v3;
	v3 =	vld [tilespmem:s7+$0x10050];
	v10 =	vmax.f32 v10, v19  }
0x161: {  	v8 =	vmax.f32 v11, v8;
	v9 =	vld [tilespmem:s7+$0x10040];
	v11 =	vmax.f32 v10, v14  }
.Ltmp3:
0x162: {  	v12 =	vmax.f32 v8, v2;
	v10 =	vld [tilespmem:s7+$0x10030];
	v13 =	vmax.f32 v11, v13;
	(pc) =	sbr.rel @p0 .LBB2_8-.Ltmp3, $4  }
0x163: {  	v6 =	vmax.f32 v6, v7;
	v11 =	vld [tilespmem:s7+$0x10020];
	v7 =	vmax.f32 v12, v13;
	v2 =	vmov v15  }
0x164: {  	v4 =	vadd.s32 $0x1, v4;
	v12 =	vld [tilespmem:s7+$0x10000];
	vm0 =	vgt.f32 v7, v6;
	v8 =	vmov v16  }
0x165: {  	v13 =	vld [tilespmem:s7+$0x10080];
	v5 =	vsel vm0, v4, v5  }
0x166: {  	s8 =	sadd.s32 $0x400, s8;
	v14 =	vld [tilespmem:s7+$0x10010]  }
0x167: {  	v15 =	vld [tilespmem:s7+$0x10090]  }
0x168: {  	v16 =	vld [tilespmem:s7+$0x100A0]  }
0x169: {  	v17 =	vld [tilespmem:s7+$0x100B0]  }
0x16a: {  	v18 =	vld [tilespmem:s7+$0x100C0]  }
0x16b: {  	v19 =	vld [tilespmem:s7+$0x100D0]  }
0x16c: {  	v12 =	vmax.f32 v12, v14;
	v14 =	vld [tilespmem:s7+$0x100E0];
	v13 =	vmax.f32 v13, v15  }
0x16d: {  	v11 =	vmax.f32 v12, v11;
	v12 =	vmax.f32 v13, v16;
	v13 =	vld [tilespmem:s7+$0x100F0]  }
0x16e: {  	v10 =	vmax.f32 v11, v10;
	v11 =	vmax.f32 v12, v17  }
0x16f: {  	v9 =	vmax.f32 v10, v9;
	v10 =	vmax.f32 v11, v18  }
0x170: {  	v3 =	vmax.f32 v9, v3;
	v9 =	vmax.f32 v10, v19  }
0x171: {  	v3 =	vmax.f32 v3, v8;
	v8 =	vmax.f32 v9, v14  }
0x172: {  	v2 =	vmax.f32 v3, v2;
	v3 =	vmax.f32 v8, v13  }
0x173: {  	v2 =	vmax.f32 v2, v3;
	v3 =	vmax.f32 v6, v7  }
0x174: {  	v6 =	vmax.f32 v3, v2  }
0x175: {  	(xrf0) =	vmax.scan.msk.f32 $0xffff, v6;
	_ =	sdelay $0x5  }
0x176: {  	v7, _, _ =	vpop (xrf0)  }
0x177: {  	vm0 =	vgt.f32 v2, v3;
	v2 =	vadd.s32 $0x1, v4;
	v3 =	vbroadcast v7, $0xF  }
0x178: {  	v2 =	vsel vm0, v2, v5  }
0x179: {  	v2 =	vxor.u32 $0x80000000, v2;
	vm9 =	veq.f32 v6, v3  }
0x17a: {  	v2 =	vnsel vm9, $0x80000080, v2  }
0x17b: {  	(xrf0) =	vmin.scan.msk.u32 $0xffff, v2;
	_ =	sdelay $0x5  }
0x17c: {  	v2, _, _ =	vpop (xrf0)  }
0x17d: {  	(v2sf) =	vpush v2, $0xF;
	_ =	sdelay $0xe  }
0x17e: {  	s8 =	spop (v2sf)  }
0x17f: {  	s7 =	sshll.u32 s8, $0x8  }
0x180: {  	v2 =	vld [tilespmem:s7+$0x10000];
	_ =	sdelay $0x1  }
0x181: {  	v4 =	vld [tilespmem:s7+$0x10010]  }
0x182: {  	v5 =	vor.u32 s7, v1;
	v6 =	vld [tilespmem:s7+$0x10020]  }
0x183: {  	vm10 =	vlt.s32 v5, $0x8000  }
0x184: {  	s8 =	sor.u32 $0x10, s7;
	vm1 =	veq.f32 v2, v3;
	v2 =	vnsel vm10, $0x8000, v5;
	v5 =	vld [tilespmem:s7+$0x10030]  }
0x185: {  	v7 =	vor.u32 s8, v1;
	v2 =	vnsel vm1, $0x8000, v2  }
0x186: {  	s9 =	sor.u32 $0x20, s7;
	vm11 =	veq.f32 v4, v3;
	v4 =	vld [tilespmem:s7+$0x10040];
	vm1 =	vlt.s32 v2, v7  }
0x187: {  	v8 =	vor.u32 s9, v1;
	vm12 =	veq.f32 v6, v3;
	v7 =	vsel vm1, v2, v7  }
0x188: {  	s10 =	sor.u32 $0x30, s7;
	v6 =	vnsel vm12, $0x8000, v8;
	v2 =	vsel vm11, v7, v2;
	v7 =	vld [tilespmem:s7+$0x10050]  }
0x189: {  	v8 =	vor.u32 s10, v1;
	vm0 =	vlt.s32 v2, v6;
	vm13 =	veq.f32 v5, v3  }
0x18a: {  	s12 =	sor.u32 $0x40, s7;
	v2 =	vsel vm0, v2, v6;
	v5 =	vnsel vm13, $0x8000, v8;
	v6 =	vld [tilespmem:s7+$0x10060]  }
0x18b: {  	vm14 =	veq.f32 v4, v3;
	v8 =	vor.u32 s12, v1;
	vm0 =	vlt.s32 v2, v5  }
0x18c: {  	s9 =	sor.u32 $0x50, s7;
	v4 =	vnsel vm14, $0x8000, v8;
	v2 =	vsel vm0, v2, v5;
	v5 =	vld [tilespmem:s7+$0x10070]  }
0x18d: {  	v8 =	vor.u32 s9, v1;
	vm0 =	vlt.s32 v2, v4;
	vm15 =	veq.f32 v7, v3  }
0x18e: {  	s10 =	sor.u32 $0x60, s7;
	v7 =	vld [tilespmem:s7+$0x10080];
	v2 =	vsel vm0, v2, v4;
	v4 =	vnsel vm15, $0x8000, v8  }
0x18f: {  	v8 =	vor.u32 s10, v1;
	vm0 =	vlt.s32 v2, v4;
	vm4 =	veq.f32 v6, v3  }
0x190: {  	s12 =	sor.u32 $0x70, s7;
	v6 =	vld [tilespmem:s7+$0x10090];
	v2 =	vsel vm0, v2, v4;
	v4 =	vnsel vm4, $0x8000, v8  }
0x191: {  	v8 =	vor.u32 s12, v1;
	vm0 =	vlt.s32 v2, v4;
	vm5 =	veq.f32 v5, v3  }
0x192: {  	s9 =	sor.u32 $0x80, s7;
	v5 =	vld [tilespmem:s7+$0x100A0];
	v2 =	vsel vm0, v2, v4;
	v4 =	vnsel vm5, $0x8000, v8  }
0x193: {  	v8 =	vor.u32 s9, v1;
	vm6 =	veq.f32 v7, v3;
	vm0 =	vlt.s32 v2, v4  }
0x194: {  	s10 =	sor.u32 $0x90, s7;
	v7 =	vld [tilespmem:s7+$0x100B0];
	v2 =	vsel vm0, v2, v4;
	v4 =	vnsel vm6, $0x8000, v8  }
0x195: {  	v8 =	vor.u32 s10, v1;
	vm7 =	veq.f32 v6, v3;
	vm0 =	vlt.s32 v2, v4  }
0x196: {  	s12 =	sor.u32 $0xA0, s7;
	v6 =	vld [tilespmem:s7+$0x100C0];
	v2 =	vsel vm0, v2, v4;
	v4 =	vnsel vm7, $0x8000, v8  }
0x197: {  	v8 =	vor.u32 s12, v1;
	vm8 =	veq.f32 v5, v3;
	vm0 =	vlt.s32 v2, v4  }
0x198: {  	s9 =	sor.u32 $0xB0, s7;
	v5 =	vld [tilespmem:s7+$0x100D0];
	v2 =	vsel vm0, v2, v4;
	v4 =	vnsel vm8, $0x8000, v8  }
0x199: {  	vm9 =	veq.f32 v7, v3;
	v8 =	vor.u32 s9, v1;
	vm0 =	vlt.s32 v2, v4  }
0x19a: {  	s10 =	sor.u32 $0xC0, s7;
	v7 =	vld [tilespmem:s7+$0x100E0];
	v2 =	vsel vm0, v2, v4;
	v4 =	vnsel vm9, $0x8000, v8  }
0x19b: {  	vm10 =	veq.f32 v6, v3;
	v8 =	vor.u32 s10, v1;
	vm0 =	vlt.s32 v2, v4  }
0x19c: {  	s12 =	sor.u32 $0xD0, s7;
	v6 =	vld [tilespmem:s7+$0x100F0];
	v2 =	vsel vm0, v2, v4;
	v4 =	vnsel vm10, $0x8000, v8  }
0x19d: {  	vm11 =	veq.f32 v5, v3;
	v8 =	vor.u32 s12, v1;
	vm0 =	vlt.s32 v2, v4  }
0x19e: {  	s9 =	sor.u32 $0xE0, s7;
	v2 =	vsel vm0, v2, v4;
	v4 =	vnsel vm11, $0x8000, v8  }
0x19f: {  	v5 =	vor.u32 s9, v1;
	vm12 =	veq.f32 v7, v3;
	vm0 =	vlt.s32 v2, v4  }
0x1a0: {  	s7 =	sor.u32 $0xF0, s7;
	v2 =	vsel vm0, v2, v4;
	v4 =	vnsel vm12, $0x8000, v5  }
0x1a1: {  	vm13 =	veq.f32 v6, v3;
	v5 =	vor.u32 s7, v1;
	vm0 =	vlt.s32 v2, v4  }
0x1a2: {  	v3 =	vnsel vm13, $0x8000, v5;
	v2 =	vsel vm0, v2, v4  }
0x1a3: {  	vm0 =	vlt.s32 v2, v3  }
0x1a4: {  	v2 =	vsel vm0, v2, v3  }
0x1a5: {  	v2 =	vxor.u32 $0x80000000, v2  }
0x1a6: {  	(xrf0) =	vmin.scan.msk.u32 $0xffff, v2;
	_ =	sdelay $0x5  }
0x1a7: {  	v2, _, _ =	vpop (xrf0)  }
0x1a8: {  	(v2sf) =	vpush v2, $0xF;
	_ =	sdelay $0xe  }
0x1a9: {  	s10 =	spop (v2sf)  }
0x1aa: {  	s7 =	sxor.u32 $0x80000000, s10  }
0x1ab: {  	s12 =	sshra.s32 s7, $0x1F  }
0x1ac: {  	s8 =	sshrl.u32 s12, $0x1C  }
0x1ad: {  	s8 =	sadd.s32 s8, s7  }
0x1ae: {  	s8 =	sand.u32 $0xFFFFFFF0, s8  }
0x1af: {  	s8 =	ssub.s32 s7, s8  }
0x1b0: {  	v2 =	vmov s8  }
0x1b1: {  	vm14 =	veq.s32 v2, v1  }
0x1b2: {  	v2 =	vsel vm14, $0x3F800000, v0  }
0x1b3: {  	[tilespmem:$0x1C020] =	vst v2  }
0x1b4: {  	_ =	swait.ge [sflag:s26], $0x8000  }
0x1b5: {  	[sflag:s26] =	ssyncset.done $0x0  }
0x1b6: {  	s10 =	simm.s32 $0x0;
	[sflag:s26] =	ssyncadd.s32 $0xFFFF8000  }
0x1b7: {  	v4 =	vld [tilespmem:s10+$0x70]  }
0x1b8: {  	v5 =	vld [tilespmem:s10+$0x60]  }
0x1b9: {  	v6 =	vld [tilespmem:s10+$0x50]  }
0x1ba: {  	v3 =	vld [tilespmem:s10+$0x40]  }
0x1bb: {  	v7 =	vld [tilespmem:s10+$0x30]  }
0x1bc: {  	v2 =	vld [tilespmem:s10+$0x20]  }
0x1bd: {  	v8 =	vld [tilespmem:s10+$0x0]  }
0x1be: {  	v9 =	vld [tilespmem:s10+$0x80]  }
0x1bf: {  	v10 =	vld [tilespmem:s10+$0x10]  }
0x1c0: {  	v11 =	vld [tilespmem:s10+$0x90]  }
0x1c1: {  	v12 =	vld [tilespmem:s10+$0xA0]  }
0x1c2: {  	v13 =	vld [tilespmem:s10+$0xB0]  }
0x1c3: {  	v14 =	vld [tilespmem:s10+$0xC0]  }
0x1c4: {  	v15 =	vld [tilespmem:s10+$0xD0]  }
0x1c5: {  	v63 =	vld [tilespmem:s10+$0xE0]  }
0x1c6: {  	s9 =	simm.s32 $0x100;
	v8 =	vmax.f32 v8, v10;
	v9 =	vmax.f32 v9, v11;
	v11 =	vld [tilespmem:s10+$0xF0]  }
0x1c7: {  	v10 =	vld [tilespmem:s9+$0x30];
	v8 =	vmax.f32 v8, v2;
	v9 =	vmax.f32 v9, v12  }
0x1c8: {  	v2 =	vld [tilespmem:s9+$0x70];
	v7 =	vmax.f32 v8, v7;
	v9 =	vmax.f32 v9, v13  }
0x1c9: {  	v12 =	vld [tilespmem:s9+$0x0];
	v7 =	vmax.f32 v7, v3;
	v9 =	vmax.f32 v9, v14  }
0x1ca: {  	v8 =	vld [tilespmem:s9+$0x60];
	v6 =	vmax.f32 v7, v6;
	v7 =	vmax.f32 v9, v15  }
0x1cb: {  	v13 =	vld [tilespmem:s9+$0x80];
	v5 =	vmax.f32 v6, v5;
	v6 =	vmax.f32 v7, v63  }
0x1cc: {  	v3 =	vld [tilespmem:s9+$0x50];
	v4 =	vmax.f32 v5, v4;
	v5 =	vmax.f32 v6, v11  }
0x1cd: {  	v14 =	vld [tilespmem:s9+$0x10];
	v6 =	vimm.f32 $-Inf;
	v7 =	vmax.f32 v4, v5  }
0x1ce: {  	v9 =	vld [tilespmem:s9+$0x40];
	v4 =	vimm.s32 $0x0;
	vm15 =	vgt.f32 v7, v6  }
0x1cf: {  	s10 =	simm.s32 $0x800;
	v11 =	vld [tilespmem:s9+$0x20];
	v5 =	vsel vm15, v4, v4  }
.LBB2_10:
0x1d0: {  	p0 =	sne.s32 s10, $0x1FC00;
	v15 =	vld [tilespmem:s9+$0x90]  }
0x1d1: {  	v16 =	vld [tilespmem:s9+$0xA0]  }
0x1d2: {  	v17 =	vld [tilespmem:s9+$0xB0]  }
0x1d3: {  	v18 =	vld [tilespmem:s9+$0xC0]  }
0x1d4: {  	v19 =	vld [tilespmem:s9+$0xD0]  }
0x1d5: {  	v12 =	vmax.f32 v12, v14;
	v13 =	vmax.f32 v13, v15;
	v14 =	vld [tilespmem:s9+$0xE0]  }
0x1d6: {  	v11 =	vmax.f32 v12, v11;
	v12 =	vmax.f32 v13, v16;
	v13 =	vld [tilespmem:s9+$0xF0];
	s9 =	sshra.s32 s10, $0x2  }
0x1d7: {  	v10 =	vmax.f32 v11, v10;
	v15 =	vld [tilespmem:s9+$0x70];
	v11 =	vmax.f32 v12, v17  }
0x1d8: {  	v9 =	vmax.f32 v10, v9;
	v16 =	vld [tilespmem:s9+$0x60];
	v10 =	vmax.f32 v11, v18  }
0x1d9: {  	v11 =	vmax.f32 v9, v3;
	v3 =	vld [tilespmem:s9+$0x50];
	v10 =	vmax.f32 v10, v19  }
0x1da: {  	v8 =	vmax.f32 v11, v8;
	v9 =	vld [tilespmem:s9+$0x40];
	v11 =	vmax.f32 v10, v14  }
.Ltmp4:
0x1db: {  	v12 =	vmax.f32 v8, v2;
	v10 =	vld [tilespmem:s9+$0x30];
	v13 =	vmax.f32 v11, v13;
	(pc) =	sbr.rel @p0 .LBB2_10-.Ltmp4, $4  }
0x1dc: {  	v6 =	vmax.f32 v6, v7;
	v11 =	vld [tilespmem:s9+$0x20];
	v7 =	vmax.f32 v12, v13;
	v2 =	vmov v15  }
0x1dd: {  	v4 =	vadd.s32 $0x1, v4;
	v12 =	vld [tilespmem:s9+$0x0];
	vm0 =	vgt.f32 v7, v6;
	v8 =	vmov v16  }
0x1de: {  	v13 =	vld [tilespmem:s9+$0x80];
	v5 =	vsel vm0, v4, v5  }
0x1df: {  	s10 =	sadd.s32 $0x400, s10;
	v14 =	vld [tilespmem:s9+$0x10]  }
0x1e0: {  	v15 =	vld [tilespmem:s9+$0x90]  }
0x1e1: {  	v16 =	vld [tilespmem:s9+$0xA0]  }
0x1e2: {  	v17 =	vld [tilespmem:s9+$0xB0]  }
0x1e3: {  	v18 =	vld [tilespmem:s9+$0xC0]  }
0x1e4: {  	v19 =	vld [tilespmem:s9+$0xD0]  }
0x1e5: {  	v62 =	vld [tilespmem:s9+$0xE0];
	v12 =	vmax.f32 v12, v14;
	v13 =	vmax.f32 v13, v15  }
0x1e6: {  	v11 =	vmax.f32 v12, v11;
	v63 =	vmax.f32 v13, v16;
	v16 =	vld [tilespmem:s9+$0xF0]  }
0x1e7: {  	v10 =	vmax.f32 v11, v10;
	v17 =	vmax.f32 v63, v17  }
0x1e8: {  	v9 =	vmax.f32 v10, v9;
	v18 =	vmax.f32 v17, v18  }
0x1e9: {  	v3 =	vmax.f32 v9, v3;
	v20 =	vmax.f32 v18, v19  }
0x1ea: {  	v3 =	vmax.f32 v3, v8;
	v21 =	vmax.f32 v20, v62  }
0x1eb: {  	v2 =	vmax.f32 v3, v2;
	v3 =	vmax.f32 v21, v16  }
0x1ec: {  	v2 =	vmax.f32 v2, v3;
	v3 =	vmax.f32 v6, v7  }
0x1ed: {  	v6 =	vmax.f32 v3, v2  }
0x1ee: {  	(xrf0) =	vmax.scan.msk.f32 $0xffff, v6;
	_ =	sdelay $0x5  }
0x1ef: {  	v22, _, _ =	vpop (xrf0)  }
0x1f0: {  	vm0 =	vgt.f32 v2, v3;
	v2 =	vadd.s32 $0x1, v4;
	v3 =	vbroadcast v22, $0xF  }
0x1f1: {  	v2 =	vsel vm0, v2, v5  }
0x1f2: {  	v2 =	vxor.u32 $0x80000000, v2;
	vm10 =	veq.f32 v6, v3  }
0x1f3: {  	v2 =	vnsel vm10, $0x80000080, v2  }
0x1f4: {  	(xrf0) =	vmin.scan.msk.u32 $0xffff, v2;
	_ =	sdelay $0x5  }
0x1f5: {  	v2, _, _ =	vpop (xrf0)  }
0x1f6: {  	(v2sf) =	vpush v2, $0xF;
	_ =	sdelay $0xe  }
0x1f7: {  	s10 =	spop (v2sf)  }
0x1f8: {  	s9 =	sshll.u32 s10, $0x8  }
0x1f9: {  	v2 =	vld [tilespmem:s9+$0x0];
	_ =	sdelay $0x1  }
0x1fa: {  	v23 =	vld [tilespmem:s9+$0x10]  }
0x1fb: {  	v24 =	vor.u32 s9, v1;
	v25 =	vld [tilespmem:s9+$0x20]  }
0x1fc: {  	vm11 =	vlt.s32 v24, $0x8000  }
0x1fd: {  	s10 =	sor.u32 $0x10, s9;
	v26 =	vld [tilespmem:s9+$0x30];
	vm1 =	veq.f32 v2, v3;
	v2 =	vnsel vm11, $0x8000, v24  }
0x1fe: {  	s12 =	sor.u32 $0x20, s9;
	v27 =	vor.u32 s10, v1;
	v2 =	vnsel vm1, $0x8000, v2  }
0x1ff: {  	v28 =	vld [tilespmem:s9+$0x40];
	v29 =	vor.u32 s12, v1;
	vm1 =	vlt.s32 v2, v27  }
0x200: {  	vm12 =	veq.f32 v23, v3;
	vm13 =	veq.f32 v25, v3;
	v7 =	vsel vm1, v2, v27  }
0x201: {  	v30 =	vld [tilespmem:s9+$0x50];
	s12 =	sor.u32 $0x30, s9;
	v6 =	vnsel vm13, $0x8000, v29;
	v2 =	vsel vm12, v7, v2  }
0x202: {  	v31 =	vor.u32 s12, v1;
	vm14 =	veq.f32 v26, v3;
	vm0 =	vlt.s32 v2, v6  }
0x203: {  	v32 =	vld [tilespmem:s9+$0x60];
	s12 =	sor.u32 $0x40, s9;
	v5 =	vnsel vm14, $0x8000, v31;
	v2 =	vsel vm0, v2, v6  }
0x204: {  	v33 =	vor.u32 s12, v1;
	vm15 =	veq.f32 v28, v3;
	vm0 =	vlt.s32 v2, v5  }
0x205: {  	v34 =	vld [tilespmem:s9+$0x70];
	s12 =	sor.u32 $0x50, s9;
	v4 =	vnsel vm15, $0x8000, v33;
	v2 =	vsel vm0, v2, v5  }
0x206: {  	v35 =	vor.u32 s12, v1;
	vm4 =	veq.f32 v30, v3;
	vm0 =	vlt.s32 v2, v4  }
0x207: {  	v37 =	vld [tilespmem:s9+$0x80];
	s12 =	sor.u32 $0x60, s9;
	v36 =	vnsel vm4, $0x8000, v35;
	v2 =	vsel vm0, v2, v4  }
0x208: {  	v38 =	vor.u32 s12, v1;
	vm5 =	veq.f32 v32, v3;
	vm0 =	vlt.s32 v2, v36  }
0x209: {  	v40 =	vld [tilespmem:s9+$0x90];
	s12 =	sor.u32 $0x70, s9;
	v39 =	vnsel vm5, $0x8000, v38;
	v2 =	vsel vm0, v2, v36  }
0x20a: {  	vm6 =	veq.f32 v34, v3;
	v41 =	vor.u32 s12, v1;
	vm0 =	vlt.s32 v2, v39  }
0x20b: {  	v43 =	vld [tilespmem:s9+$0xA0];
	s12 =	sor.u32 $0x80, s9;
	v42 =	vnsel vm6, $0x8000, v41;
	v2 =	vsel vm0, v2, v39  }
0x20c: {  	vm7 =	veq.f32 v37, v3;
	v44 =	vor.u32 s12, v1;
	vm0 =	vlt.s32 v2, v42  }
0x20d: {  	v46 =	vld [tilespmem:s9+$0xB0];
	s12 =	sor.u32 $0x90, s9;
	v45 =	vnsel vm7, $0x8000, v44;
	v2 =	vsel vm0, v2, v42  }
0x20e: {  	vm8 =	veq.f32 v40, v3;
	v47 =	vor.u32 s12, v1;
	vm0 =	vlt.s32 v2, v45  }
0x20f: {  	v49 =	vld [tilespmem:s9+$0xC0];
	s12 =	sor.u32 $0xA0, s9;
	v48 =	vnsel vm8, $0x8000, v47;
	v2 =	vsel vm0, v2, v45  }
0x210: {  	vm9 =	veq.f32 v43, v3;
	v50 =	vor.u32 s12, v1;
	vm0 =	vlt.s32 v2, v48  }
0x211: {  	v52 =	vld [tilespmem:s9+$0xD0];
	s12 =	sor.u32 $0xB0, s9;
	v51 =	vnsel vm9, $0x8000, v50;
	v2 =	vsel vm0, v2, v48  }
0x212: {  	vm10 =	veq.f32 v46, v3;
	v53 =	vor.u32 s12, v1;
	vm0 =	vlt.s32 v2, v51  }
0x213: {  	v55 =	vld [tilespmem:s9+$0xE0];
	s12 =	sor.u32 $0xC0, s9;
	v54 =	vnsel vm10, $0x8000, v53;
	v2 =	vsel vm0, v2, v51  }
0x214: {  	vm11 =	veq.f32 v49, v3;
	v56 =	vor.u32 s12, v1;
	vm0 =	vlt.s32 v2, v54  }
0x215: {  	v58 =	vld [tilespmem:s9+$0xF0];
	s12 =	sor.u32 $0xD0, s9;
	v57 =	vnsel vm11, $0x8000, v56;
	v2 =	vsel vm0, v2, v54  }
0x216: {  	vm12 =	veq.f32 v52, v3;
	v59 =	vor.u32 s12, v1;
	vm0 =	vlt.s32 v2, v57  }
0x217: {  	s12 =	sor.u32 $0xE0, s9;
	v60 =	vnsel vm12, $0x8000, v59;
	v2 =	vsel vm0, v2, v57  }
0x218: {  	vm13 =	veq.f32 v55, v3;
	v61 =	vor.u32 s12, v1;
	vm0 =	vlt.s32 v2, v60  }
0x219: {  	s9 =	sor.u32 $0xF0, s9;
	v62 =	vnsel vm13, $0x8000, v61;
	v2 =	vsel vm0, v2, v60  }
0x21a: {  	vm14 =	veq.f32 v58, v3;
	v63 =	vor.u32 s9, v1;
	vm0 =	vlt.s32 v2, v62  }
0x21b: {  	v3 =	vnsel vm14, $0x8000, v63;
	v2 =	vsel vm0, v2, v62  }
0x21c: {  	vm0 =	vlt.s32 v2, v3  }
0x21d: {  	v2 =	vsel vm0, v2, v3  }
0x21e: {  	v2 =	vxor.u32 $0x80000000, v2  }
0x21f: {  	(xrf0) =	vmin.scan.msk.u32 $0xffff, v2;
	_ =	sdelay $0x5  }
0x220: {  	v2, _, _ =	vpop (xrf0)  }
0x221: {  	(v2sf) =	vpush v2, $0xF;
	_ =	sdelay $0xe  }
0x222: {  	s10 =	spop (v2sf)  }
0x223: {  	s10 =	sxor.u32 $0x80000000, s10  }
0x224: {  	s9 =	sshra.s32 s10, $0x1F  }
0x225: {  	s9 =	sshrl.u32 s9, $0x1C  }
0x226: {  	s9 =	sadd.s32 s9, s10  }
0x227: {  	s12 =	sand.u32 $0xFFFFFFF0, s9  }
0x228: {  	s10 =	ssub.s32 s10, s12  }
0x229: {  	v2 =	vmov s10  }
0x22a: {  	vm15 =	veq.s32 v2, v1  }
0x22b: {  	v2 =	vsel vm15, $0x3F800000, v0  }
0x22c: {  	[tilespmem:$0x1C030] =	vst v2  }
0x22d: {  	_ =	swait.ge [sflag:s29], $0x4000  }
0x22e: {  	[sflag:s29] =	ssyncset.done $0x0  }
0x22f: {  	[sflag:s29] =	ssyncadd.s32 $0xFFFFC000  }
0x230: {  	_ =	swait.ge [sflag:s29], $0x4000  }
0x231: {  	[sflag:s29] =	ssyncset.done $0x0  }
0x232: {  	[sflag:s29] =	ssyncadd.s32 $0xFFFFC000  }
0x233: {  	_ =	swait.ge [sflag:s29], $0x4000  }
0x234: {  	[sflag:s29] =	ssyncset.done $0x0  }
0x235: {  	[sflag:s29] =	ssyncadd.s32 $0xFFFFC000  }
0x236: {  	_ =	swait.ge [sflag:s29], $0x4000  }
0x237: {  	[sflag:s29] =	ssyncset.done $0x0  }
0x238: {  	[sflag:s29] =	ssyncadd.s32 $0xFFFFC000  }
0x239: {  	_ =	swait.ge [sflag:s29], $0x4000  }
0x23a: {  	[sflag:s29] =	ssyncset.done $0x0  }
0x23b: {  	[sflag:s29] =	ssyncadd.s32 $0xFFFFC000  }
0x23c: {  	_ =	swait.ge [sflag:s29], $0x4000  }
0x23d: {  	s0 =	ssub.s32 s30, s0;
	[sflag:s29] =	ssyncset.done $0x0  }
0x23e: {  	s12 =	sshll.u32 s0, $0x3;
	[sflag:s29] =	ssyncadd.s32 $0xFFFFC000  }
0x23f: {  	s10 =	sand.u32 $0xFFFFFC00, s12;
	_ =	swait.ge [sflag:s29], $0x4000  }
0x240: {  	s0 =	sand.u32 $0x70, s0;
	s10 =	sadd.s32 s4, s10;
	[sflag:s29] =	ssyncset.done $0x0  }
0x241: {  	s0 =	sor.u32 s0, s10;
	[sflag:s29] =	ssyncadd.s32 $0xFFFFC000  }
0x242: {  	s1 =	ssub.s32 s1, s25;
	s0 =	sor.u32 s5, s0;
	_ =	swait.ge [sflag:s29], $0x4000  }
0x243: {  	s30 =	simm.s32 $0x1C000;
	s0 =	sshrl.u32 s0, $0x3;
	[sflag:s29] =	ssyncset.done $0x0  }
0x244: {  	s12 =	sshll.u32 s1, $0x3;
	s0 =	sadd.s32 s2, s0;
	[sflag:s29] =	ssyncadd.s32 $0xFFFFC000  }
0x245: {  	[hbm4b:s0+s3] =	stream.linear.scatter [tilespmem:s30], [sflag:$0x3], $0x10, $0x38;
	[tilespmem:$0x1C080] =	vst v63  }
0x246: {  	s0 =	sand.u32 $0xFFFFFC00, s12  }
0x247: {  	s1 =	sand.u32 $0x70, s1;
	s0 =	sadd.s32 s4, s0  }
0x248: {  	s0 =	sor.u32 s1, s0  }
0x249: {  	s25 =	ssub.s32 s7, s8;
	_ =	swait.ge [sflag:s31], $0x10;
	s0 =	sor.u32 s6, s0  }
0x24a: {  	s8 =	sshll.u32 s25, $0x3;
	[sflag:s31] =	ssyncset.done $0x0;
	s0 =	sshrl.u32 s0, $0x3  }
0x24b: {  	s30 =	simm.s32 $0x1C010;
	[sflag:s31] =	ssyncadd.s32 $0xFFFFFFF0;
	s0 =	sadd.s32 s2, s0  }
0x24c: {  	[hbm4b:s0+s3] =	stream.linear.scatter [tilespmem:s30], [sflag:$0x3], $0x10, $0x38;
	[tilespmem:$0x1C080] =	vst v63  }
0x24d: {  	s0 =	sand.u32 $0xFFFFFC00, s8  }
0x24e: {  	s1 =	sand.u32 $0x70, s25;
	s0 =	sadd.s32 s4, s0  }
0x24f: {  	s0 =	sor.u32 s1, s0  }
0x250: {  	_ =	swait.ge [sflag:s31], $0x10;
	s0 =	sor.u32 s11, s0  }
0x251: {  	s10 =	simm.s32 $0x1C020;
	[sflag:s31] =	ssyncset.done $0x0;
	s0 =	sshrl.u32 s0, $0x3  }
0x252: {  	s12 =	sshll.u32 s9, $0x3;
	[sflag:s31] =	ssyncadd.s32 $0xFFFFFFF0;
	s0 =	sadd.s32 s2, s0  }
0x253: {  	[hbm4b:s0+s3] =	stream.linear.scatter [tilespmem:s10], [sflag:$0x3], $0x10, $0x38;
	[tilespmem:$0x1C080] =	vst v63  }
0x254: {  	s0 =	sand.u32 $0xFFFFFC00, s12  }
0x255: {  	s25 =	sand.u32 $0x70, s9;
	s0 =	sadd.s32 s4, s0  }
0x256: {  	s28 =	sadd.s32 $0x1, s28;
	s0 =	sor.u32 s25, s0  }
0x257: {  	p0 =	sne.s32 s28, s21;
	_ =	swait.ge [sflag:s31], $0x10;
	s0 =	sor.u32 s13, s0  }
0x258: {  	s30 =	simm.s32 $0x1C030;
	[sflag:s31] =	ssyncset.done $0x0;
	s0 =	sshrl.u32 s0, $0x3  }
.Ltmp5:
0x259: {  	[sflag:s31] =	ssyncadd.s32 $0xFFFFFFF0;
	s0 =	sadd.s32 s2, s0;
	(pc) =	sbr.rel @p0 .LBB2_1-.Ltmp5, $4  }
0x25a: {  	[hbm4b:s0+s3] =	stream.linear.scatter [tilespmem:s30], [sflag:$0x3], $0x10, $0x38;
	[tilespmem:$0x1C080] =	vst v63  }
0x25b: {  	_ =	swait.ge [sflag:s31], $0x10  }
0x25c: {  	[sflag:s31] =	ssyncset.done $0x0  }
0x25d: {  	[sflag:s31] =	ssyncadd.s32 $0xFFFFFFF0  }
0x25e: {  	_ =	sfence.sel $0x180000  }
0x25f: {  	[bflag:$0x0] =	sbarrier.arrive $0xFFFF  }
0x260: {  	_ =	strace $0x90000047  }
0x261: {  	s0 =	stileid.u32;
	[bflag:$0x2] =	sbarrier.arrive $0xFFFF  }
0x262: {  	p0 =	sne.s32 s0, $0x0;
	s0 =	rddreg [dreg:$0x2]  }
0x263: {  	s0 =	sadd.s32 @!p0 $0x100000, s0  }
0x264: {  	[sflag:s0] =	ssyncadd.tile.s32 @!p0 $0x1;
	_ =	shalt  }
.Lfunc_end2:
_tile_overlayer_lowered:
.L_overlay_start_2:
0x265: {  	(tag) =	ssettag $0x2  }
0x266: {  	s0 =	rddreg [dreg:$0x0];
	s2 =	stileid.u32  }
0x267: {  	s1 =	rddreg [dreg:$0x1];
	p0 =	sne.s32 s2, $0x0  }
0x268: {  	s3 =	rddreg [dreg:$0x2];
	[bflag:$0x3] =	sbarrier.arrive $0xFFFF;
	s2 =	simm.s32 @!p0 $0x1C03  }
0x269: {  	[timem:s3], [sflag:s2] =	dma.local @!p0 [hbm:s0], s1  }
0x26a: {  	s0 =	simm.s32 @!p0 $0x3  }
0x26b: {  	_ =	swait.ge @!p0 [sflag:s0], s1  }
0x26c: {  	s1 =	ssub.s32 @!p0 $0x0, s1;
	[sflag:s0] =	ssyncset.done @!p0 $0x0  }
0x26d: {  	[sflag:s0] =	ssyncadd.s32 @!p0 s1  }
0x26e: {  	[bflag:$0x3] =	sbarrier.arrive $0xFFFF  }
0x26f: {  	_ =	shalt  }

</sc_bundles>
